<compile_context>
chip_gen: v7x
topology: tpu7x:2x2x1
jax: 0.10.2.dev20260603
libtpu: 0.0.44.dev20260713+nightly
codegen_flags: <defaults>
</compile_context>

<pallas_src>
import functools

import jax
import jax.numpy as jnp
from jax import lax
from jax.experimental import pallas as pl
from jax.experimental.pallas import tpu as pltpu
from jax.experimental.pallas import tpu_sc as plsc

N = 100000
P = 150
F = 4
L = 16
NC, NS = 2, 16
NW = NC * NS
RT = 3200
NG = RT // L
LAST_BASE = 96896
LAST_STORE = N - LAST_BASE
UNROLL = 2


def _rsqrt(x, iters):
    i = lax.bitcast_convert_type(x, jnp.int32)
    i = jnp.int32(0x5F3759DF) - (i >> 1)
    y = lax.bitcast_convert_type(i, jnp.float32)
    for _ in range(iters):
        y = y * (1.5 - 0.5 * x * y * y)
    return y


def _sc_body(lft, ptT, xout, yout, sbuf, dist, db, pbx, pby, pax, pay,
             obx, oby, b0, b1, b2, s0, s1, s2):
    wid = lax.axis_index("s") * NC + lax.axis_index("c")
    last = wid == NW - 1
    base = jnp.where(last, LAST_BASE, wid * RT)

    pltpu.sync_copy(ptT.at[:, pl.ds(base, RT)], sbuf)

    bufs = [b0, b1, b2]
    sems = [s0, s1, s2]
    iota = lax.iota(jnp.int32, L)
    zf = jnp.zeros((L,), jnp.float32)

    def issue(j, slot):
        pltpu.async_copy(lft.at[j, :, pl.ds(base, RT)], bufs[slot],
                         sems[slot])

    def wait(slot):
        pltpu.make_async_copy(
            lft.at[0, :, pl.ds(0, RT)], bufs[slot], sems[slot]).wait()

    def step(cur, prv, first=False, last_pt=False, unroll=UNROLL):
        @plsc.parallel_loop(0, NG, unroll=unroll)
        def _(g):
            sl = pl.ds(g * L, L)
            x = bufs[cur][0, sl]
            y = bufs[cur][1, sl]
            px = bufs[prv][0, sl]
            py = bufs[prv][1, sl]
            S = sbuf[0, sl]
            d0 = zf if first else dist[sl]
            dx = x - px
            dy = y - py
            ssq = jnp.maximum(dx * dx + dy * dy, 1e-30)
            ln = ssq * _rsqrt(ssq, 2)
            dn = d0 + ln
            fire = (S >= d0) & (S < dn)
            u = fire | (S >= dn) if last_pt else fire
            if not last_pt:
                dist[sl] = dn
            idxs = iota + g * L
            plsc.store_scatter(db, [idxs], d0, mask=u)
            plsc.store_scatter(pbx, [idxs], px, mask=u)
            plsc.store_scatter(pby, [idxs], py, mask=u)
            plsc.store_scatter(pax, [idxs], x, mask=u)
            plsc.store_scatter(pay, [idxs], y, mask=u)

    issue(0, 0)
    issue(1, 1)
    issue(2, 2)
    wait(0)
    wait(1)
    step(1, 0, first=True)
    issue(3, 0)

    def outer(i, _):
        for k in range(3):
            j = 3 * i + 2 + k
            slot = (2 + k) % 3
            prv = (1 + k) % 3
            wait(slot)
            step(slot, prv)
            issue(j + 2, (k + 1) % 3)
        return 0

    lax.fori_loop(0, 48, outer, 0)

    for j in (146, 147, 148, 149):
        slot = j % 3
        wait(slot)
        step(slot, (j - 1) % 3, last_pt=(j == 149), unroll=1)
        if j + 2 <= 149:
            issue(j + 2, (j + 2) % 3)

    @plsc.parallel_loop(0, NG, unroll=1)
    def _(g):
        sl = pl.ds(g * L, L)
        S = sbuf[0, sl]
        d = db[sl]
        bx = pbx[sl]
        by = pby[sl]
        vx = pax[sl] - bx
        vy = pay[sl] - by
        m2 = jnp.maximum(vx * vx + vy * vy, 1e-30)
        r = _rsqrt(m2, 3)
        t = (S - d) * r
        obx[sl] = bx + t * vx
        oby[sl] = by + t * vy

    @pl.when(jnp.logical_not(last))
    def _():
        pltpu.sync_copy(obx, xout.at[pl.ds(base, RT)])
        pltpu.sync_copy(oby, yout.at[pl.ds(base, RT)])

    @pl.when(last)
    def _():
        pltpu.sync_copy(obx.at[pl.ds(0, LAST_STORE)],
                        xout.at[pl.ds(LAST_BASE, LAST_STORE)])
        pltpu.sync_copy(oby.at[pl.ds(0, LAST_STORE)],
                        yout.at[pl.ds(LAST_BASE, LAST_STORE)])


@jax.jit
def _sl_to_xy(lft, ptT):
    mesh = plsc.VectorSubcoreMesh(core_axis_name="c", subcore_axis_name="s",
                                  num_cores=NC, num_subcores=NS)
    run = functools.partial(
        pl.kernel,
        out_type=(jax.ShapeDtypeStruct((N,), jnp.float32),
                  jax.ShapeDtypeStruct((N,), jnp.float32)),
        mesh=mesh,
        compiler_params=pltpu.CompilerParams(needs_layout_passes=False),
        scratch_types=(
            [pltpu.VMEM((2, RT), jnp.float32)]
            + [pltpu.VMEM((RT,), jnp.float32) for _ in range(8)]
            + [pltpu.VMEM((F, RT), jnp.float32) for _ in range(3)]
            + [pltpu.SemaphoreType.DMA] * 3
        ),
    )(_sc_body)
    return run(lft, ptT)


def kernel(lane_features, pt_sl):
    lft = lane_features.transpose(1, 2, 0)
    ptT = pt_sl.T
    X, Y = _sl_to_xy(lft, ptT)
    return jnp.stack([X, Y], axis=1)

# --- scband reference (transcript-rebuilt; emitter-appended) ---
"""Pipeline reference for scband-slto-xy-25675314495798 (READ-ONLY COPY).

The authoritative reference and input builder live on the scoring server;
editing this copy changes nothing except your own understanding.
"""

import jax, jax.numpy as jnp
import numpy as np


def setup_inputs(seed: int = 0) -> dict:
    key = jax.random.key(seed)
    k1, k2 = jax.random.split(key)
    lane_features = jax.random.normal(k1, (100000, 150, 4), dtype=jnp.float32)
    pt_sl = jax.random.uniform(k2, (100000, 2), dtype=jnp.float32)
    return {"lane_features": lane_features, "pt_sl": pt_sl}


def reference(lane_features, pt_sl):
    N = lane_features.shape[0]
    num_lane_pt = lane_features.shape[1]
    diffs = jnp.sqrt(jnp.sum((lane_features[:, 1:, :2] - lane_features[:, :-1, :2]) ** 2, axis=2))
    lane_pt_spacing = jnp.zeros((N, num_lane_pt), dtype=lane_features.dtype).at[:, 1:].set(diffs)
    lane_pt_dist = jnp.cumsum(lane_pt_spacing, axis=1)
    mask_front = pt_sl[:, 0] < lane_pt_dist[:, 1]
    mask_back = pt_sl[:, 0] > lane_pt_dist[:, -2]
    mask_middle = jnp.logical_and(jnp.logical_not(mask_front), jnp.logical_not(mask_back))
    idx_before = jnp.zeros((N,), dtype=jnp.float32)
    idx_before = jnp.where(mask_back, jnp.float32(num_lane_pt - 2), idx_before)
    S = pt_sl[:, 0].reshape(N, 1)
    S_repeated = jnp.repeat(S, num_lane_pt, axis=1)
    s_mask_bool = S_repeated < lane_pt_dist
    s_mask = s_mask_bool[:, 1:].astype(jnp.int32) - s_mask_bool[:, :-1].astype(jnp.int32)
    s_idx = jnp.argmax(s_mask, axis=1)
    idx_before = jnp.where(mask_middle, s_idx.astype(jnp.float32), idx_before)
    idx_before = idx_before.astype(jnp.int32)
    idx_after = idx_before + 1
    ar = jnp.arange(N)
    pt_before = lane_features[ar, idx_before, :2]
    pt_after = lane_features[ar, idx_after, :2]
    s_actual = S - lane_pt_dist[ar, idx_before].reshape(N, 1)
    line_seg_vec = pt_after - pt_before
    line_seg_vec_mag = jnp.sqrt(jnp.sum(line_seg_vec ** 2, axis=1)).reshape(N, 1)
    line_seg_vec_unit = line_seg_vec / jnp.repeat(line_seg_vec_mag, 2, axis=1)
    XY = pt_before + s_actual * line_seg_vec_unit
    return XY

if __name__ == "__main__":
    import jax
    _d = setup_inputs()
    print(jax.jit(kernel)(*tuple(_d.values())))

</pallas_src>

<mosaic_0001>
#map = affine_map<(d0, d1) -> (0, 0, 0)>
#map1 = affine_map<(d0, d1) -> (0, 0)>
#map2 = affine_map<(d0, d1) -> (0)>
module attributes {stable_mosaic.version = 14 : i64} {
  func.func @_sc_body(%arg0: i32, %arg1: i32, %arg2: memref<150x4x100000xf32, #tpu.memory_space<hbm>>, %arg3: memref<2x100000xf32, #tpu.memory_space<hbm>>, %arg4: memref<100000xf32, #tpu.memory_space<hbm>>, %arg5: memref<100000xf32, #tpu.memory_space<hbm>>, %arg6: memref<2x3200xf32, #tpu.memory_space<vmem>>, %arg7: memref<3200xf32, #tpu.memory_space<vmem>>, %arg8: memref<3200xf32, #tpu.memory_space<vmem>>, %arg9: memref<3200xf32, #tpu.memory_space<vmem>>, %arg10: memref<3200xf32, #tpu.memory_space<vmem>>, %arg11: memref<3200xf32, #tpu.memory_space<vmem>>, %arg12: memref<3200xf32, #tpu.memory_space<vmem>>, %arg13: memref<3200xf32, #tpu.memory_space<vmem>>, %arg14: memref<3200xf32, #tpu.memory_space<vmem>>, %arg15: memref<4x3200xf32, #tpu.memory_space<vmem>>, %arg16: memref<4x3200xf32, #tpu.memory_space<vmem>>, %arg17: memref<4x3200xf32, #tpu.memory_space<vmem>>, %arg18: memref<!tpu.dma_semaphore, #tpu.memory_space<semaphore_mem>>, %arg19: memref<!tpu.dma_semaphore, #tpu.memory_space<semaphore_mem>>, %arg20: memref<!tpu.dma_semaphore, #tpu.memory_space<semaphore_mem>>) attributes {dimension_semantics = [#tpu.dimension_semantics<core_parallel>, #tpu.dimension_semantics<subcore_parallel>], iteration_bounds = array<i64: 2, 16>, scalar_prefetch = 0 : i64, scratch_operands = 15 : i64, tpu.core_type = #tpu.core_type<sc_vector_subcore>, window_params = [{transform_indices = #map}, {transform_indices = #map1}, {transform_indices = #map2}, {transform_indices = #map2}]} {
    %mul3A = arith.constant 2 : i32
    %mul3A_0 = arith.muli %arg1, %mul3A : i32
    %add3A = arith.addi %mul3A_0, %arg0 : i32
    %eq3A = arith.constant 31 : i32
    %eq3A_1 = arith.cmpi eq, %add3A, %eq3A : i32
    %mul3A_2 = arith.constant 3200 : i32
    %mul3A_3 = arith.muli %add3A, %mul3A_2 : i32
    %jit3A = arith.constant 96896 : i32
    %select_n3A = arith.select %eq3A_1, %jit3A, %mul3A_3 : i32
    "tpu.region"() ({
      %run_scoped3A = tpu.sem_alloc : memref<!tpu.dma_semaphore, #tpu.memory_space<semaphore_mem>>
      %dma_start3A_127 = arith.constant 0 : i32
      %dma_start3A_128 = tpu.memref_slice %arg3[%dma_start3A_127, %select_n3A] : memref<2x100000xf32, #tpu.memory_space<hbm>> -> memref<2x3200xf32, #tpu.memory_space<hbm>>
      %dma_start3A_129 = arith.constant 0 : i32
      %dma_start3A_130 = tpu.memref_slice %arg3[%dma_start3A_129, %select_n3A] : memref<2x100000xf32, #tpu.memory_space<hbm>> -> memref<2x3200xf32, #tpu.memory_space<hbm>>
      tpu.enqueue_dma source(%dma_start3A_130 : memref<2x3200xf32, #tpu.memory_space<hbm>>) target(%arg6 : memref<2x3200xf32, #tpu.memory_space<vmem>>) target_semaphore(%run_scoped3A : memref<!tpu.dma_semaphore, #tpu.memory_space<semaphore_mem>>)
      %dma_wait3A_131 = arith.constant 0 : i32
      %dma_wait3A_132 = tpu.memref_slice %arg3[%dma_wait3A_131, %select_n3A] : memref<2x100000xf32, #tpu.memory_space<hbm>> -> memref<2x3200xf32, #tpu.memory_space<hbm>>
      %dma_wait3A_133 = arith.constant 0 : i32
      %dma_wait3A_134 = tpu.memref_slice %arg3[%dma_wait3A_133, %select_n3A] : memref<2x100000xf32, #tpu.memory_space<hbm>> -> memref<2x3200xf32, #tpu.memory_space<hbm>>
      tpu.wait_dma2 semaphore(%run_scoped3A : memref<!tpu.dma_semaphore, #tpu.memory_space<semaphore_mem>>) src(%dma_wait3A_134 : memref<2x3200xf32, #tpu.memory_space<hbm>>) dst(%arg6 : memref<2x3200xf32, #tpu.memory_space<vmem>>)
      tpu.yield
    }) : () -> ()
    %iota3A = tpu.iota {dimensions = array<i32: 0>} : vector<16xi32>
    %broadcast_in_dim3A = arith.constant 0.000000e+00 : f32
    %broadcast_in_dim3A_4 = vector.broadcast %broadcast_in_dim3A : f32 to vector<16xf32>
    %dma_start3A = arith.constant 0 : i32
    %dma_start3A_5 = arith.constant 0 : i32
    %dma_start3A_6 = tpu.memref_slice %arg2[%dma_start3A, %dma_start3A_5, %select_n3A] : memref<150x4x100000xf32, #tpu.memory_space<hbm>> -> memref<1x4x3200xf32, #tpu.memory_space<hbm>>
    %dma_start3A_7 = tpu.memref_squeeze %dma_start3A_6 : memref<1x4x3200xf32, #tpu.memory_space<hbm>> -> memref<4x3200xf32, #tpu.memory_space<hbm>>
    %dma_start3A_8 = arith.constant 0 : i32
    %dma_start3A_9 = tpu.memref_slice %arg2[%dma_start3A, %dma_start3A_8, %select_n3A] : memref<150x4x100000xf32, #tpu.memory_space<hbm>> -> memref<1x4x3200xf32, #tpu.memory_space<hbm>>
    %dma_start3A_10 = tpu.memref_squeeze %dma_start3A_9 : memref<1x4x3200xf32, #tpu.memory_space<hbm>> -> memref<4x3200xf32, #tpu.memory_space<hbm>>
    tpu.enqueue_dma source(%dma_start3A_10 : memref<4x3200xf32, #tpu.memory_space<hbm>>) target(%arg15 : memref<4x3200xf32, #tpu.memory_space<vmem>>) target_semaphore(%arg18 : memref<!tpu.dma_semaphore, #tpu.memory_space<semaphore_mem>>)
    %dma_start3A_11 = arith.constant 1 : i32
    %dma_start3A_12 = arith.constant 0 : i32
    %dma_start3A_13 = tpu.memref_slice %arg2[%dma_start3A_11, %dma_start3A_12, %select_n3A] : memref<150x4x100000xf32, #tpu.memory_space<hbm>> -> memref<1x4x3200xf32, #tpu.memory_space<hbm>>
    %dma_start3A_14 = tpu.memref_squeeze %dma_start3A_13 : memref<1x4x3200xf32, #tpu.memory_space<hbm>> -> memref<4x3200xf32, #tpu.memory_space<hbm>>
    %dma_start3A_15 = arith.constant 0 : i32
    %dma_start3A_16 = tpu.memref_slice %arg2[%dma_start3A_11, %dma_start3A_15, %select_n3A] : memref<150x4x100000xf32, #tpu.memory_space<hbm>> -> memref<1x4x3200xf32, #tpu.memory_space<hbm>>
    %dma_start3A_17 = tpu.memref_squeeze %dma_start3A_16 : memref<1x4x3200xf32, #tpu.memory_space<hbm>> -> memref<4x3200xf32, #tpu.memory_space<hbm>>
    tpu.enqueue_dma source(%dma_start3A_17 : memref<4x3200xf32, #tpu.memory_space<hbm>>) target(%arg16 : memref<4x3200xf32, #tpu.memory_space<vmem>>) target_semaphore(%arg19 : memref<!tpu.dma_semaphore, #tpu.memory_space<semaphore_mem>>)
    %dma_start3A_18 = arith.constant 2 : i32
    %dma_start3A_19 = arith.constant 0 : i32
    %dma_start3A_20 = tpu.memref_slice %arg2[%dma_start3A_18, %dma_start3A_19, %select_n3A] : memref<150x4x100000xf32, #tpu.memory_space<hbm>> -> memref<1x4x3200xf32, #tpu.memory_space<hbm>>
    %dma_start3A_21 = tpu.memref_squeeze %dma_start3A_20 : memref<1x4x3200xf32, #tpu.memory_space<hbm>> -> memref<4x3200xf32, #tpu.memory_space<hbm>>
    %dma_start3A_22 = arith.constant 0 : i32
    %dma_start3A_23 = tpu.memref_slice %arg2[%dma_start3A_18, %dma_start3A_22, %select_n3A] : memref<150x4x100000xf32, #tpu.memory_space<hbm>> -> memref<1x4x3200xf32, #tpu.memory_space<hbm>>
    %dma_start3A_24 = tpu.memref_squeeze %dma_start3A_23 : memref<1x4x3200xf32, #tpu.memory_space<hbm>> -> memref<4x3200xf32, #tpu.memory_space<hbm>>
    tpu.enqueue_dma source(%dma_start3A_24 : memref<4x3200xf32, #tpu.memory_space<hbm>>) target(%arg17 : memref<4x3200xf32, #tpu.memory_space<vmem>>) target_semaphore(%arg20 : memref<!tpu.dma_semaphore, #tpu.memory_space<semaphore_mem>>)
    %dma_wait3A = arith.constant 0 : i32
    %dma_wait3A_25 = arith.constant 0 : i32
    %dma_wait3A_26 = arith.constant 0 : i32
    %dma_wait3A_27 = tpu.memref_slice %arg2[%dma_wait3A, %dma_wait3A_25, %dma_wait3A_26] : memref<150x4x100000xf32, #tpu.memory_space<hbm>> -> memref<1x4x3200xf32, #tpu.memory_space<hbm>>
    %dma_wait3A_28 = tpu.memref_squeeze %dma_wait3A_27 : memref<1x4x3200xf32, #tpu.memory_space<hbm>> -> memref<4x3200xf32, #tpu.memory_space<hbm>>
    %dma_wait3A_29 = arith.constant 0 : i32
    %dma_wait3A_30 = arith.constant 0 : i32
    %dma_wait3A_31 = tpu.memref_slice %arg2[%dma_wait3A, %dma_wait3A_29, %dma_wait3A_30] : memref<150x4x100000xf32, #tpu.memory_space<hbm>> -> memref<1x4x3200xf32, #tpu.memory_space<hbm>>
    %dma_wait3A_32 = tpu.memref_squeeze %dma_wait3A_31 : memref<1x4x3200xf32, #tpu.memory_space<hbm>> -> memref<4x3200xf32, #tpu.memory_space<hbm>>
    tpu.wait_dma2 semaphore(%arg18 : memref<!tpu.dma_semaphore, #tpu.memory_space<semaphore_mem>>) src(%dma_wait3A_32 : memref<4x3200xf32, #tpu.memory_space<hbm>>) dst(%arg15 : memref<4x3200xf32, #tpu.memory_space<vmem>>)
    %dma_wait3A_33 = arith.constant 0 : i32
    %dma_wait3A_34 = arith.constant 0 : i32
    %dma_wait3A_35 = arith.constant 0 : i32
    %dma_wait3A_36 = tpu.memref_slice %arg2[%dma_wait3A_33, %dma_wait3A_34, %dma_wait3A_35] : memref<150x4x100000xf32, #tpu.memory_space<hbm>> -> memref<1x4x3200xf32, #tpu.memory_space<hbm>>
    %dma_wait3A_37 = tpu.memref_squeeze %dma_wait3A_36 : memref<1x4x3200xf32, #tpu.memory_space<hbm>> -> memref<4x3200xf32, #tpu.memory_space<hbm>>
    %dma_wait3A_38 = arith.constant 0 : i32
    %dma_wait3A_39 = arith.constant 0 : i32
    %dma_wait3A_40 = tpu.memref_slice %arg2[%dma_wait3A_33, %dma_wait3A_38, %dma_wait3A_39] : memref<150x4x100000xf32, #tpu.memory_space<hbm>> -> memref<1x4x3200xf32, #tpu.memory_space<hbm>>
    %dma_wait3A_41 = tpu.memref_squeeze %dma_wait3A_40 : memref<1x4x3200xf32, #tpu.memory_space<hbm>> -> memref<4x3200xf32, #tpu.memory_space<hbm>>
    tpu.wait_dma2 semaphore(%arg19 : memref<!tpu.dma_semaphore, #tpu.memory_space<semaphore_mem>>) src(%dma_wait3A_41 : memref<4x3200xf32, #tpu.memory_space<hbm>>) dst(%arg16 : memref<4x3200xf32, #tpu.memory_space<vmem>>)
    %parallel_loop3A = arith.constant 0 : i32
    %parallel_loop3A_42 = arith.constant 200 : i32
    %parallel_loop3A_43 = arith.constant 1 : i32
    scf.for %parallel_loop3A_127 = %parallel_loop3A to %parallel_loop3A_42 step %parallel_loop3A_43  : i32 {
      %parallel_loop3A_128 = arith.constant 16 : i32
      %parallel_loop3A_129 = arith.muli %parallel_loop3A_127, %parallel_loop3A_128 : i32
      %parallel_loop3A_130 = arith.constant 0 : i32
      %parallel_loop3A_131 = arith.index_cast %parallel_loop3A_130 : i32 to index
      %parallel_loop3A_132 = arith.index_cast %parallel_loop3A_129 : i32 to index
      %parallel_loop3A_133 = tpu.vector_load %arg16[%parallel_loop3A_131, %parallel_loop3A_132] {strides = array<i32>} : memref<4x3200xf32, #tpu.memory_space<vmem>>, vector<16xf32>,
      %parallel_loop3A_134 = arith.constant 1 : i32
      %parallel_loop3A_135 = arith.index_cast %parallel_loop3A_134 : i32 to index
      %parallel_loop3A_136 = arith.index_cast %parallel_loop3A_129 : i32 to index
      %parallel_loop3A_137 = tpu.vector_load %arg16[%parallel_loop3A_135, %parallel_loop3A_136] {strides = array<i32>} : memref<4x3200xf32, #tpu.memory_space<vmem>>, vector<16xf32>,
      %parallel_loop3A_138 = arith.constant 0 : i32
      %parallel_loop3A_139 = arith.index_cast %parallel_loop3A_138 : i32 to index
      %parallel_loop3A_140 = arith.index_cast %parallel_loop3A_129 : i32 to index
      %parallel_loop3A_141 = tpu.vector_load %arg15[%parallel_loop3A_139, %parallel_loop3A_140] {strides = array<i32>} : memref<4x3200xf32, #tpu.memory_space<vmem>>, vector<16xf32>,
      %parallel_loop3A_142 = arith.constant 1 : i32
      %parallel_loop3A_143 = arith.index_cast %parallel_loop3A_142 : i32 to index
      %parallel_loop3A_144 = arith.index_cast %parallel_loop3A_129 : i32 to index
      %parallel_loop3A_145 = tpu.vector_load %arg15[%parallel_loop3A_143, %parallel_loop3A_144] {strides = array<i32>} : memref<4x3200xf32, #tpu.memory_space<vmem>>, vector<16xf32>,
      %parallel_loop3A_146 = arith.constant 0 : i32
      %parallel_loop3A_147 = arith.index_cast %parallel_loop3A_146 : i32 to index
      %parallel_loop3A_148 = arith.index_cast %parallel_loop3A_129 : i32 to index
      %parallel_loop3A_149 = tpu.vector_load %arg6[%parallel_loop3A_147, %parallel_loop3A_148] {strides = array<i32>} : memref<2x3200xf32, #tpu.memory_space<vmem>>, vector<16xf32>,
      %parallel_loop3A_150 = arith.subf %parallel_loop3A_133, %parallel_loop3A_141 : vector<16xf32>
      %parallel_loop3A_151 = arith.subf %parallel_loop3A_137, %parallel_loop3A_145 : vector<16xf32>
      %parallel_loop3A_152 = arith.mulf %parallel_loop3A_150, %parallel_loop3A_150 : vector<16xf32>
      %parallel_loop3A_153 = arith.mulf %parallel_loop3A_151, %parallel_loop3A_151 : vector<16xf32>
      %parallel_loop3A_154 = arith.addf %parallel_loop3A_152, %parallel_loop3A_153 : vector<16xf32>
      %parallel_loop3A_155 = arith.constant 1.000000e-30 : f32
      %parallel_loop3A_156 = vector.broadcast %parallel_loop3A_155 : f32 to vector<16xf32>
      %parallel_loop3A_157 = arith.maximumf %parallel_loop3A_154, %parallel_loop3A_156 : vector<16xf32>
      %parallel_loop3A_158 = tpu.bitcast %parallel_loop3A_157 : vector<16xf32> -> vector<16xi32>
      %parallel_loop3A_159 = arith.constant 1 : i32
      %parallel_loop3A_160 = vector.broadcast %parallel_loop3A_159 : i32 to vector<16xi32>
      %parallel_loop3A_161 = arith.shrsi %parallel_loop3A_158, %parallel_loop3A_160 : vector<16xi32>
      %parallel_loop3A_162 = arith.constant 1597463007 : i32
      %parallel_loop3A_163 = vector.broadcast %parallel_loop3A_162 : i32 to vector<16xi32>
      %parallel_loop3A_164 = arith.subi %parallel_loop3A_163, %parallel_loop3A_161 : vector<16xi32>
      %parallel_loop3A_165 = tpu.bitcast %parallel_loop3A_164 : vector<16xi32> -> vector<16xf32>
      %parallel_loop3A_166 = arith.constant 5.000000e-01 : f32
      %parallel_loop3A_167 = vector.broadcast %parallel_loop3A_166 : f32 to vector<16xf32>
      %parallel_loop3A_168 = arith.mulf %parallel_loop3A_167, %parallel_loop3A_157 : vector<16xf32>
      %parallel_loop3A_169 = arith.mulf %parallel_loop3A_168, %parallel_loop3A_165 : vector<16xf32>
      %parallel_loop3A_170 = arith.mulf %parallel_loop3A_169, %parallel_loop3A_165 : vector<16xf32>
      %parallel_loop3A_171 = arith.constant 1.500000e+00 : f32
      %parallel_loop3A_172 = vector.broadcast %parallel_loop3A_171 : f32 to vector<16xf32>
      %parallel_loop3A_173 = arith.subf %parallel_loop3A_172, %parallel_loop3A_170 : vector<16xf32>
      %parallel_loop3A_174 = arith.mulf %parallel_loop3A_165, %parallel_loop3A_173 : vector<16xf32>
      %parallel_loop3A_175 = arith.constant 5.000000e-01 : f32
      %parallel_loop3A_176 = vector.broadcast %parallel_loop3A_175 : f32 to vector<16xf32>
      %parallel_loop3A_177 = arith.mulf %parallel_loop3A_176, %parallel_loop3A_157 : vector<16xf32>
      %parallel_loop3A_178 = arith.mulf %parallel_loop3A_177, %parallel_loop3A_174 : vector<16xf32>
      %parallel_loop3A_179 = arith.mulf %parallel_loop3A_178, %parallel_loop3A_174 : vector<16xf32>
      %parallel_loop3A_180 = arith.constant 1.500000e+00 : f32
      %parallel_loop3A_181 = vector.broadcast %parallel_loop3A_180 : f32 to vector<16xf32>
      %parallel_loop3A_182 = arith.subf %parallel_loop3A_181, %parallel_loop3A_179 : vector<16xf32>
      %parallel_loop3A_183 = arith.mulf %parallel_loop3A_174, %parallel_loop3A_182 : vector<16xf32>
      %parallel_loop3A_184 = arith.mulf %parallel_loop3A_157, %parallel_loop3A_183 : vector<16xf32>
      %parallel_loop3A_185 = arith.addf %broadcast_in_dim3A_4, %parallel_loop3A_184 : vector<16xf32>
      %parallel_loop3A_186 = arith.cmpf oge, %parallel_loop3A_149, %broadcast_in_dim3A_4 : vector<16xf32>
      %parallel_loop3A_187 = arith.cmpf olt, %parallel_loop3A_149, %parallel_loop3A_185 : vector<16xf32>
      %parallel_loop3A_188 = arith.andi %parallel_loop3A_186, %parallel_loop3A_187 : vector<16xi1>
      %parallel_loop3A_189 = arith.index_cast %parallel_loop3A_129 : i32 to index
      %parallel_loop3A_190 = tpu.vector_load %arg7[%parallel_loop3A_189] {strides = array<i32>} : memref<3200xf32, #tpu.memory_space<vmem>>, vector<16xf32>,
      tpu.vector_store %arg7[%parallel_loop3A_189], %parallel_loop3A_185 {strides = array<i32>} : memref<3200xf32, #tpu.memory_space<vmem>>, vector<16xf32>,
      %parallel_loop3A_191 = arith.constant 16 : i32
      %parallel_loop3A_192 = arith.muli %parallel_loop3A_127, %parallel_loop3A_191 : i32
      %parallel_loop3A_193 = vector.broadcast %parallel_loop3A_192 : i32 to vector<16xi32>
      %parallel_loop3A_194 = arith.addi %iota3A, %parallel_loop3A_193 : vector<16xi32>
      tpu.vector_store_idx %arg8[%parallel_loop3A_194], %broadcast_in_dim3A_4 masked %parallel_loop3A_188 : memref<3200xf32, #tpu.memory_space<vmem>>[vector<16xi32>], vector<16xf32>, vector<16xi1>
      tpu.vector_store_idx %arg9[%parallel_loop3A_194], %parallel_loop3A_141 masked %parallel_loop3A_188 : memref<3200xf32, #tpu.memory_space<vmem>>[vector<16xi32>], vector<16xf32>, vector<16xi1>
      tpu.vector_store_idx %arg10[%parallel_loop3A_194], %parallel_loop3A_145 masked %parallel_loop3A_188 : memref<3200xf32, #tpu.memory_space<vmem>>[vector<16xi32>], vector<16xf32>, vector<16xi1>
      tpu.vector_store_idx %arg11[%parallel_loop3A_194], %parallel_loop3A_133 masked %parallel_loop3A_188 : memref<3200xf32, #tpu.memory_space<vmem>>[vector<16xi32>], vector<16xf32>, vector<16xi1>
      tpu.vector_store_idx %arg12[%parallel_loop3A_194], %parallel_loop3A_137 masked %parallel_loop3A_188 : memref<3200xf32, #tpu.memory_space<vmem>>[vector<16xi32>], vector<16xf32>, vector<16xi1>
    } {sc.loop_unroll_factor = 2 : i64, sc.parallel_access}
    %dma_start3A_44 = arith.constant 3 : i32
    %dma_start3A_45 = arith.constant 0 : i32
    %dma_start3A_46 = tpu.memref_slice %arg2[%dma_start3A_44, %dma_start3A_45, %select_n3A] : memref<150x4x100000xf32, #tpu.memory_space<hbm>> -> memref<1x4x3200xf32, #tpu.memory_space<hbm>>
    %dma_start3A_47 = tpu.memref_squeeze %dma_start3A_46 : memref<1x4x3200xf32, #tpu.memory_space<hbm>> -> memref<4x3200xf32, #tpu.memory_space<hbm>>
    %dma_start3A_48 = arith.constant 0 : i32
    %dma_start3A_49 = tpu.memref_slice %arg2[%dma_start3A_44, %dma_start3A_48, %select_n3A] : memref<150x4x100000xf32, #tpu.memory_space<hbm>> -> memref<1x4x3200xf32, #tpu.memory_space<hbm>>
    %dma_start3A_50 = tpu.memref_squeeze %dma_start3A_49 : memref<1x4x3200xf32, #tpu.memory_space<hbm>> -> memref<4x3200xf32, #tpu.memory_space<hbm>>
    tpu.enqueue_dma source(%dma_start3A_50 : memref<4x3200xf32, #tpu.memory_space<hbm>>) target(%arg15 : memref<4x3200xf32, #tpu.memory_space<vmem>>) target_semaphore(%arg18 : memref<!tpu.dma_semaphore, #tpu.memory_space<semaphore_mem>>)
    %scan3A = arith.constant 0 : i32
    %scan3A_51 = arith.constant 0 : i32
    %scan3A_52 = arith.constant 48 : i32
    %scan3A_53 = arith.addi %scan3A_51, %scan3A_52 : i32
    %scan3A_54 = arith.constant 1 : i32
    %scan3A_55 = scf.for %scan3A_127 = %scan3A_51 to %scan3A_53 step %scan3A_54 iter_args(%scan3A_128 = %scan3A) -> (i32)  : i32 {
      %mul3A_129 = arith.constant 3 : i32
      %mul3A_130 = arith.muli %mul3A_129, %scan3A_127 : i32
      %add3A_131 = arith.constant 2 : i32
      %add3A_132 = arith.addi %mul3A_130, %add3A_131 : i32
      %add3A_133 = arith.constant 0 : i32
      %add3A_134 = arith.addi %add3A_132, %add3A_133 : i32
      %dma_wait3A_135 = arith.constant 0 : i32
      %dma_wait3A_136 = arith.constant 0 : i32
      %dma_wait3A_137 = arith.constant 0 : i32
      %dma_wait3A_138 = tpu.memref_slice %arg2[%dma_wait3A_135, %dma_wait3A_136, %dma_wait3A_137] : memref<150x4x100000xf32, #tpu.memory_space<hbm>> -> memref<1x4x3200xf32, #tpu.memory_space<hbm>>
      %dma_wait3A_139 = tpu.memref_squeeze %dma_wait3A_138 : memref<1x4x3200xf32, #tpu.memory_space<hbm>> -> memref<4x3200xf32, #tpu.memory_space<hbm>>
      %dma_wait3A_140 = arith.constant 0 : i32
      %dma_wait3A_141 = arith.constant 0 : i32
      %dma_wait3A_142 = tpu.memref_slice %arg2[%dma_wait3A_135, %dma_wait3A_140, %dma_wait3A_141] : memref<150x4x100000xf32, #tpu.memory_space<hbm>> -> memref<1x4x3200xf32, #tpu.memory_space<hbm>>
      %dma_wait3A_143 = tpu.memref_squeeze %dma_wait3A_142 : memref<1x4x3200xf32, #tpu.memory_space<hbm>> -> memref<4x3200xf32, #tpu.memory_space<hbm>>
      tpu.wait_dma2 semaphore(%arg20 : memref<!tpu.dma_semaphore, #tpu.memory_space<semaphore_mem>>) src(%dma_wait3A_143 : memref<4x3200xf32, #tpu.memory_space<hbm>>) dst(%arg17 : memref<4x3200xf32, #tpu.memory_space<vmem>>)
      %parallel_loop3A_144 = arith.constant 0 : i32
      %parallel_loop3A_145 = arith.constant 200 : i32
      %parallel_loop3A_146 = arith.constant 1 : i32
      scf.for %parallel_loop3A_208 = %parallel_loop3A_144 to %parallel_loop3A_145 step %parallel_loop3A_146  : i32 {
        %parallel_loop3A_209 = arith.constant 16 : i32
        %parallel_loop3A_210 = arith.muli %parallel_loop3A_208, %parallel_loop3A_209 : i32
        %parallel_loop3A_211 = arith.constant 0 : i32
        %parallel_loop3A_212 = arith.index_cast %parallel_loop3A_211 : i32 to index
        %parallel_loop3A_213 = arith.index_cast %parallel_loop3A_210 : i32 to index
        %parallel_loop3A_214 = tpu.vector_load %arg17[%parallel_loop3A_212, %parallel_loop3A_213] {strides = array<i32>} : memref<4x3200xf32, #tpu.memory_space<vmem>>, vector<16xf32>,
        %parallel_loop3A_215 = arith.constant 1 : i32
        %parallel_loop3A_216 = arith.index_cast %parallel_loop3A_215 : i32 to index
        %parallel_loop3A_217 = arith.index_cast %parallel_loop3A_210 : i32 to index
        %parallel_loop3A_218 = tpu.vector_load %arg17[%parallel_loop3A_216, %parallel_loop3A_217] {strides = array<i32>} : memref<4x3200xf32, #tpu.memory_space<vmem>>, vector<16xf32>,
        %parallel_loop3A_219 = arith.constant 0 : i32
        %parallel_loop3A_220 = arith.index_cast %parallel_loop3A_219 : i32 to index
        %parallel_loop3A_221 = arith.index_cast %parallel_loop3A_210 : i32 to index
        %parallel_loop3A_222 = tpu.vector_load %arg16[%parallel_loop3A_220, %parallel_loop3A_221] {strides = array<i32>} : memref<4x3200xf32, #tpu.memory_space<vmem>>, vector<16xf32>,
        %parallel_loop3A_223 = arith.constant 1 : i32
        %parallel_loop3A_224 = arith.index_cast %parallel_loop3A_223 : i32 to index
        %parallel_loop3A_225 = arith.index_cast %parallel_loop3A_210 : i32 to index
        %parallel_loop3A_226 = tpu.vector_load %arg16[%parallel_loop3A_224, %parallel_loop3A_225] {strides = array<i32>} : memref<4x3200xf32, #tpu.memory_space<vmem>>, vector<16xf32>,
        %parallel_loop3A_227 = arith.constant 0 : i32
        %parallel_loop3A_228 = arith.index_cast %parallel_loop3A_227 : i32 to index
        %parallel_loop3A_229 = arith.index_cast %parallel_loop3A_210 : i32 to index
        %parallel_loop3A_230 = tpu.vector_load %arg6[%parallel_loop3A_228, %parallel_loop3A_229] {strides = array<i32>} : memref<2x3200xf32, #tpu.memory_space<vmem>>, vector<16xf32>,
        %parallel_loop3A_231 = arith.index_cast %parallel_loop3A_210 : i32 to index
        %parallel_loop3A_232 = tpu.vector_load %arg7[%parallel_loop3A_231] {strides = array<i32>} : memref<3200xf32, #tpu.memory_space<vmem>>, vector<16xf32>,
        %parallel_loop3A_233 = arith.subf %parallel_loop3A_214, %parallel_loop3A_222 : vector<16xf32>
        %parallel_loop3A_234 = arith.subf %parallel_loop3A_218, %parallel_loop3A_226 : vector<16xf32>
        %parallel_loop3A_235 = arith.mulf %parallel_loop3A_233, %parallel_loop3A_233 : vector<16xf32>
        %parallel_loop3A_236 = arith.mulf %parallel_loop3A_234, %parallel_loop3A_234 : vector<16xf32>
        %parallel_loop3A_237 = arith.addf %parallel_loop3A_235, %parallel_loop3A_236 : vector<16xf32>
        %parallel_loop3A_238 = arith.constant 1.000000e-30 : f32
        %parallel_loop3A_239 = vector.broadcast %parallel_loop3A_238 : f32 to vector<16xf32>
        %parallel_loop3A_240 = arith.maximumf %parallel_loop3A_237, %parallel_loop3A_239 : vector<16xf32>
        %parallel_loop3A_241 = tpu.bitcast %parallel_loop3A_240 : vector<16xf32> -> vector<16xi32>
        %parallel_loop3A_242 = arith.constant 1 : i32
        %parallel_loop3A_243 = vector.broadcast %parallel_loop3A_242 : i32 to vector<16xi32>
        %parallel_loop3A_244 = arith.shrsi %parallel_loop3A_241, %parallel_loop3A_243 : vector<16xi32>
        %parallel_loop3A_245 = arith.constant 1597463007 : i32
        %parallel_loop3A_246 = vector.broadcast %parallel_loop3A_245 : i32 to vector<16xi32>
        %parallel_loop3A_247 = arith.subi %parallel_loop3A_246, %parallel_loop3A_244 : vector<16xi32>
        %parallel_loop3A_248 = tpu.bitcast %parallel_loop3A_247 : vector<16xi32> -> vector<16xf32>
        %parallel_loop3A_249 = arith.constant 5.000000e-01 : f32
        %parallel_loop3A_250 = vector.broadcast %parallel_loop3A_249 : f32 to vector<16xf32>
        %parallel_loop3A_251 = arith.mulf %parallel_loop3A_250, %parallel_loop3A_240 : vector<16xf32>
        %parallel_loop3A_252 = arith.mulf %parallel_loop3A_251, %parallel_loop3A_248 : vector<16xf32>
        %parallel_loop3A_253 = arith.mulf %parallel_loop3A_252, %parallel_loop3A_248 : vector<16xf32>
        %parallel_loop3A_254 = arith.constant 1.500000e+00 : f32
        %parallel_loop3A_255 = vector.broadcast %parallel_loop3A_254 : f32 to vector<16xf32>
        %parallel_loop3A_256 = arith.subf %parallel_loop3A_255, %parallel_loop3A_253 : vector<16xf32>
        %parallel_loop3A_257 = arith.mulf %parallel_loop3A_248, %parallel_loop3A_256 : vector<16xf32>
        %parallel_loop3A_258 = arith.constant 5.000000e-01 : f32
        %parallel_loop3A_259 = vector.broadcast %parallel_loop3A_258 : f32 to vector<16xf32>
        %parallel_loop3A_260 = arith.mulf %parallel_loop3A_259, %parallel_loop3A_240 : vector<16xf32>
        %parallel_loop3A_261 = arith.mulf %parallel_loop3A_260, %parallel_loop3A_257 : vector<16xf32>
        %parallel_loop3A_262 = arith.mulf %parallel_loop3A_261, %parallel_loop3A_257 : vector<16xf32>
        %parallel_loop3A_263 = arith.constant 1.500000e+00 : f32
        %parallel_loop3A_264 = vector.broadcast %parallel_loop3A_263 : f32 to vector<16xf32>
        %parallel_loop3A_265 = arith.subf %parallel_loop3A_264, %parallel_loop3A_262 : vector<16xf32>
        %parallel_loop3A_266 = arith.mulf %parallel_loop3A_257, %parallel_loop3A_265 : vector<16xf32>
        %parallel_loop3A_267 = arith.mulf %parallel_loop3A_240, %parallel_loop3A_266 : vector<16xf32>
        %parallel_loop3A_268 = arith.addf %parallel_loop3A_232, %parallel_loop3A_267 : vector<16xf32>
        %parallel_loop3A_269 = arith.cmpf oge, %parallel_loop3A_230, %parallel_loop3A_232 : vector<16xf32>
        %parallel_loop3A_270 = arith.cmpf olt, %parallel_loop3A_230, %parallel_loop3A_268 : vector<16xf32>
        %parallel_loop3A_271 = arith.andi %parallel_loop3A_269, %parallel_loop3A_270 : vector<16xi1>
        %parallel_loop3A_272 = arith.index_cast %parallel_loop3A_210 : i32 to index
        %parallel_loop3A_273 = tpu.vector_load %arg7[%parallel_loop3A_272] {strides = array<i32>} : memref<3200xf32, #tpu.memory_space<vmem>>, vector<16xf32>,
        tpu.vector_store %arg7[%parallel_loop3A_272], %parallel_loop3A_268 {strides = array<i32>} : memref<3200xf32, #tpu.memory_space<vmem>>, vector<16xf32>,
        %parallel_loop3A_274 = arith.constant 16 : i32
        %parallel_loop3A_275 = arith.muli %parallel_loop3A_208, %parallel_loop3A_274 : i32
        %parallel_loop3A_276 = vector.broadcast %parallel_loop3A_275 : i32 to vector<16xi32>
        %parallel_loop3A_277 = arith.addi %iota3A, %parallel_loop3A_276 : vector<16xi32>
        tpu.vector_store_idx %arg8[%parallel_loop3A_277], %parallel_loop3A_232 masked %parallel_loop3A_271 : memref<3200xf32, #tpu.memory_space<vmem>>[vector<16xi32>], vector<16xf32>, vector<16xi1>
        tpu.vector_store_idx %arg9[%parallel_loop3A_277], %parallel_loop3A_222 masked %parallel_loop3A_271 : memref<3200xf32, #tpu.memory_space<vmem>>[vector<16xi32>], vector<16xf32>, vector<16xi1>
        tpu.vector_store_idx %arg10[%parallel_loop3A_277], %parallel_loop3A_226 masked %parallel_loop3A_271 : memref<3200xf32, #tpu.memory_space<vmem>>[vector<16xi32>], vector<16xf32>, vector<16xi1>
        tpu.vector_store_idx %arg11[%parallel_loop3A_277], %parallel_loop3A_214 masked %parallel_loop3A_271 : memref<3200xf32, #tpu.memory_space<vmem>>[vector<16xi32>], vector<16xf32>, vector<16xi1>
        tpu.vector_store_idx %arg12[%parallel_loop3A_277], %parallel_loop3A_218 masked %parallel_loop3A_271 : memref<3200xf32, #tpu.memory_space<vmem>>[vector<16xi32>], vector<16xf32>, vector<16xi1>
      } {sc.loop_unroll_factor = 2 : i64, sc.parallel_access}
      %add3A_147 = arith.constant 2 : i32
      %add3A_148 = arith.addi %add3A_134, %add3A_147 : i32
      %dma_start3A_149 = arith.constant 0 : i32
      %dma_start3A_150 = tpu.memref_slice %arg2[%add3A_148, %dma_start3A_149, %select_n3A] : memref<150x4x100000xf32, #tpu.memory_space<hbm>> -> memref<1x4x3200xf32, #tpu.memory_space<hbm>>
      %dma_start3A_151 = tpu.memref_squeeze %dma_start3A_150 : memref<1x4x3200xf32, #tpu.memory_space<hbm>> -> memref<4x3200xf32, #tpu.memory_space<hbm>>
      %dma_start3A_152 = arith.constant 0 : i32
      %dma_start3A_153 = tpu.memref_slice %arg2[%add3A_148, %dma_start3A_152, %select_n3A] : memref<150x4x100000xf32, #tpu.memory_space<hbm>> -> memref<1x4x3200xf32, #tpu.memory_space<hbm>>
      %dma_start3A_154 = tpu.memref_squeeze %dma_start3A_153 : memref<1x4x3200xf32, #tpu.memory_space<hbm>> -> memref<4x3200xf32, #tpu.memory_space<hbm>>
      tpu.enqueue_dma source(%dma_start3A_154 : memref<4x3200xf32, #tpu.memory_space<hbm>>) target(%arg16 : memref<4x3200xf32, #tpu.memory_space<vmem>>) target_semaphore(%arg19 : memref<!tpu.dma_semaphore, #tpu.memory_space<semaphore_mem>>)
      %mul3A_155 = arith.constant 3 : i32
      %mul3A_156 = arith.muli %mul3A_155, %scan3A_127 : i32
      %add3A_157 = arith.constant 2 : i32
      %add3A_158 = arith.addi %mul3A_156, %add3A_157 : i32
      %add3A_159 = arith.constant 1 : i32
      %add3A_160 = arith.addi %add3A_158, %add3A_159 : i32
      %dma_wait3A_161 = arith.constant 0 : i32
      %dma_wait3A_162 = arith.constant 0 : i32
      %dma_wait3A_163 = arith.constant 0 : i32
      %dma_wait3A_164 = tpu.memref_slice %arg2[%dma_wait3A_161, %dma_wait3A_162, %dma_wait3A_163] : memref<150x4x100000xf32, #tpu.memory_space<hbm>> -> memref<1x4x3200xf32, #tpu.memory_space<hbm>>
      %dma_wait3A_165 = tpu.memref_squeeze %dma_wait3A_164 : memref<1x4x3200xf32, #tpu.memory_space<hbm>> -> memref<4x3200xf32, #tpu.memory_space<hbm>>
      %dma_wait3A_166 = arith.constant 0 : i32
      %dma_wait3A_167 = arith.constant 0 : i32
      %dma_wait3A_168 = tpu.memref_slice %arg2[%dma_wait3A_161, %dma_wait3A_166, %dma_wait3A_167] : memref<150x4x100000xf32, #tpu.memory_space<hbm>> -> memref<1x4x3200xf32, #tpu.memory_space<hbm>>
      %dma_wait3A_169 = tpu.memref_squeeze %dma_wait3A_168 : memref<1x4x3200xf32, #tpu.memory_space<hbm>> -> memref<4x3200xf32, #tpu.memory_space<hbm>>
      tpu.wait_dma2 semaphore(%arg18 : memref<!tpu.dma_semaphore, #tpu.memory_space<semaphore_mem>>) src(%dma_wait3A_169 : memref<4x3200xf32, #tpu.memory_space<hbm>>) dst(%arg15 : memref<4x3200xf32, #tpu.memory_space<vmem>>)
      %parallel_loop3A_170 = arith.constant 0 : i32
      %parallel_loop3A_171 = arith.constant 200 : i32
      %parallel_loop3A_172 = arith.constant 1 : i32
      scf.for %parallel_loop3A_208 = %parallel_loop3A_170 to %parallel_loop3A_171 step %parallel_loop3A_172  : i32 {
        %parallel_loop3A_209 = arith.constant 16 : i32
        %parallel_loop3A_210 = arith.muli %parallel_loop3A_208, %parallel_loop3A_209 : i32
        %parallel_loop3A_211 = arith.constant 0 : i32
        %parallel_loop3A_212 = arith.index_cast %parallel_loop3A_211 : i32 to index
        %parallel_loop3A_213 = arith.index_cast %parallel_loop3A_210 : i32 to index
        %parallel_loop3A_214 = tpu.vector_load %arg15[%parallel_loop3A_212, %parallel_loop3A_213] {strides = array<i32>} : memref<4x3200xf32, #tpu.memory_space<vmem>>, vector<16xf32>,
        %parallel_loop3A_215 = arith.constant 1 : i32
        %parallel_loop3A_216 = arith.index_cast %parallel_loop3A_215 : i32 to index
        %parallel_loop3A_217 = arith.index_cast %parallel_loop3A_210 : i32 to index
        %parallel_loop3A_218 = tpu.vector_load %arg15[%parallel_loop3A_216, %parallel_loop3A_217] {strides = array<i32>} : memref<4x3200xf32, #tpu.memory_space<vmem>>, vector<16xf32>,
        %parallel_loop3A_219 = arith.constant 0 : i32
        %parallel_loop3A_220 = arith.index_cast %parallel_loop3A_219 : i32 to index
        %parallel_loop3A_221 = arith.index_cast %parallel_loop3A_210 : i32 to index
        %parallel_loop3A_222 = tpu.vector_load %arg17[%parallel_loop3A_220, %parallel_loop3A_221] {strides = array<i32>} : memref<4x3200xf32, #tpu.memory_space<vmem>>, vector<16xf32>,
        %parallel_loop3A_223 = arith.constant 1 : i32
        %parallel_loop3A_224 = arith.index_cast %parallel_loop3A_223 : i32 to index
        %parallel_loop3A_225 = arith.index_cast %parallel_loop3A_210 : i32 to index
        %parallel_loop3A_226 = tpu.vector_load %arg17[%parallel_loop3A_224, %parallel_loop3A_225] {strides = array<i32>} : memref<4x3200xf32, #tpu.memory_space<vmem>>, vector<16xf32>,
        %parallel_loop3A_227 = arith.constant 0 : i32
        %parallel_loop3A_228 = arith.index_cast %parallel_loop3A_227 : i32 to index
        %parallel_loop3A_229 = arith.index_cast %parallel_loop3A_210 : i32 to index
        %parallel_loop3A_230 = tpu.vector_load %arg6[%parallel_loop3A_228, %parallel_loop3A_229] {strides = array<i32>} : memref<2x3200xf32, #tpu.memory_space<vmem>>, vector<16xf32>,
        %parallel_loop3A_231 = arith.index_cast %parallel_loop3A_210 : i32 to index
        %parallel_loop3A_232 = tpu.vector_load %arg7[%parallel_loop3A_231] {strides = array<i32>} : memref<3200xf32, #tpu.memory_space<vmem>>, vector<16xf32>,
        %parallel_loop3A_233 = arith.subf %parallel_loop3A_214, %parallel_loop3A_222 : vector<16xf32>
        %parallel_loop3A_234 = arith.subf %parallel_loop3A_218, %parallel_loop3A_226 : vector<16xf32>
        %parallel_loop3A_235 = arith.mulf %parallel_loop3A_233, %parallel_loop3A_233 : vector<16xf32>
        %parallel_loop3A_236 = arith.mulf %parallel_loop3A_234, %parallel_loop3A_234 : vector<16xf32>
        %parallel_loop3A_237 = arith.addf %parallel_loop3A_235, %parallel_loop3A_236 : vector<16xf32>
        %parallel_loop3A_238 = arith.constant 1.000000e-30 : f32
        %parallel_loop3A_239 = vector.broadcast %parallel_loop3A_238 : f32 to vector<16xf32>
        %parallel_loop3A_240 = arith.maximumf %parallel_loop3A_237, %parallel_loop3A_239 : vector<16xf32>
        %parallel_loop3A_241 = tpu.bitcast %parallel_loop3A_240 : vector<16xf32> -> vector<16xi32>
        %parallel_loop3A_242 = arith.constant 1 : i32
        %parallel_loop3A_243 = vector.broadcast %parallel_loop3A_242 : i32 to vector<16xi32>
        %parallel_loop3A_244 = arith.shrsi %parallel_loop3A_241, %parallel_loop3A_243 : vector<16xi32>
        %parallel_loop3A_245 = arith.constant 1597463007 : i32
        %parallel_loop3A_246 = vector.broadcast %parallel_loop3A_245 : i32 to vector<16xi32>
        %parallel_loop3A_247 = arith.subi %parallel_loop3A_246, %parallel_loop3A_244 : vector<16xi32>
        %parallel_loop3A_248 = tpu.bitcast %parallel_loop3A_247 : vector<16xi32> -> vector<16xf32>
        %parallel_loop3A_249 = arith.constant 5.000000e-01 : f32
        %parallel_loop3A_250 = vector.broadcast %parallel_loop3A_249 : f32 to vector<16xf32>
        %parallel_loop3A_251 = arith.mulf %parallel_loop3A_250, %parallel_loop3A_240 : vector<16xf32>
        %parallel_loop3A_252 = arith.mulf %parallel_loop3A_251, %parallel_loop3A_248 : vector<16xf32>
        %parallel_loop3A_253 = arith.mulf %parallel_loop3A_252, %parallel_loop3A_248 : vector<16xf32>
        %parallel_loop3A_254 = arith.constant 1.500000e+00 : f32
        %parallel_loop3A_255 = vector.broadcast %parallel_loop3A_254 : f32 to vector<16xf32>
        %parallel_loop3A_256 = arith.subf %parallel_loop3A_255, %parallel_loop3A_253 : vector<16xf32>
        %parallel_loop3A_257 = arith.mulf %parallel_loop3A_248, %parallel_loop3A_256 : vector<16xf32>
        %parallel_loop3A_258 = arith.constant 5.000000e-01 : f32
        %parallel_loop3A_259 = vector.broadcast %parallel_loop3A_258 : f32 to vector<16xf32>
        %parallel_loop3A_260 = arith.mulf %parallel_loop3A_259, %parallel_loop3A_240 : vector<16xf32>
        %parallel_loop3A_261 = arith.mulf %parallel_loop3A_260, %parallel_loop3A_257 : vector<16xf32>
        %parallel_loop3A_262 = arith.mulf %parallel_loop3A_261, %parallel_loop3A_257 : vector<16xf32>
        %parallel_loop3A_263 = arith.constant 1.500000e+00 : f32
        %parallel_loop3A_264 = vector.broadcast %parallel_loop3A_263 : f32 to vector<16xf32>
        %parallel_loop3A_265 = arith.subf %parallel_loop3A_264, %parallel_loop3A_262 : vector<16xf32>
        %parallel_loop3A_266 = arith.mulf %parallel_loop3A_257, %parallel_loop3A_265 : vector<16xf32>
        %parallel_loop3A_267 = arith.mulf %parallel_loop3A_240, %parallel_loop3A_266 : vector<16xf32>
        %parallel_loop3A_268 = arith.addf %parallel_loop3A_232, %parallel_loop3A_267 : vector<16xf32>
        %parallel_loop3A_269 = arith.cmpf oge, %parallel_loop3A_230, %parallel_loop3A_232 : vector<16xf32>
        %parallel_loop3A_270 = arith.cmpf olt, %parallel_loop3A_230, %parallel_loop3A_268 : vector<16xf32>
        %parallel_loop3A_271 = arith.andi %parallel_loop3A_269, %parallel_loop3A_270 : vector<16xi1>
        %parallel_loop3A_272 = arith.index_cast %parallel_loop3A_210 : i32 to index
        %parallel_loop3A_273 = tpu.vector_load %arg7[%parallel_loop3A_272] {strides = array<i32>} : memref<3200xf32, #tpu.memory_space<vmem>>, vector<16xf32>,
        tpu.vector_store %arg7[%parallel_loop3A_272], %parallel_loop3A_268 {strides = array<i32>} : memref<3200xf32, #tpu.memory_space<vmem>>, vector<16xf32>,
        %parallel_loop3A_274 = arith.constant 16 : i32
        %parallel_loop3A_275 = arith.muli %parallel_loop3A_208, %parallel_loop3A_274 : i32
        %parallel_loop3A_276 = vector.broadcast %parallel_loop3A_275 : i32 to vector<16xi32>
        %parallel_loop3A_277 = arith.addi %iota3A, %parallel_loop3A_276 : vector<16xi32>
        tpu.vector_store_idx %arg8[%parallel_loop3A_277], %parallel_loop3A_232 masked %parallel_loop3A_271 : memref<3200xf32, #tpu.memory_space<vmem>>[vector<16xi32>], vector<16xf32>, vector<16xi1>
        tpu.vector_store_idx %arg9[%parallel_loop3A_277], %parallel_loop3A_222 masked %parallel_loop3A_271 : memref<3200xf32, #tpu.memory_space<vmem>>[vector<16xi32>], vector<16xf32>, vector<16xi1>
        tpu.vector_store_idx %arg10[%parallel_loop3A_277], %parallel_loop3A_226 masked %parallel_loop3A_271 : memref<3200xf32, #tpu.memory_space<vmem>>[vector<16xi32>], vector<16xf32>, vector<16xi1>
        tpu.vector_store_idx %arg11[%parallel_loop3A_277], %parallel_loop3A_214 masked %parallel_loop3A_271 : memref<3200xf32, #tpu.memory_space<vmem>>[vector<16xi32>], vector<16xf32>, vector<16xi1>
        tpu.vector_store_idx %arg12[%parallel_loop3A_277], %parallel_loop3A_218 masked %parallel_loop3A_271 : memref<3200xf32, #tpu.memory_space<vmem>>[vector<16xi32>], vector<16xf32>, vector<16xi1>
      } {sc.loop_unroll_factor = 2 : i64, sc.parallel_access}
      %add3A_173 = arith.constant 2 : i32
      %add3A_174 = arith.addi %add3A_160, %add3A_173 : i32
      %dma_start3A_175 = arith.constant 0 : i32
      %dma_start3A_176 = tpu.memref_slice %arg2[%add3A_174, %dma_start3A_175, %select_n3A] : memref<150x4x100000xf32, #tpu.memory_space<hbm>> -> memref<1x4x3200xf32, #tpu.memory_space<hbm>>
      %dma_start3A_177 = tpu.memref_squeeze %dma_start3A_176 : memref<1x4x3200xf32, #tpu.memory_space<hbm>> -> memref<4x3200xf32, #tpu.memory_space<hbm>>
      %dma_start3A_178 = arith.constant 0 : i32
      %dma_start3A_179 = tpu.memref_slice %arg2[%add3A_174, %dma_start3A_178, %select_n3A] : memref<150x4x100000xf32, #tpu.memory_space<hbm>> -> memref<1x4x3200xf32, #tpu.memory_space<hbm>>
      %dma_start3A_180 = tpu.memref_squeeze %dma_start3A_179 : memref<1x4x3200xf32, #tpu.memory_space<hbm>> -> memref<4x3200xf32, #tpu.memory_space<hbm>>
      tpu.enqueue_dma source(%dma_start3A_180 : memref<4x3200xf32, #tpu.memory_space<hbm>>) target(%arg17 : memref<4x3200xf32, #tpu.memory_space<vmem>>) target_semaphore(%arg20 : memref<!tpu.dma_semaphore, #tpu.memory_space<semaphore_mem>>)
      %mul3A_181 = arith.constant 3 : i32
      %mul3A_182 = arith.muli %mul3A_181, %scan3A_127 : i32
      %add3A_183 = arith.constant 2 : i32
      %add3A_184 = arith.addi %mul3A_182, %add3A_183 : i32
      %add3A_185 = arith.constant 2 : i32
      %add3A_186 = arith.addi %add3A_184, %add3A_185 : i32
      %dma_wait3A_187 = arith.constant 0 : i32
      %dma_wait3A_188 = arith.constant 0 : i32
      %dma_wait3A_189 = arith.constant 0 : i32
      %dma_wait3A_190 = tpu.memref_slice %arg2[%dma_wait3A_187, %dma_wait3A_188, %dma_wait3A_189] : memref<150x4x100000xf32, #tpu.memory_space<hbm>> -> memref<1x4x3200xf32, #tpu.memory_space<hbm>>
      %dma_wait3A_191 = tpu.memref_squeeze %dma_wait3A_190 : memref<1x4x3200xf32, #tpu.memory_space<hbm>> -> memref<4x3200xf32, #tpu.memory_space<hbm>>
      %dma_wait3A_192 = arith.constant 0 : i32
      %dma_wait3A_193 = arith.constant 0 : i32
      %dma_wait3A_194 = tpu.memref_slice %arg2[%dma_wait3A_187, %dma_wait3A_192, %dma_wait3A_193] : memref<150x4x100000xf32, #tpu.memory_space<hbm>> -> memref<1x4x3200xf32, #tpu.memory_space<hbm>>
      %dma_wait3A_195 = tpu.memref_squeeze %dma_wait3A_194 : memref<1x4x3200xf32, #tpu.memory_space<hbm>> -> memref<4x3200xf32, #tpu.memory_space<hbm>>
      tpu.wait_dma2 semaphore(%arg19 : memref<!tpu.dma_semaphore, #tpu.memory_space<semaphore_mem>>) src(%dma_wait3A_195 : memref<4x3200xf32, #tpu.memory_space<hbm>>) dst(%arg16 : memref<4x3200xf32, #tpu.memory_space<vmem>>)
      %parallel_loop3A_196 = arith.constant 0 : i32
      %parallel_loop3A_197 = arith.constant 200 : i32
      %parallel_loop3A_198 = arith.constant 1 : i32
      scf.for %parallel_loop3A_208 = %parallel_loop3A_196 to %parallel_loop3A_197 step %parallel_loop3A_198  : i32 {
        %parallel_loop3A_209 = arith.constant 16 : i32
        %parallel_loop3A_210 = arith.muli %parallel_loop3A_208, %parallel_loop3A_209 : i32
        %parallel_loop3A_211 = arith.constant 0 : i32
        %parallel_loop3A_212 = arith.index_cast %parallel_loop3A_211 : i32 to index
        %parallel_loop3A_213 = arith.index_cast %parallel_loop3A_210 : i32 to index
        %parallel_loop3A_214 = tpu.vector_load %arg16[%parallel_loop3A_212, %parallel_loop3A_213] {strides = array<i32>} : memref<4x3200xf32, #tpu.memory_space<vmem>>, vector<16xf32>,
        %parallel_loop3A_215 = arith.constant 1 : i32
        %parallel_loop3A_216 = arith.index_cast %parallel_loop3A_215 : i32 to index
        %parallel_loop3A_217 = arith.index_cast %parallel_loop3A_210 : i32 to index
        %parallel_loop3A_218 = tpu.vector_load %arg16[%parallel_loop3A_216, %parallel_loop3A_217] {strides = array<i32>} : memref<4x3200xf32, #tpu.memory_space<vmem>>, vector<16xf32>,
        %parallel_loop3A_219 = arith.constant 0 : i32
        %parallel_loop3A_220 = arith.index_cast %parallel_loop3A_219 : i32 to index
        %parallel_loop3A_221 = arith.index_cast %parallel_loop3A_210 : i32 to index
        %parallel_loop3A_222 = tpu.vector_load %arg15[%parallel_loop3A_220, %parallel_loop3A_221] {strides = array<i32>} : memref<4x3200xf32, #tpu.memory_space<vmem>>, vector<16xf32>,
        %parallel_loop3A_223 = arith.constant 1 : i32
        %parallel_loop3A_224 = arith.index_cast %parallel_loop3A_223 : i32 to index
        %parallel_loop3A_225 = arith.index_cast %parallel_loop3A_210 : i32 to index
        %parallel_loop3A_226 = tpu.vector_load %arg15[%parallel_loop3A_224, %parallel_loop3A_225] {strides = array<i32>} : memref<4x3200xf32, #tpu.memory_space<vmem>>, vector<16xf32>,
        %parallel_loop3A_227 = arith.constant 0 : i32
        %parallel_loop3A_228 = arith.index_cast %parallel_loop3A_227 : i32 to index
        %parallel_loop3A_229 = arith.index_cast %parallel_loop3A_210 : i32 to index
        %parallel_loop3A_230 = tpu.vector_load %arg6[%parallel_loop3A_228, %parallel_loop3A_229] {strides = array<i32>} : memref<2x3200xf32, #tpu.memory_space<vmem>>, vector<16xf32>,
        %parallel_loop3A_231 = arith.index_cast %parallel_loop3A_210 : i32 to index
        %parallel_loop3A_232 = tpu.vector_load %arg7[%parallel_loop3A_231] {strides = array<i32>} : memref<3200xf32, #tpu.memory_space<vmem>>, vector<16xf32>,
        %parallel_loop3A_233 = arith.subf %parallel_loop3A_214, %parallel_loop3A_222 : vector<16xf32>
        %parallel_loop3A_234 = arith.subf %parallel_loop3A_218, %parallel_loop3A_226 : vector<16xf32>
        %parallel_loop3A_235 = arith.mulf %parallel_loop3A_233, %parallel_loop3A_233 : vector<16xf32>
        %parallel_loop3A_236 = arith.mulf %parallel_loop3A_234, %parallel_loop3A_234 : vector<16xf32>
        %parallel_loop3A_237 = arith.addf %parallel_loop3A_235, %parallel_loop3A_236 : vector<16xf32>
        %parallel_loop3A_238 = arith.constant 1.000000e-30 : f32
        %parallel_loop3A_239 = vector.broadcast %parallel_loop3A_238 : f32 to vector<16xf32>
        %parallel_loop3A_240 = arith.maximumf %parallel_loop3A_237, %parallel_loop3A_239 : vector<16xf32>
        %parallel_loop3A_241 = tpu.bitcast %parallel_loop3A_240 : vector<16xf32> -> vector<16xi32>
        %parallel_loop3A_242 = arith.constant 1 : i32
        %parallel_loop3A_243 = vector.broadcast %parallel_loop3A_242 : i32 to vector<16xi32>
        %parallel_loop3A_244 = arith.shrsi %parallel_loop3A_241, %parallel_loop3A_243 : vector<16xi32>
        %parallel_loop3A_245 = arith.constant 1597463007 : i32
        %parallel_loop3A_246 = vector.broadcast %parallel_loop3A_245 : i32 to vector<16xi32>
        %parallel_loop3A_247 = arith.subi %parallel_loop3A_246, %parallel_loop3A_244 : vector<16xi32>
        %parallel_loop3A_248 = tpu.bitcast %parallel_loop3A_247 : vector<16xi32> -> vector<16xf32>
        %parallel_loop3A_249 = arith.constant 5.000000e-01 : f32
        %parallel_loop3A_250 = vector.broadcast %parallel_loop3A_249 : f32 to vector<16xf32>
        %parallel_loop3A_251 = arith.mulf %parallel_loop3A_250, %parallel_loop3A_240 : vector<16xf32>
        %parallel_loop3A_252 = arith.mulf %parallel_loop3A_251, %parallel_loop3A_248 : vector<16xf32>
        %parallel_loop3A_253 = arith.mulf %parallel_loop3A_252, %parallel_loop3A_248 : vector<16xf32>
        %parallel_loop3A_254 = arith.constant 1.500000e+00 : f32
        %parallel_loop3A_255 = vector.broadcast %parallel_loop3A_254 : f32 to vector<16xf32>
        %parallel_loop3A_256 = arith.subf %parallel_loop3A_255, %parallel_loop3A_253 : vector<16xf32>
        %parallel_loop3A_257 = arith.mulf %parallel_loop3A_248, %parallel_loop3A_256 : vector<16xf32>
        %parallel_loop3A_258 = arith.constant 5.000000e-01 : f32
        %parallel_loop3A_259 = vector.broadcast %parallel_loop3A_258 : f32 to vector<16xf32>
        %parallel_loop3A_260 = arith.mulf %parallel_loop3A_259, %parallel_loop3A_240 : vector<16xf32>
        %parallel_loop3A_261 = arith.mulf %parallel_loop3A_260, %parallel_loop3A_257 : vector<16xf32>
        %parallel_loop3A_262 = arith.mulf %parallel_loop3A_261, %parallel_loop3A_257 : vector<16xf32>
        %parallel_loop3A_263 = arith.constant 1.500000e+00 : f32
        %parallel_loop3A_264 = vector.broadcast %parallel_loop3A_263 : f32 to vector<16xf32>
        %parallel_loop3A_265 = arith.subf %parallel_loop3A_264, %parallel_loop3A_262 : vector<16xf32>
        %parallel_loop3A_266 = arith.mulf %parallel_loop3A_257, %parallel_loop3A_265 : vector<16xf32>
        %parallel_loop3A_267 = arith.mulf %parallel_loop3A_240, %parallel_loop3A_266 : vector<16xf32>
        %parallel_loop3A_268 = arith.addf %parallel_loop3A_232, %parallel_loop3A_267 : vector<16xf32>
        %parallel_loop3A_269 = arith.cmpf oge, %parallel_loop3A_230, %parallel_loop3A_232 : vector<16xf32>
        %parallel_loop3A_270 = arith.cmpf olt, %parallel_loop3A_230, %parallel_loop3A_268 : vector<16xf32>
        %parallel_loop3A_271 = arith.andi %parallel_loop3A_269, %parallel_loop3A_270 : vector<16xi1>
        %parallel_loop3A_272 = arith.index_cast %parallel_loop3A_210 : i32 to index
        %parallel_loop3A_273 = tpu.vector_load %arg7[%parallel_loop3A_272] {strides = array<i32>} : memref<3200xf32, #tpu.memory_space<vmem>>, vector<16xf32>,
        tpu.vector_store %arg7[%parallel_loop3A_272], %parallel_loop3A_268 {strides = array<i32>} : memref<3200xf32, #tpu.memory_space<vmem>>, vector<16xf32>,
        %parallel_loop3A_274 = arith.constant 16 : i32
        %parallel_loop3A_275 = arith.muli %parallel_loop3A_208, %parallel_loop3A_274 : i32
        %parallel_loop3A_276 = vector.broadcast %parallel_loop3A_275 : i32 to vector<16xi32>
        %parallel_loop3A_277 = arith.addi %iota3A, %parallel_loop3A_276 : vector<16xi32>
        tpu.vector_store_idx %arg8[%parallel_loop3A_277], %parallel_loop3A_232 masked %parallel_loop3A_271 : memref<3200xf32, #tpu.memory_space<vmem>>[vector<16xi32>], vector<16xf32>, vector<16xi1>
        tpu.vector_store_idx %arg9[%parallel_loop3A_277], %parallel_loop3A_222 masked %parallel_loop3A_271 : memref<3200xf32, #tpu.memory_space<vmem>>[vector<16xi32>], vector<16xf32>, vector<16xi1>
        tpu.vector_store_idx %arg10[%parallel_loop3A_277], %parallel_loop3A_226 masked %parallel_loop3A_271 : memref<3200xf32, #tpu.memory_space<vmem>>[vector<16xi32>], vector<16xf32>, vector<16xi1>
        tpu.vector_store_idx %arg11[%parallel_loop3A_277], %parallel_loop3A_214 masked %parallel_loop3A_271 : memref<3200xf32, #tpu.memory_space<vmem>>[vector<16xi32>], vector<16xf32>, vector<16xi1>
        tpu.vector_store_idx %arg12[%parallel_loop3A_277], %parallel_loop3A_218 masked %parallel_loop3A_271 : memref<3200xf32, #tpu.memory_space<vmem>>[vector<16xi32>], vector<16xf32>, vector<16xi1>
      } {sc.loop_unroll_factor = 2 : i64, sc.parallel_access}
      %add3A_199 = arith.constant 2 : i32
      %add3A_200 = arith.addi %add3A_186, %add3A_199 : i32
      %dma_start3A_201 = arith.constant 0 : i32
      %dma_start3A_202 = tpu.memref_slice %arg2[%add3A_200, %dma_start3A_201, %select_n3A] : memref<150x4x100000xf32, #tpu.memory_space<hbm>> -> memref<1x4x3200xf32, #tpu.memory_space<hbm>>
      %dma_start3A_203 = tpu.memref_squeeze %dma_start3A_202 : memref<1x4x3200xf32, #tpu.memory_space<hbm>> -> memref<4x3200xf32, #tpu.memory_space<hbm>>
      %dma_start3A_204 = arith.constant 0 : i32
      %dma_start3A_205 = tpu.memref_slice %arg2[%add3A_200, %dma_start3A_204, %select_n3A] : memref<150x4x100000xf32, #tpu.memory_space<hbm>> -> memref<1x4x3200xf32, #tpu.memory_space<hbm>>
      %dma_start3A_206 = tpu.memref_squeeze %dma_start3A_205 : memref<1x4x3200xf32, #tpu.memory_space<hbm>> -> memref<4x3200xf32, #tpu.memory_space<hbm>>
      tpu.enqueue_dma source(%dma_start3A_206 : memref<4x3200xf32, #tpu.memory_space<hbm>>) target(%arg15 : memref<4x3200xf32, #tpu.memory_space<vmem>>) target_semaphore(%arg18 : memref<!tpu.dma_semaphore, #tpu.memory_space<semaphore_mem>>)
      %scan3A_207 = arith.constant 0 : i32
      scf.yield %scan3A_207 : i32
    }
    %scan3A_56 = arith.constant 48 : i32
    %dma_wait3A_57 = arith.constant 0 : i32
    %dma_wait3A_58 = arith.constant 0 : i32
    %dma_wait3A_59 = arith.constant 0 : i32
    %dma_wait3A_60 = tpu.memref_slice %arg2[%dma_wait3A_57, %dma_wait3A_58, %dma_wait3A_59] : memref<150x4x100000xf32, #tpu.memory_space<hbm>> -> memref<1x4x3200xf32, #tpu.memory_space<hbm>>
    %dma_wait3A_61 = tpu.memref_squeeze %dma_wait3A_60 : memref<1x4x3200xf32, #tpu.memory_space<hbm>> -> memref<4x3200xf32, #tpu.memory_space<hbm>>
    %dma_wait3A_62 = arith.constant 0 : i32
    %dma_wait3A_63 = arith.constant 0 : i32
    %dma_wait3A_64 = tpu.memref_slice %arg2[%dma_wait3A_57, %dma_wait3A_62, %dma_wait3A_63] : memref<150x4x100000xf32, #tpu.memory_space<hbm>> -> memref<1x4x3200xf32, #tpu.memory_space<hbm>>
    %dma_wait3A_65 = tpu.memref_squeeze %dma_wait3A_64 : memref<1x4x3200xf32, #tpu.memory_space<hbm>> -> memref<4x3200xf32, #tpu.memory_space<hbm>>
    tpu.wait_dma2 semaphore(%arg20 : memref<!tpu.dma_semaphore, #tpu.memory_space<semaphore_mem>>) src(%dma_wait3A_65 : memref<4x3200xf32, #tpu.memory_space<hbm>>) dst(%arg17 : memref<4x3200xf32, #tpu.memory_space<vmem>>)
    %parallel_loop3A_66 = arith.constant 0 : i32
    %parallel_loop3A_67 = arith.constant 200 : i32
    %parallel_loop3A_68 = arith.constant 1 : i32
    scf.for %parallel_loop3A_127 = %parallel_loop3A_66 to %parallel_loop3A_67 step %parallel_loop3A_68  : i32 {
      %parallel_loop3A_128 = arith.constant 16 : i32
      %parallel_loop3A_129 = arith.muli %parallel_loop3A_127, %parallel_loop3A_128 : i32
      %parallel_loop3A_130 = arith.constant 0 : i32
      %parallel_loop3A_131 = arith.index_cast %parallel_loop3A_130 : i32 to index
      %parallel_loop3A_132 = arith.index_cast %parallel_loop3A_129 : i32 to index
      %parallel_loop3A_133 = tpu.vector_load %arg17[%parallel_loop3A_131, %parallel_loop3A_132] {strides = array<i32>} : memref<4x3200xf32, #tpu.memory_space<vmem>>, vector<16xf32>,
      %parallel_loop3A_134 = arith.constant 1 : i32
      %parallel_loop3A_135 = arith.index_cast %parallel_loop3A_134 : i32 to index
      %parallel_loop3A_136 = arith.index_cast %parallel_loop3A_129 : i32 to index
      %parallel_loop3A_137 = tpu.vector_load %arg17[%parallel_loop3A_135, %parallel_loop3A_136] {strides = array<i32>} : memref<4x3200xf32, #tpu.memory_space<vmem>>, vector<16xf32>,
      %parallel_loop3A_138 = arith.constant 0 : i32
      %parallel_loop3A_139 = arith.index_cast %parallel_loop3A_138 : i32 to index
      %parallel_loop3A_140 = arith.index_cast %parallel_loop3A_129 : i32 to index
      %parallel_loop3A_141 = tpu.vector_load %arg16[%parallel_loop3A_139, %parallel_loop3A_140] {strides = array<i32>} : memref<4x3200xf32, #tpu.memory_space<vmem>>, vector<16xf32>,
      %parallel_loop3A_142 = arith.constant 1 : i32
      %parallel_loop3A_143 = arith.index_cast %parallel_loop3A_142 : i32 to index
      %parallel_loop3A_144 = arith.index_cast %parallel_loop3A_129 : i32 to index
      %parallel_loop3A_145 = tpu.vector_load %arg16[%parallel_loop3A_143, %parallel_loop3A_144] {strides = array<i32>} : memref<4x3200xf32, #tpu.memory_space<vmem>>, vector<16xf32>,
      %parallel_loop3A_146 = arith.constant 0 : i32
      %parallel_loop3A_147 = arith.index_cast %parallel_loop3A_146 : i32 to index
      %parallel_loop3A_148 = arith.index_cast %parallel_loop3A_129 : i32 to index
      %parallel_loop3A_149 = tpu.vector_load %arg6[%parallel_loop3A_147, %parallel_loop3A_148] {strides = array<i32>} : memref<2x3200xf32, #tpu.memory_space<vmem>>, vector<16xf32>,
      %parallel_loop3A_150 = arith.index_cast %parallel_loop3A_129 : i32 to index
      %parallel_loop3A_151 = tpu.vector_load %arg7[%parallel_loop3A_150] {strides = array<i32>} : memref<3200xf32, #tpu.memory_space<vmem>>, vector<16xf32>,
      %parallel_loop3A_152 = arith.subf %parallel_loop3A_133, %parallel_loop3A_141 : vector<16xf32>
      %parallel_loop3A_153 = arith.subf %parallel_loop3A_137, %parallel_loop3A_145 : vector<16xf32>
      %parallel_loop3A_154 = arith.mulf %parallel_loop3A_152, %parallel_loop3A_152 : vector<16xf32>
      %parallel_loop3A_155 = arith.mulf %parallel_loop3A_153, %parallel_loop3A_153 : vector<16xf32>
      %parallel_loop3A_156 = arith.addf %parallel_loop3A_154, %parallel_loop3A_155 : vector<16xf32>
      %parallel_loop3A_157 = arith.constant 1.000000e-30 : f32
      %parallel_loop3A_158 = vector.broadcast %parallel_loop3A_157 : f32 to vector<16xf32>
      %parallel_loop3A_159 = arith.maximumf %parallel_loop3A_156, %parallel_loop3A_158 : vector<16xf32>
      %parallel_loop3A_160 = tpu.bitcast %parallel_loop3A_159 : vector<16xf32> -> vector<16xi32>
      %parallel_loop3A_161 = arith.constant 1 : i32
      %parallel_loop3A_162 = vector.broadcast %parallel_loop3A_161 : i32 to vector<16xi32>
      %parallel_loop3A_163 = arith.shrsi %parallel_loop3A_160, %parallel_loop3A_162 : vector<16xi32>
      %parallel_loop3A_164 = arith.constant 1597463007 : i32
      %parallel_loop3A_165 = vector.broadcast %parallel_loop3A_164 : i32 to vector<16xi32>
      %parallel_loop3A_166 = arith.subi %parallel_loop3A_165, %parallel_loop3A_163 : vector<16xi32>
      %parallel_loop3A_167 = tpu.bitcast %parallel_loop3A_166 : vector<16xi32> -> vector<16xf32>
      %parallel_loop3A_168 = arith.constant 5.000000e-01 : f32
      %parallel_loop3A_169 = vector.broadcast %parallel_loop3A_168 : f32 to vector<16xf32>
      %parallel_loop3A_170 = arith.mulf %parallel_loop3A_169, %parallel_loop3A_159 : vector<16xf32>
      %parallel_loop3A_171 = arith.mulf %parallel_loop3A_170, %parallel_loop3A_167 : vector<16xf32>
      %parallel_loop3A_172 = arith.mulf %parallel_loop3A_171, %parallel_loop3A_167 : vector<16xf32>
      %parallel_loop3A_173 = arith.constant 1.500000e+00 : f32
      %parallel_loop3A_174 = vector.broadcast %parallel_loop3A_173 : f32 to vector<16xf32>
      %parallel_loop3A_175 = arith.subf %parallel_loop3A_174, %parallel_loop3A_172 : vector<16xf32>
      %parallel_loop3A_176 = arith.mulf %parallel_loop3A_167, %parallel_loop3A_175 : vector<16xf32>
      %parallel_loop3A_177 = arith.constant 5.000000e-01 : f32
      %parallel_loop3A_178 = vector.broadcast %parallel_loop3A_177 : f32 to vector<16xf32>
      %parallel_loop3A_179 = arith.mulf %parallel_loop3A_178, %parallel_loop3A_159 : vector<16xf32>
      %parallel_loop3A_180 = arith.mulf %parallel_loop3A_179, %parallel_loop3A_176 : vector<16xf32>
      %parallel_loop3A_181 = arith.mulf %parallel_loop3A_180, %parallel_loop3A_176 : vector<16xf32>
      %parallel_loop3A_182 = arith.constant 1.500000e+00 : f32
      %parallel_loop3A_183 = vector.broadcast %parallel_loop3A_182 : f32 to vector<16xf32>
      %parallel_loop3A_184 = arith.subf %parallel_loop3A_183, %parallel_loop3A_181 : vector<16xf32>
      %parallel_loop3A_185 = arith.mulf %parallel_loop3A_176, %parallel_loop3A_184 : vector<16xf32>
      %parallel_loop3A_186 = arith.mulf %parallel_loop3A_159, %parallel_loop3A_185 : vector<16xf32>
      %parallel_loop3A_187 = arith.addf %parallel_loop3A_151, %parallel_loop3A_186 : vector<16xf32>
      %parallel_loop3A_188 = arith.cmpf oge, %parallel_loop3A_149, %parallel_loop3A_151 : vector<16xf32>
      %parallel_loop3A_189 = arith.cmpf olt, %parallel_loop3A_149, %parallel_loop3A_187 : vector<16xf32>
      %parallel_loop3A_190 = arith.andi %parallel_loop3A_188, %parallel_loop3A_189 : vector<16xi1>
      %parallel_loop3A_191 = arith.index_cast %parallel_loop3A_129 : i32 to index
      %parallel_loop3A_192 = tpu.vector_load %arg7[%parallel_loop3A_191] {strides = array<i32>} : memref<3200xf32, #tpu.memory_space<vmem>>, vector<16xf32>,
      tpu.vector_store %arg7[%parallel_loop3A_191], %parallel_loop3A_187 {strides = array<i32>} : memref<3200xf32, #tpu.memory_space<vmem>>, vector<16xf32>,
      %parallel_loop3A_193 = arith.constant 16 : i32
      %parallel_loop3A_194 = arith.muli %parallel_loop3A_127, %parallel_loop3A_193 : i32
      %parallel_loop3A_195 = vector.broadcast %parallel_loop3A_194 : i32 to vector<16xi32>
      %parallel_loop3A_196 = arith.addi %iota3A, %parallel_loop3A_195 : vector<16xi32>
      tpu.vector_store_idx %arg8[%parallel_loop3A_196], %parallel_loop3A_151 masked %parallel_loop3A_190 : memref<3200xf32, #tpu.memory_space<vmem>>[vector<16xi32>], vector<16xf32>, vector<16xi1>
      tpu.vector_store_idx %arg9[%parallel_loop3A_196], %parallel_loop3A_141 masked %parallel_loop3A_190 : memref<3200xf32, #tpu.memory_space<vmem>>[vector<16xi32>], vector<16xf32>, vector<16xi1>
      tpu.vector_store_idx %arg10[%parallel_loop3A_196], %parallel_loop3A_145 masked %parallel_loop3A_190 : memref<3200xf32, #tpu.memory_space<vmem>>[vector<16xi32>], vector<16xf32>, vector<16xi1>
      tpu.vector_store_idx %arg11[%parallel_loop3A_196], %parallel_loop3A_133 masked %parallel_loop3A_190 : memref<3200xf32, #tpu.memory_space<vmem>>[vector<16xi32>], vector<16xf32>, vector<16xi1>
      tpu.vector_store_idx %arg12[%parallel_loop3A_196], %parallel_loop3A_137 masked %parallel_loop3A_190 : memref<3200xf32, #tpu.memory_space<vmem>>[vector<16xi32>], vector<16xf32>, vector<16xi1>
    } {sc.loop_unroll_factor = 1 : i64, sc.parallel_access}
    %dma_start3A_69 = arith.constant 148 : i32
    %dma_start3A_70 = arith.constant 0 : i32
    %dma_start3A_71 = tpu.memref_slice %arg2[%dma_start3A_69, %dma_start3A_70, %select_n3A] : memref<150x4x100000xf32, #tpu.memory_space<hbm>> -> memref<1x4x3200xf32, #tpu.memory_space<hbm>>
    %dma_start3A_72 = tpu.memref_squeeze %dma_start3A_71 : memref<1x4x3200xf32, #tpu.memory_space<hbm>> -> memref<4x3200xf32, #tpu.memory_space<hbm>>
    %dma_start3A_73 = arith.constant 0 : i32
    %dma_start3A_74 = tpu.memref_slice %arg2[%dma_start3A_69, %dma_start3A_73, %select_n3A] : memref<150x4x100000xf32, #tpu.memory_space<hbm>> -> memref<1x4x3200xf32, #tpu.memory_space<hbm>>
    %dma_start3A_75 = tpu.memref_squeeze %dma_start3A_74 : memref<1x4x3200xf32, #tpu.memory_space<hbm>> -> memref<4x3200xf32, #tpu.memory_space<hbm>>
    tpu.enqueue_dma source(%dma_start3A_75 : memref<4x3200xf32, #tpu.memory_space<hbm>>) target(%arg16 : memref<4x3200xf32, #tpu.memory_space<vmem>>) target_semaphore(%arg19 : memref<!tpu.dma_semaphore, #tpu.memory_space<semaphore_mem>>)
    %dma_wait3A_76 = arith.constant 0 : i32
    %dma_wait3A_77 = arith.constant 0 : i32
    %dma_wait3A_78 = arith.constant 0 : i32
    %dma_wait3A_79 = tpu.memref_slice %arg2[%dma_wait3A_76, %dma_wait3A_77, %dma_wait3A_78] : memref<150x4x100000xf32, #tpu.memory_space<hbm>> -> memref<1x4x3200xf32, #tpu.memory_space<hbm>>
    %dma_wait3A_80 = tpu.memref_squeeze %dma_wait3A_79 : memref<1x4x3200xf32, #tpu.memory_space<hbm>> -> memref<4x3200xf32, #tpu.memory_space<hbm>>
    %dma_wait3A_81 = arith.constant 0 : i32
    %dma_wait3A_82 = arith.constant 0 : i32
    %dma_wait3A_83 = tpu.memref_slice %arg2[%dma_wait3A_76, %dma_wait3A_81, %dma_wait3A_82] : memref<150x4x100000xf32, #tpu.memory_space<hbm>> -> memref<1x4x3200xf32, #tpu.memory_space<hbm>>
    %dma_wait3A_84 = tpu.memref_squeeze %dma_wait3A_83 : memref<1x4x3200xf32, #tpu.memory_space<hbm>> -> memref<4x3200xf32, #tpu.memory_space<hbm>>
    tpu.wait_dma2 semaphore(%arg18 : memref<!tpu.dma_semaphore, #tpu.memory_space<semaphore_mem>>) src(%dma_wait3A_84 : memref<4x3200xf32, #tpu.memory_space<hbm>>) dst(%arg15 : memref<4x3200xf32, #tpu.memory_space<vmem>>)
    %parallel_loop3A_85 = arith.constant 0 : i32
    %parallel_loop3A_86 = arith.constant 200 : i32
    %parallel_loop3A_87 = arith.constant 1 : i32
    scf.for %parallel_loop3A_127 = %parallel_loop3A_85 to %parallel_loop3A_86 step %parallel_loop3A_87  : i32 {
      %parallel_loop3A_128 = arith.constant 16 : i32
      %parallel_loop3A_129 = arith.muli %parallel_loop3A_127, %parallel_loop3A_128 : i32
      %parallel_loop3A_130 = arith.constant 0 : i32
      %parallel_loop3A_131 = arith.index_cast %parallel_loop3A_130 : i32 to index
      %parallel_loop3A_132 = arith.index_cast %parallel_loop3A_129 : i32 to index
      %parallel_loop3A_133 = tpu.vector_load %arg15[%parallel_loop3A_131, %parallel_loop3A_132] {strides = array<i32>} : memref<4x3200xf32, #tpu.memory_space<vmem>>, vector<16xf32>,
      %parallel_loop3A_134 = arith.constant 1 : i32
      %parallel_loop3A_135 = arith.index_cast %parallel_loop3A_134 : i32 to index
      %parallel_loop3A_136 = arith.index_cast %parallel_loop3A_129 : i32 to index
      %parallel_loop3A_137 = tpu.vector_load %arg15[%parallel_loop3A_135, %parallel_loop3A_136] {strides = array<i32>} : memref<4x3200xf32, #tpu.memory_space<vmem>>, vector<16xf32>,
      %parallel_loop3A_138 = arith.constant 0 : i32
      %parallel_loop3A_139 = arith.index_cast %parallel_loop3A_138 : i32 to index
      %parallel_loop3A_140 = arith.index_cast %parallel_loop3A_129 : i32 to index
      %parallel_loop3A_141 = tpu.vector_load %arg17[%parallel_loop3A_139, %parallel_loop3A_140] {strides = array<i32>} : memref<4x3200xf32, #tpu.memory_space<vmem>>, vector<16xf32>,
      %parallel_loop3A_142 = arith.constant 1 : i32
      %parallel_loop3A_143 = arith.index_cast %parallel_loop3A_142 : i32 to index
      %parallel_loop3A_144 = arith.index_cast %parallel_loop3A_129 : i32 to index
      %parallel_loop3A_145 = tpu.vector_load %arg17[%parallel_loop3A_143, %parallel_loop3A_144] {strides = array<i32>} : memref<4x3200xf32, #tpu.memory_space<vmem>>, vector<16xf32>,
      %parallel_loop3A_146 = arith.constant 0 : i32
      %parallel_loop3A_147 = arith.index_cast %parallel_loop3A_146 : i32 to index
      %parallel_loop3A_148 = arith.index_cast %parallel_loop3A_129 : i32 to index
      %parallel_loop3A_149 = tpu.vector_load %arg6[%parallel_loop3A_147, %parallel_loop3A_148] {strides = array<i32>} : memref<2x3200xf32, #tpu.memory_space<vmem>>, vector<16xf32>,
      %parallel_loop3A_150 = arith.index_cast %parallel_loop3A_129 : i32 to index
      %parallel_loop3A_151 = tpu.vector_load %arg7[%parallel_loop3A_150] {strides = array<i32>} : memref<3200xf32, #tpu.memory_space<vmem>>, vector<16xf32>,
      %parallel_loop3A_152 = arith.subf %parallel_loop3A_133, %parallel_loop3A_141 : vector<16xf32>
      %parallel_loop3A_153 = arith.subf %parallel_loop3A_137, %parallel_loop3A_145 : vector<16xf32>
      %parallel_loop3A_154 = arith.mulf %parallel_loop3A_152, %parallel_loop3A_152 : vector<16xf32>
      %parallel_loop3A_155 = arith.mulf %parallel_loop3A_153, %parallel_loop3A_153 : vector<16xf32>
      %parallel_loop3A_156 = arith.addf %parallel_loop3A_154, %parallel_loop3A_155 : vector<16xf32>
      %parallel_loop3A_157 = arith.constant 1.000000e-30 : f32
      %parallel_loop3A_158 = vector.broadcast %parallel_loop3A_157 : f32 to vector<16xf32>
      %parallel_loop3A_159 = arith.maximumf %parallel_loop3A_156, %parallel_loop3A_158 : vector<16xf32>
      %parallel_loop3A_160 = tpu.bitcast %parallel_loop3A_159 : vector<16xf32> -> vector<16xi32>
      %parallel_loop3A_161 = arith.constant 1 : i32
      %parallel_loop3A_162 = vector.broadcast %parallel_loop3A_161 : i32 to vector<16xi32>
      %parallel_loop3A_163 = arith.shrsi %parallel_loop3A_160, %parallel_loop3A_162 : vector<16xi32>
      %parallel_loop3A_164 = arith.constant 1597463007 : i32
      %parallel_loop3A_165 = vector.broadcast %parallel_loop3A_164 : i32 to vector<16xi32>
      %parallel_loop3A_166 = arith.subi %parallel_loop3A_165, %parallel_loop3A_163 : vector<16xi32>
      %parallel_loop3A_167 = tpu.bitcast %parallel_loop3A_166 : vector<16xi32> -> vector<16xf32>
      %parallel_loop3A_168 = arith.constant 5.000000e-01 : f32
      %parallel_loop3A_169 = vector.broadcast %parallel_loop3A_168 : f32 to vector<16xf32>
      %parallel_loop3A_170 = arith.mulf %parallel_loop3A_169, %parallel_loop3A_159 : vector<16xf32>
      %parallel_loop3A_171 = arith.mulf %parallel_loop3A_170, %parallel_loop3A_167 : vector<16xf32>
      %parallel_loop3A_172 = arith.mulf %parallel_loop3A_171, %parallel_loop3A_167 : vector<16xf32>
      %parallel_loop3A_173 = arith.constant 1.500000e+00 : f32
      %parallel_loop3A_174 = vector.broadcast %parallel_loop3A_173 : f32 to vector<16xf32>
      %parallel_loop3A_175 = arith.subf %parallel_loop3A_174, %parallel_loop3A_172 : vector<16xf32>
      %parallel_loop3A_176 = arith.mulf %parallel_loop3A_167, %parallel_loop3A_175 : vector<16xf32>
      %parallel_loop3A_177 = arith.constant 5.000000e-01 : f32
      %parallel_loop3A_178 = vector.broadcast %parallel_loop3A_177 : f32 to vector<16xf32>
      %parallel_loop3A_179 = arith.mulf %parallel_loop3A_178, %parallel_loop3A_159 : vector<16xf32>
      %parallel_loop3A_180 = arith.mulf %parallel_loop3A_179, %parallel_loop3A_176 : vector<16xf32>
      %parallel_loop3A_181 = arith.mulf %parallel_loop3A_180, %parallel_loop3A_176 : vector<16xf32>
      %parallel_loop3A_182 = arith.constant 1.500000e+00 : f32
      %parallel_loop3A_183 = vector.broadcast %parallel_loop3A_182 : f32 to vector<16xf32>
      %parallel_loop3A_184 = arith.subf %parallel_loop3A_183, %parallel_loop3A_181 : vector<16xf32>
      %parallel_loop3A_185 = arith.mulf %parallel_loop3A_176, %parallel_loop3A_184 : vector<16xf32>
      %parallel_loop3A_186 = arith.mulf %parallel_loop3A_159, %parallel_loop3A_185 : vector<16xf32>
      %parallel_loop3A_187 = arith.addf %parallel_loop3A_151, %parallel_loop3A_186 : vector<16xf32>
      %parallel_loop3A_188 = arith.cmpf oge, %parallel_loop3A_149, %parallel_loop3A_151 : vector<16xf32>
      %parallel_loop3A_189 = arith.cmpf olt, %parallel_loop3A_149, %parallel_loop3A_187 : vector<16xf32>
      %parallel_loop3A_190 = arith.andi %parallel_loop3A_188, %parallel_loop3A_189 : vector<16xi1>
      %parallel_loop3A_191 = arith.index_cast %parallel_loop3A_129 : i32 to index
      %parallel_loop3A_192 = tpu.vector_load %arg7[%parallel_loop3A_191] {strides = array<i32>} : memref<3200xf32, #tpu.memory_space<vmem>>, vector<16xf32>,
      tpu.vector_store %arg7[%parallel_loop3A_191], %parallel_loop3A_187 {strides = array<i32>} : memref<3200xf32, #tpu.memory_space<vmem>>, vector<16xf32>,
      %parallel_loop3A_193 = arith.constant 16 : i32
      %parallel_loop3A_194 = arith.muli %parallel_loop3A_127, %parallel_loop3A_193 : i32
      %parallel_loop3A_195 = vector.broadcast %parallel_loop3A_194 : i32 to vector<16xi32>
      %parallel_loop3A_196 = arith.addi %iota3A, %parallel_loop3A_195 : vector<16xi32>
      tpu.vector_store_idx %arg8[%parallel_loop3A_196], %parallel_loop3A_151 masked %parallel_loop3A_190 : memref<3200xf32, #tpu.memory_space<vmem>>[vector<16xi32>], vector<16xf32>, vector<16xi1>
      tpu.vector_store_idx %arg9[%parallel_loop3A_196], %parallel_loop3A_141 masked %parallel_loop3A_190 : memref<3200xf32, #tpu.memory_space<vmem>>[vector<16xi32>], vector<16xf32>, vector<16xi1>
      tpu.vector_store_idx %arg10[%parallel_loop3A_196], %parallel_loop3A_145 masked %parallel_loop3A_190 : memref<3200xf32, #tpu.memory_space<vmem>>[vector<16xi32>], vector<16xf32>, vector<16xi1>
      tpu.vector_store_idx %arg11[%parallel_loop3A_196], %parallel_loop3A_133 masked %parallel_loop3A_190 : memref<3200xf32, #tpu.memory_space<vmem>>[vector<16xi32>], vector<16xf32>, vector<16xi1>
      tpu.vector_store_idx %arg12[%parallel_loop3A_196], %parallel_loop3A_137 masked %parallel_loop3A_190 : memref<3200xf32, #tpu.memory_space<vmem>>[vector<16xi32>], vector<16xf32>, vector<16xi1>
    } {sc.loop_unroll_factor = 1 : i64, sc.parallel_access}
    %dma_start3A_88 = arith.constant 149 : i32
    %dma_start3A_89 = arith.constant 0 : i32
    %dma_start3A_90 = tpu.memref_slice %arg2[%dma_start3A_88, %dma_start3A_89, %select_n3A] : memref<150x4x100000xf32, #tpu.memory_space<hbm>> -> memref<1x4x3200xf32, #tpu.memory_space<hbm>>
    %dma_start3A_91 = tpu.memref_squeeze %dma_start3A_90 : memref<1x4x3200xf32, #tpu.memory_space<hbm>> -> memref<4x3200xf32, #tpu.memory_space<hbm>>
    %dma_start3A_92 = arith.constant 0 : i32
    %dma_start3A_93 = tpu.memref_slice %arg2[%dma_start3A_88, %dma_start3A_92, %select_n3A] : memref<150x4x100000xf32, #tpu.memory_space<hbm>> -> memref<1x4x3200xf32, #tpu.memory_space<hbm>>
    %dma_start3A_94 = tpu.memref_squeeze %dma_start3A_93 : memref<1x4x3200xf32, #tpu.memory_space<hbm>> -> memref<4x3200xf32, #tpu.memory_space<hbm>>
    tpu.enqueue_dma source(%dma_start3A_94 : memref<4x3200xf32, #tpu.memory_space<hbm>>) target(%arg17 : memref<4x3200xf32, #tpu.memory_space<vmem>>) target_semaphore(%arg20 : memref<!tpu.dma_semaphore, #tpu.memory_space<semaphore_mem>>)
    %dma_wait3A_95 = arith.constant 0 : i32
    %dma_wait3A_96 = arith.constant 0 : i32
    %dma_wait3A_97 = arith.constant 0 : i32
    %dma_wait3A_98 = tpu.memref_slice %arg2[%dma_wait3A_95, %dma_wait3A_96, %dma_wait3A_97] : memref<150x4x100000xf32, #tpu.memory_space<hbm>> -> memref<1x4x3200xf32, #tpu.memory_space<hbm>>
    %dma_wait3A_99 = tpu.memref_squeeze %dma_wait3A_98 : memref<1x4x3200xf32, #tpu.memory_space<hbm>> -> memref<4x3200xf32, #tpu.memory_space<hbm>>
    %dma_wait3A_100 = arith.constant 0 : i32
    %dma_wait3A_101 = arith.constant 0 : i32
    %dma_wait3A_102 = tpu.memref_slice %arg2[%dma_wait3A_95, %dma_wait3A_100, %dma_wait3A_101] : memref<150x4x100000xf32, #tpu.memory_space<hbm>> -> memref<1x4x3200xf32, #tpu.memory_space<hbm>>
    %dma_wait3A_103 = tpu.memref_squeeze %dma_wait3A_102 : memref<1x4x3200xf32, #tpu.memory_space<hbm>> -> memref<4x3200xf32, #tpu.memory_space<hbm>>
    tpu.wait_dma2 semaphore(%arg19 : memref<!tpu.dma_semaphore, #tpu.memory_space<semaphore_mem>>) src(%dma_wait3A_103 : memref<4x3200xf32, #tpu.memory_space<hbm>>) dst(%arg16 : memref<4x3200xf32, #tpu.memory_space<vmem>>)
    %parallel_loop3A_104 = arith.constant 0 : i32
    %parallel_loop3A_105 = arith.constant 200 : i32
    %parallel_loop3A_106 = arith.constant 1 : i32
    scf.for %parallel_loop3A_127 = %parallel_loop3A_104 to %parallel_loop3A_105 step %parallel_loop3A_106  : i32 {
      %parallel_loop3A_128 = arith.constant 16 : i32
      %parallel_loop3A_129 = arith.muli %parallel_loop3A_127, %parallel_loop3A_128 : i32
      %parallel_loop3A_130 = arith.constant 0 : i32
      %parallel_loop3A_131 = arith.index_cast %parallel_loop3A_130 : i32 to index
      %parallel_loop3A_132 = arith.index_cast %parallel_loop3A_129 : i32 to index
      %parallel_loop3A_133 = tpu.vector_load %arg16[%parallel_loop3A_131, %parallel_loop3A_132] {strides = array<i32>} : memref<4x3200xf32, #tpu.memory_space<vmem>>, vector<16xf32>,
      %parallel_loop3A_134 = arith.constant 1 : i32
      %parallel_loop3A_135 = arith.index_cast %parallel_loop3A_134 : i32 to index
      %parallel_loop3A_136 = arith.index_cast %parallel_loop3A_129 : i32 to index
      %parallel_loop3A_137 = tpu.vector_load %arg16[%parallel_loop3A_135, %parallel_loop3A_136] {strides = array<i32>} : memref<4x3200xf32, #tpu.memory_space<vmem>>, vector<16xf32>,
      %parallel_loop3A_138 = arith.constant 0 : i32
      %parallel_loop3A_139 = arith.index_cast %parallel_loop3A_138 : i32 to index
      %parallel_loop3A_140 = arith.index_cast %parallel_loop3A_129 : i32 to index
      %parallel_loop3A_141 = tpu.vector_load %arg15[%parallel_loop3A_139, %parallel_loop3A_140] {strides = array<i32>} : memref<4x3200xf32, #tpu.memory_space<vmem>>, vector<16xf32>,
      %parallel_loop3A_142 = arith.constant 1 : i32
      %parallel_loop3A_143 = arith.index_cast %parallel_loop3A_142 : i32 to index
      %parallel_loop3A_144 = arith.index_cast %parallel_loop3A_129 : i32 to index
      %parallel_loop3A_145 = tpu.vector_load %arg15[%parallel_loop3A_143, %parallel_loop3A_144] {strides = array<i32>} : memref<4x3200xf32, #tpu.memory_space<vmem>>, vector<16xf32>,
      %parallel_loop3A_146 = arith.constant 0 : i32
      %parallel_loop3A_147 = arith.index_cast %parallel_loop3A_146 : i32 to index
      %parallel_loop3A_148 = arith.index_cast %parallel_loop3A_129 : i32 to index
      %parallel_loop3A_149 = tpu.vector_load %arg6[%parallel_loop3A_147, %parallel_loop3A_148] {strides = array<i32>} : memref<2x3200xf32, #tpu.memory_space<vmem>>, vector<16xf32>,
      %parallel_loop3A_150 = arith.index_cast %parallel_loop3A_129 : i32 to index
      %parallel_loop3A_151 = tpu.vector_load %arg7[%parallel_loop3A_150] {strides = array<i32>} : memref<3200xf32, #tpu.memory_space<vmem>>, vector<16xf32>,
      %parallel_loop3A_152 = arith.subf %parallel_loop3A_133, %parallel_loop3A_141 : vector<16xf32>
      %parallel_loop3A_153 = arith.subf %parallel_loop3A_137, %parallel_loop3A_145 : vector<16xf32>
      %parallel_loop3A_154 = arith.mulf %parallel_loop3A_152, %parallel_loop3A_152 : vector<16xf32>
      %parallel_loop3A_155 = arith.mulf %parallel_loop3A_153, %parallel_loop3A_153 : vector<16xf32>
      %parallel_loop3A_156 = arith.addf %parallel_loop3A_154, %parallel_loop3A_155 : vector<16xf32>
      %parallel_loop3A_157 = arith.constant 1.000000e-30 : f32
      %parallel_loop3A_158 = vector.broadcast %parallel_loop3A_157 : f32 to vector<16xf32>
      %parallel_loop3A_159 = arith.maximumf %parallel_loop3A_156, %parallel_loop3A_158 : vector<16xf32>
      %parallel_loop3A_160 = tpu.bitcast %parallel_loop3A_159 : vector<16xf32> -> vector<16xi32>
      %parallel_loop3A_161 = arith.constant 1 : i32
      %parallel_loop3A_162 = vector.broadcast %parallel_loop3A_161 : i32 to vector<16xi32>
      %parallel_loop3A_163 = arith.shrsi %parallel_loop3A_160, %parallel_loop3A_162 : vector<16xi32>
      %parallel_loop3A_164 = arith.constant 1597463007 : i32
      %parallel_loop3A_165 = vector.broadcast %parallel_loop3A_164 : i32 to vector<16xi32>
      %parallel_loop3A_166 = arith.subi %parallel_loop3A_165, %parallel_loop3A_163 : vector<16xi32>
      %parallel_loop3A_167 = tpu.bitcast %parallel_loop3A_166 : vector<16xi32> -> vector<16xf32>
      %parallel_loop3A_168 = arith.constant 5.000000e-01 : f32
      %parallel_loop3A_169 = vector.broadcast %parallel_loop3A_168 : f32 to vector<16xf32>
      %parallel_loop3A_170 = arith.mulf %parallel_loop3A_169, %parallel_loop3A_159 : vector<16xf32>
      %parallel_loop3A_171 = arith.mulf %parallel_loop3A_170, %parallel_loop3A_167 : vector<16xf32>
      %parallel_loop3A_172 = arith.mulf %parallel_loop3A_171, %parallel_loop3A_167 : vector<16xf32>
      %parallel_loop3A_173 = arith.constant 1.500000e+00 : f32
      %parallel_loop3A_174 = vector.broadcast %parallel_loop3A_173 : f32 to vector<16xf32>
      %parallel_loop3A_175 = arith.subf %parallel_loop3A_174, %parallel_loop3A_172 : vector<16xf32>
      %parallel_loop3A_176 = arith.mulf %parallel_loop3A_167, %parallel_loop3A_175 : vector<16xf32>
      %parallel_loop3A_177 = arith.constant 5.000000e-01 : f32
      %parallel_loop3A_178 = vector.broadcast %parallel_loop3A_177 : f32 to vector<16xf32>
      %parallel_loop3A_179 = arith.mulf %parallel_loop3A_178, %parallel_loop3A_159 : vector<16xf32>
      %parallel_loop3A_180 = arith.mulf %parallel_loop3A_179, %parallel_loop3A_176 : vector<16xf32>
      %parallel_loop3A_181 = arith.mulf %parallel_loop3A_180, %parallel_loop3A_176 : vector<16xf32>
      %parallel_loop3A_182 = arith.constant 1.500000e+00 : f32
      %parallel_loop3A_183 = vector.broadcast %parallel_loop3A_182 : f32 to vector<16xf32>
      %parallel_loop3A_184 = arith.subf %parallel_loop3A_183, %parallel_loop3A_181 : vector<16xf32>
      %parallel_loop3A_185 = arith.mulf %parallel_loop3A_176, %parallel_loop3A_184 : vector<16xf32>
      %parallel_loop3A_186 = arith.mulf %parallel_loop3A_159, %parallel_loop3A_185 : vector<16xf32>
      %parallel_loop3A_187 = arith.addf %parallel_loop3A_151, %parallel_loop3A_186 : vector<16xf32>
      %parallel_loop3A_188 = arith.cmpf oge, %parallel_loop3A_149, %parallel_loop3A_151 : vector<16xf32>
      %parallel_loop3A_189 = arith.cmpf olt, %parallel_loop3A_149, %parallel_loop3A_187 : vector<16xf32>
      %parallel_loop3A_190 = arith.andi %parallel_loop3A_188, %parallel_loop3A_189 : vector<16xi1>
      %parallel_loop3A_191 = arith.index_cast %parallel_loop3A_129 : i32 to index
      %parallel_loop3A_192 = tpu.vector_load %arg7[%parallel_loop3A_191] {strides = array<i32>} : memref<3200xf32, #tpu.memory_space<vmem>>, vector<16xf32>,
      tpu.vector_store %arg7[%parallel_loop3A_191], %parallel_loop3A_187 {strides = array<i32>} : memref<3200xf32, #tpu.memory_space<vmem>>, vector<16xf32>,
      %parallel_loop3A_193 = arith.constant 16 : i32
      %parallel_loop3A_194 = arith.muli %parallel_loop3A_127, %parallel_loop3A_193 : i32
      %parallel_loop3A_195 = vector.broadcast %parallel_loop3A_194 : i32 to vector<16xi32>
      %parallel_loop3A_196 = arith.addi %iota3A, %parallel_loop3A_195 : vector<16xi32>
      tpu.vector_store_idx %arg8[%parallel_loop3A_196], %parallel_loop3A_151 masked %parallel_loop3A_190 : memref<3200xf32, #tpu.memory_space<vmem>>[vector<16xi32>], vector<16xf32>, vector<16xi1>
      tpu.vector_store_idx %arg9[%parallel_loop3A_196], %parallel_loop3A_141 masked %parallel_loop3A_190 : memref<3200xf32, #tpu.memory_space<vmem>>[vector<16xi32>], vector<16xf32>, vector<16xi1>
      tpu.vector_store_idx %arg10[%parallel_loop3A_196], %parallel_loop3A_145 masked %parallel_loop3A_190 : memref<3200xf32, #tpu.memory_space<vmem>>[vector<16xi32>], vector<16xf32>, vector<16xi1>
      tpu.vector_store_idx %arg11[%parallel_loop3A_196], %parallel_loop3A_133 masked %parallel_loop3A_190 : memref<3200xf32, #tpu.memory_space<vmem>>[vector<16xi32>], vector<16xf32>, vector<16xi1>
      tpu.vector_store_idx %arg12[%parallel_loop3A_196], %parallel_loop3A_137 masked %parallel_loop3A_190 : memref<3200xf32, #tpu.memory_space<vmem>>[vector<16xi32>], vector<16xf32>, vector<16xi1>
    } {sc.loop_unroll_factor = 1 : i64, sc.parallel_access}
    %dma_wait3A_107 = arith.constant 0 : i32
    %dma_wait3A_108 = arith.constant 0 : i32
    %dma_wait3A_109 = arith.constant 0 : i32
    %dma_wait3A_110 = tpu.memref_slice %arg2[%dma_wait3A_107, %dma_wait3A_108, %dma_wait3A_109] : memref<150x4x100000xf32, #tpu.memory_space<hbm>> -> memref<1x4x3200xf32, #tpu.memory_space<hbm>>
    %dma_wait3A_111 = tpu.memref_squeeze %dma_wait3A_110 : memref<1x4x3200xf32, #tpu.memory_space<hbm>> -> memref<4x3200xf32, #tpu.memory_space<hbm>>
    %dma_wait3A_112 = arith.constant 0 : i32
    %dma_wait3A_113 = arith.constant 0 : i32
    %dma_wait3A_114 = tpu.memref_slice %arg2[%dma_wait3A_107, %dma_wait3A_112, %dma_wait3A_113] : memref<150x4x100000xf32, #tpu.memory_space<hbm>> -> memref<1x4x3200xf32, #tpu.memory_space<hbm>>
    %dma_wait3A_115 = tpu.memref_squeeze %dma_wait3A_114 : memref<1x4x3200xf32, #tpu.memory_space<hbm>> -> memref<4x3200xf32, #tpu.memory_space<hbm>>
    tpu.wait_dma2 semaphore(%arg20 : memref<!tpu.dma_semaphore, #tpu.memory_space<semaphore_mem>>) src(%dma_wait3A_115 : memref<4x3200xf32, #tpu.memory_space<hbm>>) dst(%arg17 : memref<4x3200xf32, #tpu.memory_space<vmem>>)
    %parallel_loop3A_116 = arith.constant 0 : i32
    %parallel_loop3A_117 = arith.constant 200 : i32
    %parallel_loop3A_118 = arith.constant 1 : i32
    scf.for %parallel_loop3A_127 = %parallel_loop3A_116 to %parallel_loop3A_117 step %parallel_loop3A_118  : i32 {
      %parallel_loop3A_128 = arith.constant 16 : i32
      %parallel_loop3A_129 = arith.muli %parallel_loop3A_127, %parallel_loop3A_128 : i32
      %parallel_loop3A_130 = arith.constant 0 : i32
      %parallel_loop3A_131 = arith.index_cast %parallel_loop3A_130 : i32 to index
      %parallel_loop3A_132 = arith.index_cast %parallel_loop3A_129 : i32 to index
      %parallel_loop3A_133 = tpu.vector_load %arg17[%parallel_loop3A_131, %parallel_loop3A_132] {strides = array<i32>} : memref<4x3200xf32, #tpu.memory_space<vmem>>, vector<16xf32>,
      %parallel_loop3A_134 = arith.constant 1 : i32
      %parallel_loop3A_135 = arith.index_cast %parallel_loop3A_134 : i32 to index
      %parallel_loop3A_136 = arith.index_cast %parallel_loop3A_129 : i32 to index
      %parallel_loop3A_137 = tpu.vector_load %arg17[%parallel_loop3A_135, %parallel_loop3A_136] {strides = array<i32>} : memref<4x3200xf32, #tpu.memory_space<vmem>>, vector<16xf32>,
      %parallel_loop3A_138 = arith.constant 0 : i32
      %parallel_loop3A_139 = arith.index_cast %parallel_loop3A_138 : i32 to index
      %parallel_loop3A_140 = arith.index_cast %parallel_loop3A_129 : i32 to index
      %parallel_loop3A_141 = tpu.vector_load %arg16[%parallel_loop3A_139, %parallel_loop3A_140] {strides = array<i32>} : memref<4x3200xf32, #tpu.memory_space<vmem>>, vector<16xf32>,
      %parallel_loop3A_142 = arith.constant 1 : i32
      %parallel_loop3A_143 = arith.index_cast %parallel_loop3A_142 : i32 to index
      %parallel_loop3A_144 = arith.index_cast %parallel_loop3A_129 : i32 to index
      %parallel_loop3A_145 = tpu.vector_load %arg16[%parallel_loop3A_143, %parallel_loop3A_144] {strides = array<i32>} : memref<4x3200xf32, #tpu.memory_space<vmem>>, vector<16xf32>,
      %parallel_loop3A_146 = arith.constant 0 : i32
      %parallel_loop3A_147 = arith.index_cast %parallel_loop3A_146 : i32 to index
      %parallel_loop3A_148 = arith.index_cast %parallel_loop3A_129 : i32 to index
      %parallel_loop3A_149 = tpu.vector_load %arg6[%parallel_loop3A_147, %parallel_loop3A_148] {strides = array<i32>} : memref<2x3200xf32, #tpu.memory_space<vmem>>, vector<16xf32>,
      %parallel_loop3A_150 = arith.index_cast %parallel_loop3A_129 : i32 to index
      %parallel_loop3A_151 = tpu.vector_load %arg7[%parallel_loop3A_150] {strides = array<i32>} : memref<3200xf32, #tpu.memory_space<vmem>>, vector<16xf32>,
      %parallel_loop3A_152 = arith.subf %parallel_loop3A_133, %parallel_loop3A_141 : vector<16xf32>
      %parallel_loop3A_153 = arith.subf %parallel_loop3A_137, %parallel_loop3A_145 : vector<16xf32>
      %parallel_loop3A_154 = arith.mulf %parallel_loop3A_152, %parallel_loop3A_152 : vector<16xf32>
      %parallel_loop3A_155 = arith.mulf %parallel_loop3A_153, %parallel_loop3A_153 : vector<16xf32>
      %parallel_loop3A_156 = arith.addf %parallel_loop3A_154, %parallel_loop3A_155 : vector<16xf32>
      %parallel_loop3A_157 = arith.constant 1.000000e-30 : f32
      %parallel_loop3A_158 = vector.broadcast %parallel_loop3A_157 : f32 to vector<16xf32>
      %parallel_loop3A_159 = arith.maximumf %parallel_loop3A_156, %parallel_loop3A_158 : vector<16xf32>
      %parallel_loop3A_160 = tpu.bitcast %parallel_loop3A_159 : vector<16xf32> -> vector<16xi32>
      %parallel_loop3A_161 = arith.constant 1 : i32
      %parallel_loop3A_162 = vector.broadcast %parallel_loop3A_161 : i32 to vector<16xi32>
      %parallel_loop3A_163 = arith.shrsi %parallel_loop3A_160, %parallel_loop3A_162 : vector<16xi32>
      %parallel_loop3A_164 = arith.constant 1597463007 : i32
      %parallel_loop3A_165 = vector.broadcast %parallel_loop3A_164 : i32 to vector<16xi32>
      %parallel_loop3A_166 = arith.subi %parallel_loop3A_165, %parallel_loop3A_163 : vector<16xi32>
      %parallel_loop3A_167 = tpu.bitcast %parallel_loop3A_166 : vector<16xi32> -> vector<16xf32>
      %parallel_loop3A_168 = arith.constant 5.000000e-01 : f32
      %parallel_loop3A_169 = vector.broadcast %parallel_loop3A_168 : f32 to vector<16xf32>
      %parallel_loop3A_170 = arith.mulf %parallel_loop3A_169, %parallel_loop3A_159 : vector<16xf32>
      %parallel_loop3A_171 = arith.mulf %parallel_loop3A_170, %parallel_loop3A_167 : vector<16xf32>
      %parallel_loop3A_172 = arith.mulf %parallel_loop3A_171, %parallel_loop3A_167 : vector<16xf32>
      %parallel_loop3A_173 = arith.constant 1.500000e+00 : f32
      %parallel_loop3A_174 = vector.broadcast %parallel_loop3A_173 : f32 to vector<16xf32>
      %parallel_loop3A_175 = arith.subf %parallel_loop3A_174, %parallel_loop3A_172 : vector<16xf32>
      %parallel_loop3A_176 = arith.mulf %parallel_loop3A_167, %parallel_loop3A_175 : vector<16xf32>
      %parallel_loop3A_177 = arith.constant 5.000000e-01 : f32
      %parallel_loop3A_178 = vector.broadcast %parallel_loop3A_177 : f32 to vector<16xf32>
      %parallel_loop3A_179 = arith.mulf %parallel_loop3A_178, %parallel_loop3A_159 : vector<16xf32>
      %parallel_loop3A_180 = arith.mulf %parallel_loop3A_179, %parallel_loop3A_176 : vector<16xf32>
      %parallel_loop3A_181 = arith.mulf %parallel_loop3A_180, %parallel_loop3A_176 : vector<16xf32>
      %parallel_loop3A_182 = arith.constant 1.500000e+00 : f32
      %parallel_loop3A_183 = vector.broadcast %parallel_loop3A_182 : f32 to vector<16xf32>
      %parallel_loop3A_184 = arith.subf %parallel_loop3A_183, %parallel_loop3A_181 : vector<16xf32>
      %parallel_loop3A_185 = arith.mulf %parallel_loop3A_176, %parallel_loop3A_184 : vector<16xf32>
      %parallel_loop3A_186 = arith.mulf %parallel_loop3A_159, %parallel_loop3A_185 : vector<16xf32>
      %parallel_loop3A_187 = arith.addf %parallel_loop3A_151, %parallel_loop3A_186 : vector<16xf32>
      %parallel_loop3A_188 = arith.cmpf oge, %parallel_loop3A_149, %parallel_loop3A_151 : vector<16xf32>
      %parallel_loop3A_189 = arith.cmpf olt, %parallel_loop3A_149, %parallel_loop3A_187 : vector<16xf32>
      %parallel_loop3A_190 = arith.andi %parallel_loop3A_188, %parallel_loop3A_189 : vector<16xi1>
      %parallel_loop3A_191 = arith.cmpf oge, %parallel_loop3A_149, %parallel_loop3A_187 : vector<16xf32>
      %parallel_loop3A_192 = arith.ori %parallel_loop3A_190, %parallel_loop3A_191 : vector<16xi1>
      %parallel_loop3A_193 = arith.constant 16 : i32
      %parallel_loop3A_194 = arith.muli %parallel_loop3A_127, %parallel_loop3A_193 : i32
      %parallel_loop3A_195 = vector.broadcast %parallel_loop3A_194 : i32 to vector<16xi32>
      %parallel_loop3A_196 = arith.addi %iota3A, %parallel_loop3A_195 : vector<16xi32>
      tpu.vector_store_idx %arg8[%parallel_loop3A_196], %parallel_loop3A_151 masked %parallel_loop3A_192 : memref<3200xf32, #tpu.memory_space<vmem>>[vector<16xi32>], vector<16xf32>, vector<16xi1>
      tpu.vector_store_idx %arg9[%parallel_loop3A_196], %parallel_loop3A_141 masked %parallel_loop3A_192 : memref<3200xf32, #tpu.memory_space<vmem>>[vector<16xi32>], vector<16xf32>, vector<16xi1>
      tpu.vector_store_idx %arg10[%parallel_loop3A_196], %parallel_loop3A_145 masked %parallel_loop3A_192 : memref<3200xf32, #tpu.memory_space<vmem>>[vector<16xi32>], vector<16xf32>, vector<16xi1>
      tpu.vector_store_idx %arg11[%parallel_loop3A_196], %parallel_loop3A_133 masked %parallel_loop3A_192 : memref<3200xf32, #tpu.memory_space<vmem>>[vector<16xi32>], vector<16xf32>, vector<16xi1>
      tpu.vector_store_idx %arg12[%parallel_loop3A_196], %parallel_loop3A_137 masked %parallel_loop3A_192 : memref<3200xf32, #tpu.memory_space<vmem>>[vector<16xi32>], vector<16xf32>, vector<16xi1>
    } {sc.loop_unroll_factor = 1 : i64, sc.parallel_access}
    %parallel_loop3A_119 = arith.constant 0 : i32
    %parallel_loop3A_120 = arith.constant 200 : i32
    %parallel_loop3A_121 = arith.constant 1 : i32
    scf.for %parallel_loop3A_127 = %parallel_loop3A_119 to %parallel_loop3A_120 step %parallel_loop3A_121  : i32 {
      %parallel_loop3A_128 = arith.constant 16 : i32
      %parallel_loop3A_129 = arith.muli %parallel_loop3A_127, %parallel_loop3A_128 : i32
      %parallel_loop3A_130 = arith.constant 0 : i32
      %parallel_loop3A_131 = arith.index_cast %parallel_loop3A_130 : i32 to index
      %parallel_loop3A_132 = arith.index_cast %parallel_loop3A_129 : i32 to index
      %parallel_loop3A_133 = tpu.vector_load %arg6[%parallel_loop3A_131, %parallel_loop3A_132] {strides = array<i32>} : memref<2x3200xf32, #tpu.memory_space<vmem>>, vector<16xf32>,
      %parallel_loop3A_134 = arith.index_cast %parallel_loop3A_129 : i32 to index
      %parallel_loop3A_135 = tpu.vector_load %arg8[%parallel_loop3A_134] {strides = array<i32>} : memref<3200xf32, #tpu.memory_space<vmem>>, vector<16xf32>,
      %parallel_loop3A_136 = arith.index_cast %parallel_loop3A_129 : i32 to index
      %parallel_loop3A_137 = tpu.vector_load %arg9[%parallel_loop3A_136] {strides = array<i32>} : memref<3200xf32, #tpu.memory_space<vmem>>, vector<16xf32>,
      %parallel_loop3A_138 = arith.index_cast %parallel_loop3A_129 : i32 to index
      %parallel_loop3A_139 = tpu.vector_load %arg10[%parallel_loop3A_138] {strides = array<i32>} : memref<3200xf32, #tpu.memory_space<vmem>>, vector<16xf32>,
      %parallel_loop3A_140 = arith.index_cast %parallel_loop3A_129 : i32 to index
      %parallel_loop3A_141 = tpu.vector_load %arg11[%parallel_loop3A_140] {strides = array<i32>} : memref<3200xf32, #tpu.memory_space<vmem>>, vector<16xf32>,
      %parallel_loop3A_142 = arith.subf %parallel_loop3A_141, %parallel_loop3A_137 : vector<16xf32>
      %parallel_loop3A_143 = arith.index_cast %parallel_loop3A_129 : i32 to index
      %parallel_loop3A_144 = tpu.vector_load %arg12[%parallel_loop3A_143] {strides = array<i32>} : memref<3200xf32, #tpu.memory_space<vmem>>, vector<16xf32>,
      %parallel_loop3A_145 = arith.subf %parallel_loop3A_144, %parallel_loop3A_139 : vector<16xf32>
      %parallel_loop3A_146 = arith.mulf %parallel_loop3A_142, %parallel_loop3A_142 : vector<16xf32>
      %parallel_loop3A_147 = arith.mulf %parallel_loop3A_145, %parallel_loop3A_145 : vector<16xf32>
      %parallel_loop3A_148 = arith.addf %parallel_loop3A_146, %parallel_loop3A_147 : vector<16xf32>
      %parallel_loop3A_149 = arith.constant 1.000000e-30 : f32
      %parallel_loop3A_150 = vector.broadcast %parallel_loop3A_149 : f32 to vector<16xf32>
      %parallel_loop3A_151 = arith.maximumf %parallel_loop3A_148, %parallel_loop3A_150 : vector<16xf32>
      %parallel_loop3A_152 = tpu.bitcast %parallel_loop3A_151 : vector<16xf32> -> vector<16xi32>
      %parallel_loop3A_153 = arith.constant 1 : i32
      %parallel_loop3A_154 = vector.broadcast %parallel_loop3A_153 : i32 to vector<16xi32>
      %parallel_loop3A_155 = arith.shrsi %parallel_loop3A_152, %parallel_loop3A_154 : vector<16xi32>
      %parallel_loop3A_156 = arith.constant 1597463007 : i32
      %parallel_loop3A_157 = vector.broadcast %parallel_loop3A_156 : i32 to vector<16xi32>
      %parallel_loop3A_158 = arith.subi %parallel_loop3A_157, %parallel_loop3A_155 : vector<16xi32>
      %parallel_loop3A_159 = tpu.bitcast %parallel_loop3A_158 : vector<16xi32> -> vector<16xf32>
      %parallel_loop3A_160 = arith.constant 5.000000e-01 : f32
      %parallel_loop3A_161 = vector.broadcast %parallel_loop3A_160 : f32 to vector<16xf32>
      %parallel_loop3A_162 = arith.mulf %parallel_loop3A_161, %parallel_loop3A_151 : vector<16xf32>
      %parallel_loop3A_163 = arith.mulf %parallel_loop3A_162, %parallel_loop3A_159 : vector<16xf32>
      %parallel_loop3A_164 = arith.mulf %parallel_loop3A_163, %parallel_loop3A_159 : vector<16xf32>
      %parallel_loop3A_165 = arith.constant 1.500000e+00 : f32
      %parallel_loop3A_166 = vector.broadcast %parallel_loop3A_165 : f32 to vector<16xf32>
      %parallel_loop3A_167 = arith.subf %parallel_loop3A_166, %parallel_loop3A_164 : vector<16xf32>
      %parallel_loop3A_168 = arith.mulf %parallel_loop3A_159, %parallel_loop3A_167 : vector<16xf32>
      %parallel_loop3A_169 = arith.constant 5.000000e-01 : f32
      %parallel_loop3A_170 = vector.broadcast %parallel_loop3A_169 : f32 to vector<16xf32>
      %parallel_loop3A_171 = arith.mulf %parallel_loop3A_170, %parallel_loop3A_151 : vector<16xf32>
      %parallel_loop3A_172 = arith.mulf %parallel_loop3A_171, %parallel_loop3A_168 : vector<16xf32>
      %parallel_loop3A_173 = arith.mulf %parallel_loop3A_172, %parallel_loop3A_168 : vector<16xf32>
      %parallel_loop3A_174 = arith.constant 1.500000e+00 : f32
      %parallel_loop3A_175 = vector.broadcast %parallel_loop3A_174 : f32 to vector<16xf32>
      %parallel_loop3A_176 = arith.subf %parallel_loop3A_175, %parallel_loop3A_173 : vector<16xf32>
      %parallel_loop3A_177 = arith.mulf %parallel_loop3A_168, %parallel_loop3A_176 : vector<16xf32>
      %parallel_loop3A_178 = arith.constant 5.000000e-01 : f32
      %parallel_loop3A_179 = vector.broadcast %parallel_loop3A_178 : f32 to vector<16xf32>
      %parallel_loop3A_180 = arith.mulf %parallel_loop3A_179, %parallel_loop3A_151 : vector<16xf32>
      %parallel_loop3A_181 = arith.mulf %parallel_loop3A_180, %parallel_loop3A_177 : vector<16xf32>
      %parallel_loop3A_182 = arith.mulf %parallel_loop3A_181, %parallel_loop3A_177 : vector<16xf32>
      %parallel_loop3A_183 = arith.constant 1.500000e+00 : f32
      %parallel_loop3A_184 = vector.broadcast %parallel_loop3A_183 : f32 to vector<16xf32>
      %parallel_loop3A_185 = arith.subf %parallel_loop3A_184, %parallel_loop3A_182 : vector<16xf32>
      %parallel_loop3A_186 = arith.mulf %parallel_loop3A_177, %parallel_loop3A_185 : vector<16xf32>
      %parallel_loop3A_187 = arith.subf %parallel_loop3A_133, %parallel_loop3A_135 : vector<16xf32>
      %parallel_loop3A_188 = arith.mulf %parallel_loop3A_187, %parallel_loop3A_186 : vector<16xf32>
      %parallel_loop3A_189 = arith.mulf %parallel_loop3A_188, %parallel_loop3A_142 : vector<16xf32>
      %parallel_loop3A_190 = arith.addf %parallel_loop3A_137, %parallel_loop3A_189 : vector<16xf32>
      %parallel_loop3A_191 = arith.index_cast %parallel_loop3A_129 : i32 to index
      %parallel_loop3A_192 = tpu.vector_load %arg13[%parallel_loop3A_191] {strides = array<i32>} : memref<3200xf32, #tpu.memory_space<vmem>>, vector<16xf32>,
      tpu.vector_store %arg13[%parallel_loop3A_191], %parallel_loop3A_190 {strides = array<i32>} : memref<3200xf32, #tpu.memory_space<vmem>>, vector<16xf32>,
      %parallel_loop3A_193 = arith.mulf %parallel_loop3A_188, %parallel_loop3A_145 : vector<16xf32>
      %parallel_loop3A_194 = arith.addf %parallel_loop3A_139, %parallel_loop3A_193 : vector<16xf32>
      %parallel_loop3A_195 = arith.index_cast %parallel_loop3A_129 : i32 to index
      %parallel_loop3A_196 = tpu.vector_load %arg14[%parallel_loop3A_195] {strides = array<i32>} : memref<3200xf32, #tpu.memory_space<vmem>>, vector<16xf32>,
      tpu.vector_store %arg14[%parallel_loop3A_195], %parallel_loop3A_194 {strides = array<i32>} : memref<3200xf32, #tpu.memory_space<vmem>>, vector<16xf32>,
    } {sc.loop_unroll_factor = 1 : i64, sc.parallel_access}
    %not3A = arith.constant true
    %not3A_122 = arith.xori %eq3A_1, %not3A : i1
    %convert_element_type3A = arith.extui %not3A_122 : i1 to i32
    %cond3A = arith.constant 0 : i32
    %cond3A_123 = arith.cmpi ne, %convert_element_type3A, %cond3A : i32
    scf.if %cond3A_123 {
      "tpu.region"() ({
        %run_scoped3A = tpu.sem_alloc : memref<!tpu.dma_semaphore, #tpu.memory_space<semaphore_mem>>
        %dma_start3A_127 = tpu.memref_slice %arg4[%select_n3A] : memref<100000xf32, #tpu.memory_space<hbm>> -> memref<3200xf32, #tpu.memory_space<hbm>>
        %dma_start3A_128 = tpu.memref_slice %arg4[%select_n3A] : memref<100000xf32, #tpu.memory_space<hbm>> -> memref<3200xf32, #tpu.memory_space<hbm>>
        tpu.enqueue_dma source(%arg13 : memref<3200xf32, #tpu.memory_space<vmem>>) target(%dma_start3A_128 : memref<3200xf32, #tpu.memory_space<hbm>>) target_semaphore(%run_scoped3A : memref<!tpu.dma_semaphore, #tpu.memory_space<semaphore_mem>>)
        %dma_wait3A_129 = tpu.memref_slice %arg4[%select_n3A] : memref<100000xf32, #tpu.memory_space<hbm>> -> memref<3200xf32, #tpu.memory_space<hbm>>
        %dma_wait3A_130 = tpu.memref_slice %arg4[%select_n3A] : memref<100000xf32, #tpu.memory_space<hbm>> -> memref<3200xf32, #tpu.memory_space<hbm>>
        tpu.wait_dma2 semaphore(%run_scoped3A : memref<!tpu.dma_semaphore, #tpu.memory_space<semaphore_mem>>) src(%arg13 : memref<3200xf32, #tpu.memory_space<vmem>>) dst(%dma_wait3A_130 : memref<3200xf32, #tpu.memory_space<hbm>>)
        tpu.yield
      }) : () -> ()
      "tpu.region"() ({
        %run_scoped3A = tpu.sem_alloc : memref<!tpu.dma_semaphore, #tpu.memory_space<semaphore_mem>>
        %dma_start3A_127 = tpu.memref_slice %arg5[%select_n3A] : memref<100000xf32, #tpu.memory_space<hbm>> -> memref<3200xf32, #tpu.memory_space<hbm>>
        %dma_start3A_128 = tpu.memref_slice %arg5[%select_n3A] : memref<100000xf32, #tpu.memory_space<hbm>> -> memref<3200xf32, #tpu.memory_space<hbm>>
        tpu.enqueue_dma source(%arg14 : memref<3200xf32, #tpu.memory_space<vmem>>) target(%dma_start3A_128 : memref<3200xf32, #tpu.memory_space<hbm>>) target_semaphore(%run_scoped3A : memref<!tpu.dma_semaphore, #tpu.memory_space<semaphore_mem>>)
        %dma_wait3A_129 = tpu.memref_slice %arg5[%select_n3A] : memref<100000xf32, #tpu.memory_space<hbm>> -> memref<3200xf32, #tpu.memory_space<hbm>>
        %dma_wait3A_130 = tpu.memref_slice %arg5[%select_n3A] : memref<100000xf32, #tpu.memory_space<hbm>> -> memref<3200xf32, #tpu.memory_space<hbm>>
        tpu.wait_dma2 semaphore(%run_scoped3A : memref<!tpu.dma_semaphore, #tpu.memory_space<semaphore_mem>>) src(%arg14 : memref<3200xf32, #tpu.memory_space<vmem>>) dst(%dma_wait3A_130 : memref<3200xf32, #tpu.memory_space<hbm>>)
        tpu.yield
      }) : () -> ()
    } else {
    }
    %convert_element_type3A_124 = arith.extui %eq3A_1 : i1 to i32
    %cond3A_125 = arith.constant 0 : i32
    %cond3A_126 = arith.cmpi ne, %convert_element_type3A_124, %cond3A_125 : i32
    scf.if %cond3A_126 {
      "tpu.region"() ({
        %run_scoped3A = tpu.sem_alloc : memref<!tpu.dma_semaphore, #tpu.memory_space<semaphore_mem>>
        %dma_start3A_127 = arith.constant 0 : i32
        %dma_start3A_128 = tpu.memref_slice %arg13[%dma_start3A_127] : memref<3200xf32, #tpu.memory_space<vmem>> -> memref<3104xf32, #tpu.memory_space<vmem>>
        %dma_start3A_129 = arith.constant 96896 : i32
        %dma_start3A_130 = tpu.memref_slice %arg4[%dma_start3A_129] : memref<100000xf32, #tpu.memory_space<hbm>> -> memref<3104xf32, #tpu.memory_space<hbm>>
        %dma_start3A_131 = arith.constant 96896 : i32
        %dma_start3A_132 = tpu.memref_slice %arg4[%dma_start3A_131] : memref<100000xf32, #tpu.memory_space<hbm>> -> memref<3104xf32, #tpu.memory_space<hbm>>
        %dma_start3A_133 = arith.constant 0 : i32
        %dma_start3A_134 = tpu.memref_slice %arg13[%dma_start3A_133] : memref<3200xf32, #tpu.memory_space<vmem>> -> memref<3104xf32, #tpu.memory_space<vmem>>
        tpu.enqueue_dma source(%dma_start3A_134 : memref<3104xf32, #tpu.memory_space<vmem>>) target(%dma_start3A_132 : memref<3104xf32, #tpu.memory_space<hbm>>) target_semaphore(%run_scoped3A : memref<!tpu.dma_semaphore, #tpu.memory_space<semaphore_mem>>)
        %dma_wait3A_135 = arith.constant 0 : i32
        %dma_wait3A_136 = tpu.memref_slice %arg13[%dma_wait3A_135] : memref<3200xf32, #tpu.memory_space<vmem>> -> memref<3104xf32, #tpu.memory_space<vmem>>
        %dma_wait3A_137 = arith.constant 96896 : i32
        %dma_wait3A_138 = tpu.memref_slice %arg4[%dma_wait3A_137] : memref<100000xf32, #tpu.memory_space<hbm>> -> memref<3104xf32, #tpu.memory_space<hbm>>
        %dma_wait3A_139 = arith.constant 96896 : i32
        %dma_wait3A_140 = tpu.memref_slice %arg4[%dma_wait3A_139] : memref<100000xf32, #tpu.memory_space<hbm>> -> memref<3104xf32, #tpu.memory_space<hbm>>
        %dma_wait3A_141 = arith.constant 0 : i32
        %dma_wait3A_142 = tpu.memref_slice %arg13[%dma_wait3A_141] : memref<3200xf32, #tpu.memory_space<vmem>> -> memref<3104xf32, #tpu.memory_space<vmem>>
        tpu.wait_dma2 semaphore(%run_scoped3A : memref<!tpu.dma_semaphore, #tpu.memory_space<semaphore_mem>>) src(%dma_wait3A_142 : memref<3104xf32, #tpu.memory_space<vmem>>) dst(%dma_wait3A_140 : memref<3104xf32, #tpu.memory_space<hbm>>)
        tpu.yield
      }) : () -> ()
      "tpu.region"() ({
        %run_scoped3A = tpu.sem_alloc : memref<!tpu.dma_semaphore, #tpu.memory_space<semaphore_mem>>
        %dma_start3A_127 = arith.constant 0 : i32
        %dma_start3A_128 = tpu.memref_slice %arg14[%dma_start3A_127] : memref<3200xf32, #tpu.memory_space<vmem>> -> memref<3104xf32, #tpu.memory_space<vmem>>
        %dma_start3A_129 = arith.constant 96896 : i32
        %dma_start3A_130 = tpu.memref_slice %arg5[%dma_start3A_129] : memref<100000xf32, #tpu.memory_space<hbm>> -> memref<3104xf32, #tpu.memory_space<hbm>>
        %dma_start3A_131 = arith.constant 96896 : i32
        %dma_start3A_132 = tpu.memref_slice %arg5[%dma_start3A_131] : memref<100000xf32, #tpu.memory_space<hbm>> -> memref<3104xf32, #tpu.memory_space<hbm>>
        %dma_start3A_133 = arith.constant 0 : i32
        %dma_start3A_134 = tpu.memref_slice %arg14[%dma_start3A_133] : memref<3200xf32, #tpu.memory_space<vmem>> -> memref<3104xf32, #tpu.memory_space<vmem>>
        tpu.enqueue_dma source(%dma_start3A_134 : memref<3104xf32, #tpu.memory_space<vmem>>) target(%dma_start3A_132 : memref<3104xf32, #tpu.memory_space<hbm>>) target_semaphore(%run_scoped3A : memref<!tpu.dma_semaphore, #tpu.memory_space<semaphore_mem>>)
        %dma_wait3A_135 = arith.constant 0 : i32
        %dma_wait3A_136 = tpu.memref_slice %arg14[%dma_wait3A_135] : memref<3200xf32, #tpu.memory_space<vmem>> -> memref<3104xf32, #tpu.memory_space<vmem>>
        %dma_wait3A_137 = arith.constant 96896 : i32
        %dma_wait3A_138 = tpu.memref_slice %arg5[%dma_wait3A_137] : memref<100000xf32, #tpu.memory_space<hbm>> -> memref<3104xf32, #tpu.memory_space<hbm>>
        %dma_wait3A_139 = arith.constant 96896 : i32
        %dma_wait3A_140 = tpu.memref_slice %arg5[%dma_wait3A_139] : memref<100000xf32, #tpu.memory_space<hbm>> -> memref<3104xf32, #tpu.memory_space<hbm>>
        %dma_wait3A_141 = arith.constant 0 : i32
        %dma_wait3A_142 = tpu.memref_slice %arg14[%dma_wait3A_141] : memref<3200xf32, #tpu.memory_space<vmem>> -> memref<3104xf32, #tpu.memory_space<vmem>>
        tpu.wait_dma2 semaphore(%run_scoped3A : memref<!tpu.dma_semaphore, #tpu.memory_space<semaphore_mem>>) src(%dma_wait3A_142 : memref<3104xf32, #tpu.memory_space<vmem>>) dst(%dma_wait3A_140 : memref<3104xf32, #tpu.memory_space<hbm>>)
        tpu.yield
      }) : () -> ()
    } else {
    }
    return
  }
}

</mosaic_0001>

<sc_bundles>
// kernel: _sl_to_xy.3.cloned.1.call-start
scs
__scs_entry_jumppad:
0x0: {  	(pc) =	sbr.rel $0x88, $3  }
0x1: {  	(tag) =	ssettag $0x0;
	lr =	simm.s32 $0x1  }
0x2: {  	[smem:$0x3F9F] =	sst lr;
	_ =	strace $0xD0000000  }
0x3: {  	_ = 	snop  }
0x4: {  	_ = 	snop  }
0x5: {  	_ = 	snop  }
0x6: {  	_ = 	snop  }
0x7: {  	_ = 	snop  }
__scs_overlays_trampoline_lowered:
0x8: {  	[smem:$0x3FAE] =	sst s0  }
0x9: {  	[smem:$0x3FAF] =	sst s1  }
0xa: {  	[smem:$0x3FB0] =	sst s2  }
0xb: {  	[smem:$0x3FB1] =	sst s3  }
0xc: {  	[smem:$0x3FB2] =	sst s4  }
0xd: {  	[smem:$0x3FB3] =	sst s5  }
0xe: {  	[smem:$0x3FB4] =	sst s6  }
0xf: {  	[smem:$0x3FB5] =	sst s7  }
0x10: {  	[smem:$0x3FB6] =	sst s8  }
0x11: {  	[smem:$0x3FB7] =	sst s9;
	s0 =	simm.s32 @!p0 $0x0  }
0x12: {  	s1 =	sld [smem:$0x3F9D];
	s0 =	simm.s32 @p0 $0x1  }
0x13: {  	[smem:$0x3FB8] =	sst s0;
	s0 =	simm.s32 @!p1 $0x0  }
0x14: {  	s2 =	sld [smem:$0x3F9C];
	s0 =	simm.s32 @p1 $0x1  }
0x15: {  	[smem:$0x3FB9] =	sst s0;
	s0 =	simm.s32 @!p2 $0x0  }
0x16: {  	s3 =	sld [smem:$0x3FDB];
	s0 =	simm.s32 @p2 $0x1  }
0x17: {  	s4 =	simm.s32 $0x1BF5;
	[smem:$0x3FBB] =	sst s0  }
0x18: {  	s0 =	sld [smem:$0x3F9E];
	_ =	swait.ge [sflag:s4], $0x0  }
0x19: {  	s7 =	sld [smem:$0x3F9F]  }
0x1a: {  	s8 =	sadd.s32 $0xFFFFE003, lr  }
0x1b: {  	s9 =	sadd.s32 $0xFFFFFEF7, lr;
	s5 =	simm.s32 $0xFFFFFFFF;
	p2 =	slt.u32 s8, $0xFFFFF086  }
0x1c: {  	p1 =	slt.u32 s9, $0xF7A;
	s5 =	simm.s32 @!p2 $0x0  }
0x1d: {  	s5 =	simm.s32 @p1 $0x1;
	p0 =	seq.s32 s7, s2  }
0x1e: {  	s7 =	smul.u32 @!p0 $0xF7A, s2;
	p2 =	seq.s32 @!p0 s5, $0x0  }
0x1f: {  	s9 =	smul.u32 $0xF7A, s1;
	s8 =	simm.s32 @!p0 $0x1BF5;
	p2 =	por !p2, p0  }
0x20: {  	[sflag:s8] =	ssyncset.s32 @!p0 $0xFFFFF086;
	s6 =	sadd.s32 @!p0 s3, s7;
	s7 =	simm.s32 @!p0 $0x108  }
0x21: {  	s3 =	sadd.s32 s3, s9;
	s6 =	sadd.s32 @!p0 $0x88, s6;
	s7 =	simm.s32 @p2 $0x1082  }
0x22: {  	[simem:s7], [sflag:s8] =	dma.local @!p0 [hbm:s6], $0xF7A  }
0x23: {  	s9 =	sor.u32 $0xD0000000, s2;
	s6 =	simm.s32 $0x108;
	_ =	swait.ge @!p0 [sflag:s8], $0x0  }
0x24: {  	s3 =	sadd.s32 $0x88, s3;
	s6 =	simm.s32 @!p1 $0x1082;
	[sflag:s4] =	ssyncset.s32 $0xFFFFF086  }
0x25: {  	[simem:s6], [sflag:s4] =	dma.local [hbm:s3], $0xF7A  }
0x26: {  	[smem:$0x3F9F] =	sst s1;
	(tag) =	ssettag s2;
	_ =	strace s9  }
0x27: {  	s1 =	sld [smem:$0x3FAF]  }
0x28: {  	s2 =	sld [smem:$0x3FB0]  }
0x29: {  	s4 =	sld [smem:$0x3FB2]  }
0x2a: {  	p0 =	seq.s32 s5, $0x0;
	s5 =	sld [smem:$0x3FB3]  }
0x2b: {  	s6 =	sld [smem:$0x3FB4]  }
0x2c: {  	s7 =	sld [smem:$0x3FB5]  }
0x2d: {  	s3 =	simm.s32 $0x108;
	s8 =	sld [smem:$0x3FB6]  }
0x2e: {  	s3 =	simm.s32 @!p0 $0x1082;
	s9 =	sld [smem:$0x3FB7]  }
0x2f: {  	lr =	sadd.s32 s0, s3;
	s0 =	sld [smem:$0x3FAE]  }
0x30: {  	s3 =	sld [smem:$0x3FB1]  }
0x31: {  	[smem:$0x3FBA] =	sst s10  }
0x32: {  	s10 =	sld [smem:$0x3FB8];
	_ =	sdelay $0x3  }
0x33: {  	p0 =	seq.s32 s10, $0x1;
	s10 =	sld [smem:$0x3FBA];
	_ =	sdelay $0x3  }
0x34: {  	[smem:$0x3FBA] =	sst s10  }
0x35: {  	s10 =	sld [smem:$0x3FB9];
	_ =	sdelay $0x3  }
0x36: {  	p1 =	seq.s32 s10, $0x1;
	s10 =	sld [smem:$0x3FBA];
	_ =	sdelay $0x3  }
0x37: {  	[smem:$0x3FBA] =	sst s10  }
0x38: {  	s10 =	sld [smem:$0x3FBB]  }
0x39: {  	_ = 	snop;
	(pc) =	sbr.ind lr, $3  }
0x3a: {  	_ = 	snop  }
0x3b: {  	_ = 	snop  }
0x3c: {  	p2 =	seq.s32 s10, $0x1;
	s10 =	sld [smem:$0x3FBA]  }
0x3d: {  	_ =	shalt  }
0x3e: {  	_ =	shalt  }
0x3f: {  	_ =	shalt  }
0x40: {  	_ =	shalt  }
0x41: {  	_ =	shalt  }
0x42: {  	_ =	shalt  }
0x43: {  	_ =	shalt  }
0x44: {  	_ =	shalt  }
0x45: {  	_ =	shalt  }
0x46: {  	_ =	shalt  }
0x47: {  	_ =	shalt  }
0x48: {  	_ =	shalt  }
0x49: {  	_ =	shalt  }
0x4a: {  	_ =	shalt  }
0x4b: {  	_ =	shalt  }
0x4c: {  	_ =	shalt  }
0x4d: {  	_ =	shalt  }
0x4e: {  	_ =	shalt  }
0x4f: {  	_ =	shalt  }
0x50: {  	_ =	shalt  }
0x51: {  	_ =	shalt  }
0x52: {  	_ =	shalt  }
0x53: {  	_ =	shalt  }
0x54: {  	_ =	shalt  }
0x55: {  	_ =	shalt  }
0x56: {  	_ =	shalt  }
0x57: {  	_ =	shalt  }
0x58: {  	_ =	shalt  }
0x59: {  	_ =	shalt  }
0x5a: {  	_ =	shalt  }
0x5b: {  	_ =	shalt  }
0x5c: {  	_ =	shalt  }
0x5d: {  	_ =	shalt  }
0x5e: {  	_ =	shalt  }
0x5f: {  	_ =	shalt  }
0x60: {  	_ =	shalt  }
0x61: {  	_ =	shalt  }
0x62: {  	_ =	shalt  }
0x63: {  	_ =	shalt  }
0x64: {  	_ =	shalt  }
0x65: {  	_ =	shalt  }
0x66: {  	_ =	shalt  }
0x67: {  	_ =	shalt  }
0x68: {  	_ =	shalt  }
0x69: {  	_ =	shalt  }
0x6a: {  	_ =	shalt  }
0x6b: {  	_ =	shalt  }
0x6c: {  	_ =	shalt  }
0x6d: {  	_ =	shalt  }
0x6e: {  	_ =	shalt  }
0x6f: {  	_ =	shalt  }
0x70: {  	_ =	shalt  }
0x71: {  	_ =	shalt  }
0x72: {  	_ =	shalt  }
0x73: {  	_ =	shalt  }
0x74: {  	_ =	shalt  }
0x75: {  	_ =	shalt  }
0x76: {  	_ =	shalt  }
0x77: {  	_ =	shalt  }
0x78: {  	_ =	shalt  }
0x79: {  	_ =	shalt  }
0x7a: {  	_ =	shalt  }
0x7b: {  	_ =	shalt  }
0x7c: {  	_ =	shalt  }
0x7d: {  	_ =	shalt  }
0x7e: {  	_ =	shalt  }
0x7f: {  	_ =	shalt  }
0x80: {  	_ =	shalt  }
0x81: {  	_ =	shalt  }
0x82: {  	_ =	shalt  }
0x83: {  	_ =	shalt  }
0x84: {  	_ =	shalt  }
0x85: {  	_ =	shalt  }
0x86: {  	_ =	shalt  }
0x87: {  	_ =	shalt  }
.Lfunc_end0:
.L_simem_size_0:
called_computation_lowered:
.L_overlay_start_0:
0x88: {  	s2 =	sld [smem:$0x3FD9]  }
0x89: {  	s3 =	sld [smem:$0x3FFE];
	_ =	sdelay $0x1  }
0x8a: {  	s1 =	srdreg.scid  }
0x8b: {  	s0 =	sand.u32 $0x1, s1  }
0x8c: {  	s15 =	sshll.u32 s0, $0xA;
	s2 =	sadd.s32 s3, s2  }
0x8d: {  	s2 =	sadd.s32 s2, s15  }
0x8e: {  	[smem:$0x3FC6] =	sst s2  }
0x8f: {  	_ = 	snop  }
0x90: {  	s2 =	sld [smem:$0x3FD0];
	_ =	sdelay $0x1  }
0x91: {  	s16 =	sld [smem:$0x3FC9]  }
0x92: {  	s5 =	simm.s32 $0xA;
	s6 =	simm.s32 $0x10;
	s4 =	sld [smem:$0x3FC8]  }
0x93: {  	[smem:s6], [sflag:s5] =	dma.local [hbm:s2], $0x1  }
0x94: {  	_ =	swait.eq [sflag:s5], $0x1  }
0x95: {  	[sflag:s5] =	ssyncset.done $0x0  }
0x96: {  	s17 =	sld [smem:$0x10];
	[sflag:s5] =	ssyncadd.s32 $0xFFFFFFFF  }
0x97: {  	s18 =	sld [smem:$0x11];
	(tm) =	ssettm $0x1  }
0x98: {  	s19 =	sld [smem:$0x3FFB];
	_ =	sdelay $0x3  }
0x99: {  	_ =	strace s19  }
0x9a: {  	s6 =	sld [smem:$0x3FFC];
	_ =	sdelay $0x3  }
0x9b: {  	_ =	strace s6  }
0x9c: {  	s6 =	sld [smem:$0x3FFD];
	_ =	sdelay $0x3  }
0x9d: {  	_ =	strace s6  }
0x9e: {  	_ =	strace $0x8FFFFFFF  }
0x9f: {  	s20 =	sld [smem:$0x3FDB];
	_ =	sdelay $0x1  }
0xa0: {  	s7 =	simm.s32 $_scs_section_size  }
0xa1: {  	s8 =	simm.s32 $_size__tile_overlayer_lowered;
	s9 =	simm.s32 $_tile_overlayer_lowered  }
0xa2: {  	s23 =	simm.s32 $0x1BFF;
	s22 =	sshll.u32 s9, $0x1;
	s6 =	sadd.s32 s7, s20  }
0xa3: {  	s10 =	simm.s32 $0x0;
	s21 =	sshll.u32 s8, $0x1;
	s8 =	sadd.s32 s22, s6  }
0xa4: {  	[timem:s10], [sflag:s23] =	dma.local [hbm:s8], s21  }
0xa5: {  	_ =	swait.ge [sflag:s23], s21  }
0xa6: {  	s7 =	ssub.s32 $0x0, s21;
	[sflag:s23] =	ssyncset.done $0x0  }
0xa7: {  	[sflag:s23] =	ssyncadd.s32 s7;
	_ =	sdelay $0x1  }
0xa8: {  	s24 =	simm.s32 $0x1B8B  }
0xa9: {  	_ =	swait.ge [sflag:s24], $0x1  }
0xaa: {  	[sflag:s24] =	ssyncset.done $0x0  }
0xab: {  	s25 =	simm.s32 $0x1B8E;
	[sflag:s24] =	ssyncadd.s32 $0xFFFFFFFF  }
0xac: {  	s26 =	simm.s32 $execute0_lowered;
	[smem:$0x3FD2] =	sst s25  }
0xad: {  	s7 =	sshll.u32 s26, $0x1;
	_ =	strace $0x80000046;
	[dreg:$0x1] =	wrdreg $0xFFFFFFFF  }
0xae: {  	s28 =	simm.s32 $_size_execute0_lowered;
	s6 =	sadd.s32 s6, s7;
	[dreg:$0x0] =	wrdreg $0x0  }
0xaf: {  	s7 =	sshll.u32 s28, $0x1;
	[dreg:$0x2] =	wrdreg s6  }
0xb0: {  	[dreg:$0x3] =	wrdreg s7  }
0xb1: {  	[dreg:$0x4] =	wrdreg $0xC0  }
0xb2: {  	_ =	task [dreg:s10], $0x5FFFF  }
0xb3: {  	[dreg:$0x1] =	wrdreg $0xFFFFFFFF  }
0xb4: {  	[dreg:$0x0] =	wrdreg $0x60  }
0xb5: {  	[dreg:$0x2] =	wrdreg s16  }
0xb6: {  	[dreg:$0x3] =	wrdreg s4  }
0xb7: {  	[dreg:$0x4] =	wrdreg s17  }
0xb8: {  	[dreg:$0x5] =	wrdreg s18  }
0xb9: {  	[dreg:$0x6] =	wrdreg $0x9  }
0xba: {  	_ =	task.clear_ibuf [dreg:s10], $0x7FFFF;
	_ =	strace $0x90000046  }
0xbb: {  	s29 =	simm.s32 $0x9;
	_ =	strace $0x80000048  }
0xbc: {  	_ =	swait.ge [sflag:s29], $0x1  }
0xbd: {  	[sflag:s29] =	ssyncadd.s32 $0xFFFFFFFF  }
0xbe: {  	_ =	strace $0x90000048  }
0xbf: {  	_ =	sfence  }
0xc0: {  	s30 =	sld [smem:$0x0];
	_ =	sdelay $0x2  }
0xc1: {  	s31 =	sshll.u32 s1, $0xD;
	s1 =	sshrl.u32 s1, $0x2  }
0xc2: {  	s3 =	sand.u32 $0x4000, s31;
	s1 =	sadd.s32 s1, s30  }
0xc3: {  	s0 =	sor.u32 s3, s0;
	s1 =	sshll.u32 s1, $0x11  }
0xc4: {  	s0 =	sor.u32 s1, s0  }
0xc5: {  	s0 =	sadd.s32 $0x8F2B, s0  }
0xc6: {  	[sflag:s0] =	ssyncadd.remote.s32 $0x1  }
0xc7: {  	_ =	sfence.sel $0xFFFF  }
0xc8: {  	[dreg:$0x0] =	wrdreg $0xFFFFFFFF;
	(pc) =	sbr.abs _section_cstart, $3  }
0xc9: {  	[dreg:$0x1] =	wrdreg $0xFFFFFFFF  }
0xca: {  	_ =	task.clear_ibuf [dreg:s10], $0x2FFFF;
	_ =	strace $0x9FFFFFFF  }
0xcb: {  	(tm) =	ssettm $0x7FFFFFFF  }
tec
execute0_lowered:
.L_overlay_start_1:
0x0: {  	(tag) =	ssettag $0x1  }
0x1: {  	s1 =	rddreg [dreg:$0x0]  }
0x2: {  	s0 =	srdreg.scid;
	s4 =	rddreg [dreg:$0x1]  }
0x3: {  	s2 =	stileid.u32;
	s5 =	rddreg [dreg:$0x2]  }
0x4: {  	s7 =	rddreg [dreg:$0x3];
	s3 =	simm.s32 $0x0;
	s28 =	simm.s32 $0x3E80  }
0x5: {  	s29 =	simm.s32 $0x4B00;
	s0 =	sand.u32 $0x1, s0;
	s2 =	sshll.u32 s2, $0x1  }
0x6: {  	s30 =	simm.s32 $0x5780;
	[smem:$0x7FF] =	sst s3;
	s2 =	sor.u32 s0, s2  }
0x7: {  	s25 =	sadd.s32 $0x2F50, s5;
	s26 =	sadd.s32 $0x2F50, s7;
	s6 =	smul.u32 $0x19, s2  }
0x8: {  	s0 =	ssub.s32 $0x2, s0;
	p0 =	seq.s32 s2, $0x1F;
	s2 =	smul.u32 $0x190, s2  }
0x9: {  	_ =	strace $0x80000047;
	[dreg:$0x11] =	wrdreg s25;
	s9 =	sshrl.u32 s0, $0x1  }
0xa: {  	[dreg:$0x12] =	wrdreg s26;
	s0 =	ssub.s32 s0, s9;
	s24 =	sadd.s32 s5, s2  }
0xb: {  	s6 =	simm.s32 @p0 $0x2F5;
	s2 =	sadd.s32 s7, s2;
	[dreg:$0xf] =	wrdreg s24  }
0xc: {  	s0 =	smax.u32 s0, $0x1;
	s17 =	sshll.u32 s6, $0x5;
	[dreg:$0x10] =	wrdreg s2  }
0xd: {  	s8 =	sshll.u32 s6, $0x9;
	[dreg:$0x13] =	wrdreg s0;
	s4 =	sadd.s32 s4, s17  }
0xe: {  	s18 =	sshll.u32 s6, $0x6;
	s9 =	sadd.s32 $0x1E8C00, s8;
	[dreg:$0x5] =	wrdreg s4  }
0xf: {  	s10 =	sshrl.u32 s8, $0x3;
	s4 =	sadd.s32 s1, s18;
	[dreg:$0x9] =	wrdreg s9  }
0x10: {  	s11 =	sadd.s32 s1, s10;
	s10 =	sadd.s32 $0x187000, s8;
	[dreg:$0xc] =	wrdreg s4  }
0x11: {  	s31 =	simm.s32 $0x3;
	s19 =	sadd.s32 $0xC380, s11;
	[dreg:$0xa] =	wrdreg s10  }
0x12: {  	s25 =	simm.s32 $0x2580;
	s20 =	sadd.s32 $0x18700, s11;
	[dreg:$0x6] =	wrdreg s19  }
0x13: {  	s26 =	simm.s32 $0x3200;
	s21 =	sadd.s32 $0x24A80, s11;
	[dreg:$0x7] =	wrdreg s20  }
0x14: {  	s24 =	simm.s32 $0x2;
	s22 =	sadd.s32 $0x710600, s11;
	[dreg:$0x8] =	wrdreg s21  }
0x15: {  	s23 =	sadd.s32 $0x71C980, s11;
	s4 =	simm.s32 $0x0;
	[dreg:$0xd] =	wrdreg s22  }
0x16: {  	s20 =	sadd.s32 $0x24A800, s8;
	[dreg:$0xe] =	wrdreg s23;
	s21 =	simm.s32 $0x7D00  }
0x17: {  	v0 =	vimm.f32 $0.0e+00;
	v1 =	vlaneseq.u32;
	s22 =	simm.s32 $0xAF00;
	s23 =	simm.s32 $0x1;
	[dreg:$0xb] =	wrdreg s20  }
.LBB2_1:
0x18: {  	[dreg:$0x14] =	wrdreg s4  }
0x19: {  	s0 =	rddreg [dreg:$0x5];
	s8 =	simm.s32 $0x4  }
0x1a: {  	[tilespmem:s3], [sflag:$0x4] =	stream.linear.gather [hbm4b:s0+s3], $0x1900, $0x38;
	[tilespmem:$0x11300] =	vst v63  }
0x1b: {  	_ =	swait.ge [sflag:s8], $0x1900  }
0x1c: {  	[sflag:s8] =	ssyncset.done $0x0  }
0x1d: {  	s11 =	rddreg [dreg:$0xc];
	[sflag:s8] =	ssyncadd.s32 $0xFFFFE700  }
0x1e: {  	[tilespmem:s21], [sflag:$0x1] =	stream.linear.gather [hbm4b:s11+s3], $0x3200, $0x38;
	[tilespmem:$0x11300] =	vst v63  }
0x1f: {  	s12 =	rddreg [dreg:$0x6]  }
0x20: {  	[tilespmem:s22], [sflag:$0x2] =	stream.linear.gather [hbm4b:s12+s3], $0x3200, $0x38;
	[tilespmem:$0x11300] =	vst v63  }
0x21: {  	s2 =	simm.s32 $0xE100;
	s13 =	rddreg [dreg:$0x7]  }
0x22: {  	[tilespmem:s2], [sflag:$0x3] =	stream.linear.gather [hbm4b:s13+s3], $0x3200, $0x38;
	[tilespmem:$0x11300] =	vst v63  }
0x23: {  	_ =	swait.ge [sflag:s23], $0x3200  }
0x24: {  	[sflag:s23] =	ssyncset.done $0x0  }
0x25: {  	[sflag:s23] =	ssyncadd.s32 $0xFFFFCE00  }
0x26: {  	s5 =	simm.s32 $0x10;
	s14 =	simm.s32 $0x0;
	_ =	swait.ge [sflag:s24], $0x3200  }
0x27: {  	s0 =	sand.u32 $0xFFFFFE00, s14;
	s15 =	sand.u32 $0x70, s5;
	[sflag:s24] =	ssyncset.done $0x0  }
0x28: {  	s16 =	sor.u32 s0, s15;
	[sflag:s24] =	ssyncadd.s32 $0xFFFFCE00  }
0x29: {  	v23 =	vld [tilespmem:s16+$0xAF00]  }
0x2a: {  	v27 =	vld [tilespmem:s16+$0xAF80]  }
0x2b: {  	v21 =	vld [tilespmem:s16+$0x7D00]  }
0x2c: {  	v29 =	vld [tilespmem:s16+$0x7D80]  }
0x2d: {  	s6 =	simm.s32 $0x0  }
0x2e: {  	s8 =	sand.u32 $0x60, s6  }
0x2f: {  	s0 =	sor.u32 s8, s0  }
0x30: {  	v2 =	vld [tilespmem:s0+$0xAF00]  }
0x31: {  	v10 =	vld [tilespmem:s0+$0xAF80];
	v3 =	vsub.f32 v23, v21;
	v4 =	vsub.f32 v27, v29  }
0x32: {  	v16 =	vld [tilespmem:s0+$0x7D80]  }
0x33: {  	v15 =	vld [tilespmem:s0+$0x7D00];
	v3 =	vmul.f32 v3, v3;
	v4 =	vmul.f32 v4, v4;
	_ =	sdelay $0x1  }
0x34: {  	v3 =	vadd.f32 v4, v3;
	_ =	sdelay $0x1  }
0x35: {  	v5 =	vsub.f32 v10, v16;
	v12 =	vmax.f32 v3, $1.000000000e-30  }
0x36: {  	s17 =	simm.s32 $0x80;
	s0 =	simm.s32 $0x30;
	v4 =	vsub.f32 v2, v15;
	v3 =	vshra.s32 v12, $0x1;
	v13 =	vmul.f32 $5.000000000e-01, v12  }
0x37: {  	s7 =	sand.u32 $0xFFFFFE00, s17;
	s2 =	sand.u32 $0x70, s0;
	v5 =	vmul.f32 v5, v5;
	v3 =	vsub.s32 $0x5F3759DF, v3  }
0x38: {  	s13 =	sor.u32 s7, s2;
	v6 =	vmul.f32 v4, v4;
	v7 =	vmul.f32 v3, v13  }
0x39: {  	v8 =	vld [tilespmem:s13+$0x7D00]  }
0x3a: {  	s12 =	simm.s32 $0x20;
	v9 =	vld [tilespmem:s13+$0x7D80];
	v6 =	vadd.f32 v5, v6;
	v7 =	vmul.f32 v3, v7  }
0x3b: {  	s11 =	sand.u32 $0x60, s12;
	v4 =	vld [tilespmem:s13+$0xAF00]  }
0x3c: {  	s7 =	sor.u32 s11, s7;
	v5 =	vld [tilespmem:s13+$0xAF80];
	v18 =	vmax.f32 v6, $1.000000000e-30;
	v7 =	vsub.f32 $1.500000000e+00, v7  }
0x3d: {  	v11 =	vld [tilespmem:s7+$0xAF00];
	v6 =	vshra.s32 v18, $0x1;
	v14 =	vmul.f32 $5.000000000e-01, v18  }
0x3e: {  	v17 =	vsub.s32 $0x5F3759DF, v6;
	v6 =	vld [tilespmem:s7+$0x7D00];
	v20 =	vmul.f32 v3, v7  }
0x3f: {  	v19 =	vmul.f32 v17, v14  }
0x40: {  	v22 =	vsub.f32 v4, v8;
	v13 =	vmul.f32 v20, v13  }
0x41: {  	v24 =	vsub.f32 v5, v9;
	v3 =	vld [tilespmem:s7+$0xAF80];
	v19 =	vmul.f32 v17, v19  }
0x42: {  	s18 =	simm.s32 $0x0;
	v22 =	vmul.f32 v22, v22;
	v7 =	vld [tilespmem:s7+$0x7D80];
	v13 =	vmul.f32 v13, v20  }
0x43: {  	s19 =	sand.u32 $0x3FFFFF00, s18;
	v24 =	vmul.f32 v24, v24;
	v19 =	vsub.f32 $1.500000000e+00, v19;
	v25 =	vsub.f32 v11, v6  }
0x44: {  	s4 =	sor.u32 s15, s19;
	v13 =	vsub.f32 $1.500000000e+00, v13  }
0x45: {  	v19 =	vmul.f32 v17, v19;
	v17 =	vadd.f32 v24, v22;
	v24 =	vmul.f32 v25, v25;
	v25 =	vld [tilespmem:s4+$0x0]  }
0x46: {  	v13 =	vmul.f32 v13, v20  }
0x47: {  	v22 =	vsub.f32 v3, v7  }
0x48: {  	v14 =	vmul.f32 v19, v14;
	v26 =	vmax.f32 v17, $1.000000000e-30;
	v32 =	vmul.f32 v13, v12  }
0x49: {  	s17 =	simm.s32 $0x100;
	s7 =	simm.s32 $0x50;
	v17 =	vmul.f32 v22, v22;
	v31 =	vmul.f32 $5.000000000e-01, v26;
	v20 =	vshra.s32 v26, $0x1  }
0x4a: {  	s14 =	sand.u32 $0xFFFFFE00, s17;
	s8 =	sor.u32 s8, s19;
	s4 =	sand.u32 $0x70, s7;
	v30 =	vsub.s32 $0x5F3759DF, v20;
	vm0 =	vge.f32 v25, $0.0e+00;
	vm1 =	vlt.f32 v25, v32  }
0x4b: {  	v33 =	vld [tilespmem:s8+$0x0];
	s15 =	sor.u32 s14, s4;
	v13 =	vmul.f32 v14, v19;
	v14 =	vadd.f32 v17, v24;
	vm1 =	vmand vm0, vm1  }
0x4c: {  	v35 =	vor.u32 s5, v1;
	v20 =	vld [tilespmem:s15+$0x7D00];
	v22 =	vmul.f32 v30, v31  }
0x4d: {  	v12 =	vld [tilespmem:s15+$0xAF00];
	v24 =	vmax.f32 v14, $1.000000000e-30;
	v25 =	vsub.f32 $1.500000000e+00, v13  }
0x4e: {  	s16 =	simm.s32 $0x40;
	v17 =	vld [tilespmem:s15+$0xAF80];
	v14 =	vmul.f32 v30, v22;
	v32 =	vadd.f32 $0.0e+00, v32;
	v13 =	vshra.s32 v24, $0x1  }
0x4f: {  	s5 =	sand.u32 $0x60, s16;
	v22 =	vld [tilespmem:s15+$0x7D80];
	v28 =	vmul.f32 $5.000000000e-01, v24;
	v37 =	vmul.f32 v25, v19;
	v25 =	vor.u32 s6, v1;
	s6 =	simm.s32 $0x1910  }
0x50: {  	s14 =	sor.u32 s5, s14;
	v34 =	vsub.s32 $0x5F3759DF, v13;
	v36 =	vsub.f32 $1.500000000e+00, v14;
	[tilespmem:s6+$0x0] =	vst v32  }
0x51: {  	v13 =	vld [tilespmem:s14+$0xAF00];
	v38 =	vmul.f32 v34, v28;
	[tilespmem:v35+s25+$0x0] =	vst.idx.msk vm1, v0  }
0x52: {  	v14 =	vld [tilespmem:s14+$0x7D00];
	v60 =	vsub.f32 v12, v20;
	v30 =	vmul.f32 v30, v36;
	[tilespmem:v35+s26+$0x0] =	vst.idx.msk vm1, v21  }
0x53: {  	vm0 =	vge.f32 v33, $0.0e+00;
	v59 =	vmul.f32 v37, v18;
	v38 =	vmul.f32 v34, v38;
	v21 =	vld [tilespmem:s14+$0xAF80];
	[tilespmem:v35+s28+$0x0] =	vst.idx.msk vm1, v29  }
0x54: {  	v19 =	vor.u32 s12, v1;
	v61 =	vsub.f32 v17, v22;
	v31 =	vmul.f32 v30, v31;
	[tilespmem:v35+s29+$0x0] =	vst.idx.msk vm1, v23;
	v23 =	vld [tilespmem:s14+$0x7D80]  }
0x55: {  	s18 =	simm.s32 $0x40;
	v37 =	vmul.f32 v60, v60;
	vm2 =	vlt.f32 v33, v59;
	v62 =	vsub.f32 $1.500000000e+00, v38  }
0x56: {  	s19 =	sand.u32 $0x3FFFFF00, s18;
	v63 =	vmul.f32 v61, v61;
	vm0 =	vmand vm0, vm2;
	v39 =	vmul.f32 v31, v30  }
0x57: {  	s8 =	sor.u32 s11, s19;
	s2 =	sor.u32 s2, s19;
	v32 =	vsub.f32 v13, v14;
	v31 =	vadd.f32 $0.0e+00, v59;
	v29 =	vmul.f32 v34, v62  }
0x58: {  	s11 =	simm.s32 $0x50;
	s13 =	simm.s32 $0x4;
	s12 =	simm.s32 $0x4;
	v18 =	vor.u32 s16, v1;
	v34 =	vadd.f32 v63, v37;
	v33 =	vsub.f32 $1.500000000e+00, v39;
	[tilespmem:v35+s30+$0x0] =	vst.idx.msk vm1, v27  }
.LBB2_2:
0x59: {  	s13 =	sadd.s32 $0x2, s13;
	v27 =	vsub.f32 v21, v23;
	v32 =	vmul.f32 v32, v32;
	v28 =	vmul.f32 v29, v28;
	v35 =	vld [tilespmem:s2+$0x0];
	[tilespmem:s6+$0xFFFFFFF0] =	vst v31;
	s2 =	smov.u32 s5  }
0x5a: {  	s7 =	sadd.s32 $0x20, s7;
	v36 =	vmovc v17;
	s5 =	sshll.u32 s13, $0x6;
	p1 =	slt.u32 s13, $0xC6;
	v31 =	vmax.f32 v34, $1.000000000e-30;
	v34 =	vld [tilespmem:s8+$0x0];
	v30 =	vmul.f32 v33, v30;
	v33 =	vmovc v8;
	v8 =	vmov v20  }
0x5b: {  	v37 =	vmovc v9;
	v9 =	vmovc v22;
	s8 =	sadd.s32 $0xFFFFFFF0, s7;
	s14 =	sand.u32 $0x70, s7;
	s15 =	sand.u32 $0xFFFFFE00, s5;
	v17 =	vmul.f32 v27, v27;
	v20 =	vshra.s32 v31, $0x1;
	v27 =	vmul.f32 $5.000000000e-01, v31  }
0x5c: {  	s5 =	sand.u32 $0x60, s8;
	s16 =	sor.u32 s15, s14;
	v38 =	vsub.s32 $0x5F3759DF, v20;
	v20 =	vmul.f32 v28, v29;
	v30 =	vmul.f32 v30, v26;
	[tilespmem:v25+s25+$0x0] =	vst.idx.msk vm0, v0  }
0x5d: {  	v39 =	vor.u32 s8, v1;
	s15 =	sor.u32 s5, s15;
	v40 =	vld [tilespmem:s16+$0xAF00];
	v22 =	vadd.f32 v17, v32;
	v28 =	vmul.f32 v38, v27;
	[tilespmem:v25+s26+$0x0] =	vst.idx.msk vm0, v15  }
0x5e: {  	v26 =	vmovc v31;
	v17 =	vld [tilespmem:s16+$0xAF80];
	v15 =	vsub.f32 $1.500000000e+00, v20;
	vm1 =	vge.f32 v35, $0.0e+00;
	vm2 =	vlt.f32 v35, v30;
	[tilespmem:v25+s28+$0x0] =	vst.idx.msk vm0, v16  }
0x5f: {  	v20 =	vld [tilespmem:s16+$0x7D00];
	v16 =	vmax.f32 v22, $1.000000000e-30;
	v31 =	vmul.f32 v38, v28;
	vm1 =	vmand vm1, vm2;
	[tilespmem:v25+s29+$0x0] =	vst.idx.msk vm0, v2;
	v2 =	vmovc v11  }
0x60: {  	v35 =	vor.u32 s0, v1;
	s0 =	smov.u32 s11;
	s11 =	smov.u32 s7;
	v22 =	vld [tilespmem:s16+$0x7D80];
	v32 =	vshra.s32 v16, $0x1;
	v28 =	vmul.f32 $5.000000000e-01, v16;
	[tilespmem:v25+s30+$0x0] =	vst.idx.msk vm0, v10;
	v25 =	vmovc v19;
	v19 =	vmovc v18  }
0x61: {  	v11 =	vmovc v13;
	v42 =	vmul.f32 v15, v29;
	v18 =	vmovc v39;
	v41 =	vsub.s32 $0x5F3759DF, v32;
	v31 =	vsub.f32 $1.500000000e+00, v31;
	v13 =	vld [tilespmem:s15+$0xAF00]  }
0x62: {  	vm0 =	vge.f32 v34, $0.0e+00;
	v10 =	vmovc v3;
	v3 =	vmovc v21;
	v32 =	vadd.f32 $0.0e+00, v30;
	v29 =	vmul.f32 v41, v28;
	v21 =	vld [tilespmem:s15+$0xAF80]  }
0x63: {  	s6 =	sadd.s32 $0x20, s6;
	v15 =	vmovc v6;
	v6 =	vmovc v14;
	v30 =	vmul.f32 v38, v31;
	v38 =	vmul.f32 v42, v24;
	v24 =	vmov v16;
	v14 =	vld [tilespmem:s15+$0x7D00]  }
0x64: {  	v16 =	vmovc v7;
	v7 =	vmov v23;
	v39 =	vsub.f32 v40, v20;
	v29 =	vmul.f32 v41, v29;
	[tilespmem:s6+$0x0] =	vst v32;
	v23 =	vld [tilespmem:s15+$0x7D80]  }
.Ltmp0:
0x65: {  	v32 =	vsub.f32 v17, v22;
	v27 =	vmul.f32 v30, v27;
	v31 =	vadd.f32 $0.0e+00, v38;
	[tilespmem:v35+s25+$0x0] =	vst.idx.msk vm1, v0;
	(pc) =	sbr.rel @p1 .LBB2_2-.Ltmp0, $4  }
0x66: {  	vm2 =	vlt.f32 v34, v38;
	v39 =	vmul.f32 v39, v39;
	v29 =	vsub.f32 $1.500000000e+00, v29;
	[tilespmem:v35+s26+$0x0] =	vst.idx.msk vm1, v33  }
0x67: {  	s8 =	sshll.u32 s12, $0x5;
	s12 =	smov.u32 s13;
	vm0 =	vmand vm0, vm2;
	v33 =	vmul.f32 v32, v32;
	v27 =	vmul.f32 v27, v30;
	[tilespmem:v35+s28+$0x0] =	vst.idx.msk vm1, v37  }
0x68: {  	s15 =	sand.u32 $0x3FFFFF00, s8;
	v32 =	vsub.f32 v13, v14;
	v29 =	vmul.f32 v41, v29;
	[tilespmem:v35+s29+$0x0] =	vst.idx.msk vm1, v4;
	v4 =	vmov v12  }
0x69: {  	s8 =	sor.u32 s2, s15;
	s2 =	sor.u32 s4, s15;
	s4 =	smov.u32 s14;
	v12 =	vmovc v40;
	v34 =	vadd.f32 v33, v39;
	v33 =	vsub.f32 $1.500000000e+00, v27;
	[tilespmem:v35+s30+$0x0] =	vst.idx.msk vm1, v5;
	v5 =	vmov v36  }
0x6a: {  	_ = 	snop  }
0x6b: {  	v27 =	vsub.f32 v21, v23;
	v34 =	vmax.f32 v34, $1.000000000e-30  }
0x6c: {  	v35 =	vshra.s32 v34, $0x1;
	v36 =	vmul.f32 $5.000000000e-01, v34  }
0x6d: {  	v32 =	vmul.f32 v32, v32;
	v27 =	vmul.f32 v27, v27;
	v35 =	vsub.s32 $0x5F3759DF, v35  }
0x6e: {  	v37 =	vld [tilespmem:s2+$0x0];
	v38 =	vmul.f32 v35, v36  }
0x6f: {  	v28 =	vmul.f32 v29, v28;
	v30 =	vmul.f32 v33, v30;
	v27 =	vadd.f32 v27, v32  }
0x70: {  	v44 =	vmul.f32 v35, v38  }
0x71: {  	v28 =	vmul.f32 v28, v29;
	v26 =	vmul.f32 v30, v26;
	v27 =	vmax.f32 v27, $1.000000000e-30  }
0x72: {  	[tilespmem:s6+$0xFFFFFFF0] =	vst v31;
	v45 =	vshra.s32 v27, $0x1;
	v46 =	vmul.f32 $5.000000000e-01, v27;
	v32 =	vsub.f32 $1.500000000e+00, v44  }
0x73: {  	[tilespmem:v25+s25+$0x0] =	vst.idx.msk vm0, v0;
	v28 =	vsub.f32 $1.500000000e+00, v28;
	vm1 =	vge.f32 v37, $0.0e+00;
	v30 =	vsub.s32 $0x5F3759DF, v45  }
0x74: {  	v47 =	vld [tilespmem:s8+$0x0];
	vm2 =	vlt.f32 v37, v26;
	v48 =	vmul.f32 v30, v46;
	v32 =	vmul.f32 v35, v32  }
0x75: {  	[tilespmem:v25+s26+$0x0] =	vst.idx.msk vm0, v15;
	vm1 =	vmand vm1, vm2;
	v28 =	vmul.f32 v28, v29  }
0x76: {  	v49 =	vor.u32 s0, v1;
	[tilespmem:v25+s28+$0x0] =	vst.idx.msk vm0, v16;
	v50 =	vmul.f32 v30, v48;
	v51 =	vmul.f32 v32, v36  }
0x77: {  	[tilespmem:v25+s29+$0x0] =	vst.idx.msk vm0, v2;
	v2 =	vmul.f32 v28, v24  }
0x78: {  	s16 =	sshll.u32 s12, $0x5;
	v52 =	vadd.f32 $0.0e+00, v26;
	v53 =	vsub.f32 $1.500000000e+00, v50;
	v54 =	vmul.f32 v51, v32  }
0x79: {  	s17 =	sadd.s32 $0x20, s6;
	s0 =	sand.u32 $0x3FFFFF00, s16;
	[tilespmem:v25+s30+$0x0] =	vst.idx.msk vm0, v10;
	vm10 =	vge.f32 v47, $0.0e+00;
	vm11 =	vlt.f32 v47, v2  }
0x7a: {  	s4 =	sor.u32 s4, s0;
	[tilespmem:s17+$0x0] =	vst v52;
	v2 =	vadd.f32 $0.0e+00, v2;
	v55 =	vmul.f32 v30, v53;
	v56 =	vsub.f32 $1.500000000e+00, v54  }
0x7b: {  	v57 =	vld [tilespmem:s4+$0x0];
	vm0 =	vmand vm10, vm11;
	[tilespmem:v49+s25+$0x0] =	vst.idx.msk vm1, v0  }
0x7c: {  	[tilespmem:s17+$0xFFFFFFF0] =	vst v2;
	v58 =	vmul.f32 v55, v46;
	v16 =	vmul.f32 v56, v32  }
0x7d: {  	[tilespmem:v49+s26+$0x0] =	vst.idx.msk vm1, v8  }
0x7e: {  	[tilespmem:v49+s28+$0x0] =	vst.idx.msk vm1, v9;
	v59 =	vmul.f32 v58, v55;
	v60 =	vmul.f32 v16, v34  }
0x7f: {  	[tilespmem:v49+s29+$0x0] =	vst.idx.msk vm1, v4  }
0x80: {  	s0 =	sor.u32 s5, s0;
	vm12 =	vge.f32 v57, $0.0e+00;
	[tilespmem:v49+s30+$0x0] =	vst.idx.msk vm1, v5;
	v2 =	vsub.f32 $1.500000000e+00, v59;
	vm13 =	vlt.f32 v57, v60  }
0x81: {  	v61 =	vld [tilespmem:s0+$0x0];
	[tilespmem:v19+s25+$0x0] =	vst.idx.msk vm0, v0;
	vm1 =	vmand vm12, vm13  }
0x82: {  	v62 =	vor.u32 s11, v1;
	[tilespmem:v19+s26+$0x0] =	vst.idx.msk vm0, v6;
	v2 =	vmul.f32 v2, v55  }
0x83: {  	[tilespmem:v19+s28+$0x0] =	vst.idx.msk vm0, v7  }
0x84: {  	[tilespmem:v19+s29+$0x0] =	vst.idx.msk vm0, v11;
	v63 =	vadd.f32 $0.0e+00, v60;
	v2 =	vmul.f32 v2, v27  }
0x85: {  	s18 =	sadd.s32 $0x20, s17;
	[tilespmem:v19+s30+$0x0] =	vst.idx.msk vm0, v3  }
0x86: {  	vm14 =	vge.f32 v61, $0.0e+00;
	[tilespmem:s18+$0x0] =	vst v63;
	vm15 =	vlt.f32 v61, v2;
	v2 =	vadd.f32 $0.0e+00, v2  }
0x87: {  	vm0 =	vmand vm14, vm15;
	[tilespmem:v62+s25+$0x0] =	vst.idx.msk vm1, v0  }
0x88: {  	[tilespmem:s18+$0xFFFFFFF0] =	vst v2  }
0x89: {  	[tilespmem:v62+s26+$0x0] =	vst.idx.msk vm1, v20  }
0x8a: {  	[tilespmem:v62+s28+$0x0] =	vst.idx.msk vm1, v22  }
0x8b: {  	[tilespmem:v62+s29+$0x0] =	vst.idx.msk vm1, v12  }
0x8c: {  	[tilespmem:v62+s30+$0x0] =	vst.idx.msk vm1, v17  }
0x8d: {  	[tilespmem:v18+s25+$0x0] =	vst.idx.msk vm0, v0  }
0x8e: {  	[tilespmem:v18+s26+$0x0] =	vst.idx.msk vm0, v14  }
0x8f: {  	[tilespmem:v18+s28+$0x0] =	vst.idx.msk vm0, v23  }
0x90: {  	[tilespmem:v18+s29+$0x0] =	vst.idx.msk vm0, v13  }
0x91: {  	[tilespmem:v18+s30+$0x0] =	vst.idx.msk vm0, v21  }
0x92: {  	s0 =	simm.s32 $0x0;
	s19 =	rddreg [dreg:$0x8]  }
0x93: {  	[tilespmem:s21], [sflag:$0x1] =	stream.linear.gather [hbm4b:s19+s0], $0x3200, $0x38;
	[tilespmem:$0x11300] =	vst v63  }
.LBB2_4:
0x94: {  	_ =	swait.ge [sflag:s31], $0x3200;
	s5 =	simm.s32 $0x10;
	s2 =	simm.s32 $0x0  }
0x95: {  	[sflag:s31] =	ssyncset.done $0x0;
	s2 =	sand.u32 $0xFFFFFE00, s2;
	s13 =	sand.u32 $0x70, s5  }
0x96: {  	[sflag:s31] =	ssyncadd.s32 $0xFFFFCE00;
	s4 =	sor.u32 s2, s13  }
0x97: {  	v18 =	vld [tilespmem:s4+$0xE100]  }
0x98: {  	v17 =	vld [tilespmem:s4+$0xE180]  }
0x99: {  	v21 =	vld [tilespmem:s4+$0xAF00]  }
0x9a: {  	v19 =	vld [tilespmem:s4+$0xAF80]  }
0x9b: {  	s6 =	simm.s32 $0x0  }
0x9c: {  	s8 =	sand.u32 $0x60, s6  }
0x9d: {  	s2 =	sor.u32 s8, s2  }
0x9e: {  	v5 =	vld [tilespmem:s2+$0xE100]  }
0x9f: {  	v6 =	vld [tilespmem:s2+$0xE180];
	v2 =	vsub.f32 v18, v21;
	v3 =	vsub.f32 v17, v19  }
0xa0: {  	v15 =	vld [tilespmem:s2+$0xAF80]  }
0xa1: {  	s16 =	simm.s32 $0x80;
	s12 =	simm.s32 $0x30;
	v20 =	vld [tilespmem:s2+$0xAF00];
	v2 =	vmul.f32 v2, v2;
	v3 =	vmul.f32 v3, v3  }
0xa2: {  	s7 =	sand.u32 $0x70, s12;
	s2 =	sand.u32 $0xFFFFFE00, s16  }
0xa3: {  	s17 =	sor.u32 s2, s7;
	v2 =	vadd.f32 v3, v2  }
0xa4: {  	v23 =	vld [tilespmem:s17+$0xE100]  }
0xa5: {  	v32 =	vld [tilespmem:s17+$0xE180];
	v4 =	vsub.f32 v6, v15;
	v7 =	vmax.f32 v2, $1.000000000e-30  }
0xa6: {  	v33 =	vld [tilespmem:s17+$0xAF80];
	v3 =	vsub.f32 v5, v20;
	v2 =	vshra.s32 v7, $0x1;
	v9 =	vmul.f32 $5.000000000e-01, v7  }
0xa7: {  	v24 =	vld [tilespmem:s17+$0xAF00];
	v4 =	vmul.f32 v4, v4;
	v2 =	vsub.s32 $0x5F3759DF, v2  }
0xa8: {  	v3 =	vmul.f32 v3, v3;
	v8 =	vmul.f32 v2, v9;
	_ =	sdelay $0x1  }
0xa9: {  	s11 =	simm.s32 $0x20;
	v3 =	vadd.f32 v4, v3;
	v8 =	vmul.f32 v2, v8  }
0xaa: {  	s16 =	sand.u32 $0x60, s11;
	v10 =	vsub.f32 v32, v33  }
0xab: {  	s2 =	sor.u32 s16, s2;
	v22 =	vmax.f32 v3, $1.000000000e-30;
	v4 =	vsub.f32 $1.500000000e+00, v8;
	v8 =	vsub.f32 v23, v24  }
0xac: {  	v10 =	vmul.f32 v10, v10;
	v3 =	vld [tilespmem:s2+$0xE100];
	v11 =	vshra.s32 v22, $0x1;
	v12 =	vmul.f32 $5.000000000e-01, v22  }
0xad: {  	v11 =	vsub.s32 $0x5F3759DF, v11;
	v13 =	vmul.f32 v2, v4;
	v2 =	vld [tilespmem:s2+$0xE180];
	v14 =	vmul.f32 v8, v8  }
0xae: {  	v16 =	vmul.f32 v11, v12;
	v8 =	vld [tilespmem:s2+$0xAF00]  }
0xaf: {  	v4 =	vld [tilespmem:s2+$0xAF80];
	v9 =	vmul.f32 v13, v9;
	v10 =	vadd.f32 v10, v14  }
0xb0: {  	v14 =	vmul.f32 v11, v16  }
0xb1: {  	s18 =	simm.s32 $0x0;
	s14 =	simm.s32 $0x100;
	v9 =	vmul.f32 v9, v13;
	v25 =	vmax.f32 v10, $1.000000000e-30  }
0xb2: {  	s15 =	sand.u32 $0x3FFFFF00, s18;
	s4 =	simm.s32 $0x50;
	s2 =	simm.s32 $0x1910;
	v10 =	vsub.f32 $1.500000000e+00, v14;
	v14 =	vshra.s32 v25, $0x1  }
0xb3: {  	s18 =	sand.u32 $0xFFFFFE00, s14;
	s17 =	sor.u32 s13, s15;
	s13 =	sand.u32 $0x70, s4;
	v29 =	vld [tilespmem:s2+$0x0];
	v26 =	vmul.f32 $5.000000000e-01, v25;
	v16 =	vsub.f32 v3, v8;
	v9 =	vsub.f32 $1.500000000e+00, v9  }
0xb4: {  	s19 =	sor.u32 s18, s13;
	v35 =	vld [tilespmem:s2+$0xFFFFFFF0];
	v27 =	vsub.s32 $0x5F3759DF, v14;
	v28 =	vmul.f32 v11, v10;
	v10 =	vsub.f32 v2, v4  }
0xb5: {  	v11 =	vld [tilespmem:s19+$0xE100];
	v14 =	vmul.f32 v27, v26;
	v16 =	vmul.f32 v16, v16  }
0xb6: {  	v9 =	vmul.f32 v9, v13;
	v13 =	vld [tilespmem:s17+$0x0];
	v30 =	vmul.f32 v10, v10  }
0xb7: {  	v12 =	vmul.f32 v28, v12;
	v10 =	vld [tilespmem:s19+$0xE180];
	v31 =	vmul.f32 v27, v14  }
0xb8: {  	s14 =	simm.s32 $0x40;
	v14 =	vld [tilespmem:s19+$0xAF00];
	v7 =	vmul.f32 v9, v7;
	v9 =	vadd.f32 v30, v16  }
0xb9: {  	s8 =	sor.u32 s8, s15;
	s15 =	sand.u32 $0x60, s14;
	v12 =	vmul.f32 v12, v28;
	v16 =	vld [tilespmem:s19+$0xAF80];
	v30 =	vsub.f32 $1.500000000e+00, v31  }
0xba: {  	s19 =	sor.u32 s15, s18;
	v31 =	vld [tilespmem:s8+$0x0];
	v34 =	vadd.f32 v7, v29;
	v36 =	vmax.f32 v9, $1.000000000e-30  }
0xbb: {  	v7 =	vld [tilespmem:s19+$0xE100];
	v38 =	vsub.f32 $1.500000000e+00, v12;
	v27 =	vmul.f32 v27, v30;
	vm0 =	vge.f32 v13, v29  }
0xbc: {  	v12 =	vld [tilespmem:s19+$0xAF80];
	v9 =	vshra.s32 v36, $0x1;
	v30 =	vmul.f32 $5.000000000e-01, v36;
	vm1 =	vlt.f32 v13, v34  }
0xbd: {  	v37 =	vsub.s32 $0x5F3759DF, v9;
	v13 =	vld [tilespmem:s19+$0xAF00];
	v28 =	vmul.f32 v38, v28;
	v26 =	vmul.f32 v27, v26  }
0xbe: {  	v42 =	vor.u32 s5, v1;
	v9 =	vld [tilespmem:s19+$0xE180];
	v40 =	vsub.f32 v11, v14;
	v39 =	vmul.f32 v37, v30  }
0xbf: {  	v41 =	vsub.f32 v10, v16;
	v22 =	vmul.f32 v28, v22;
	v26 =	vmul.f32 v26, v27  }
0xc0: {  	vm1 =	vmand vm0, vm1;
	v46 =	vmul.f32 v40, v40;
	v45 =	vmul.f32 v37, v39  }
0xc1: {  	s8 =	simm.s32 $0x40;
	v47 =	vmul.f32 v41, v41;
	v50 =	vadd.f32 v22, v35;
	v26 =	vsub.f32 $1.500000000e+00, v26  }
0xc2: {  	s17 =	simm.s32 $0x1930;
	s5 =	sand.u32 $0x3FFFFF00, s8;
	vm0 =	vge.f32 v31, v35;
	v28 =	vsub.f32 $1.500000000e+00, v45;
	v49 =	vsub.f32 v7, v13  }
0xc3: {  	v48 =	vld [tilespmem:s17+$0x0];
	s7 =	sor.u32 s7, s5;
	v39 =	vadd.f32 v47, v46;
	v22 =	vsub.f32 v9, v12;
	v45 =	vor.u32 s12, v1  }
0xc4: {  	v43 =	vld [tilespmem:s7+$0x0];
	vm2 =	vlt.f32 v31, v50;
	v26 =	vmul.f32 v26, v27;
	v37 =	vmul.f32 v37, v28  }
0xc5: {  	s18 =	simm.s32 $0x180;
	s16 =	sor.u32 s16, s5;
	s7 =	simm.s32 $0x70;
	[tilespmem:s2+$0x0] =	vst v34;
	v41 =	vmul.f32 v49, v49;
	v27 =	vmax.f32 v39, $1.000000000e-30;
	v22 =	vmul.f32 v22, v22  }
0xc6: {  	s8 =	sand.u32 $0xFFFFFE00, s18;
	v52 =	vld [tilespmem:s16+$0x0];
	s5 =	sand.u32 $0x70, s7;
	[tilespmem:v42+s25+$0x0] =	vst.idx.msk vm1, v29;
	v39 =	vmul.f32 $5.000000000e-01, v27;
	v25 =	vmul.f32 v26, v25;
	v26 =	vshra.s32 v27, $0x1  }
0xc7: {  	s19 =	sor.u32 s8, s5;
	v28 =	vld [tilespmem:s17+$0xFFFFFFF0];
	vm0 =	vmand vm0, vm2;
	[tilespmem:v42+s26+$0x0] =	vst.idx.msk vm1, v21;
	v31 =	vadd.f32 v22, v41;
	v26 =	vsub.s32 $0x5F3759DF, v26  }
0xc8: {  	v21 =	vld [tilespmem:s19+$0xAF80];
	v44 =	vadd.f32 v25, v48;
	v25 =	vmul.f32 v37, v30;
	v51 =	vmul.f32 v26, v39  }
0xc9: {  	vm2 =	vge.f32 v43, v48;
	v22 =	vld [tilespmem:s19+$0xE100];
	[tilespmem:v42+s28+$0x0] =	vst.idx.msk vm1, v19;
	v30 =	vor.u32 s6, v1;
	v29 =	vmax.f32 v31, $1.000000000e-30  }
0xca: {  	s18 =	simm.s32 $0x60;
	v31 =	vld [tilespmem:s19+$0xAF00];
	vm3 =	vlt.f32 v43, v44;
	v19 =	vmul.f32 v25, v37;
	v53 =	vmul.f32 v26, v51  }
0xcb: {  	[tilespmem:v42+s29+$0x0] =	vst.idx.msk vm1, v18;
	s6 =	sand.u32 $0x60, s18;
	v18 =	vshra.s32 v29, $0x1;
	v34 =	vmul.f32 $5.000000000e-01, v29;
	v25 =	vld [tilespmem:s19+$0xE180];
	vm2 =	vmand vm2, vm3  }
0xcc: {  	[tilespmem:v42+s30+$0x0] =	vst.idx.msk vm1, v17;
	s8 =	sor.u32 s6, s8;
	v54 =	vsub.s32 $0x5F3759DF, v18;
	v17 =	vsub.f32 $1.500000000e+00, v19;
	v19 =	vsub.f32 $1.500000000e+00, v53  }
0xcd: {  	[tilespmem:s2+$0xFFFFFFF0] =	vst v50;
	v18 =	vld [tilespmem:s8+$0xE100];
	v55 =	vmul.f32 v54, v34  }
0xce: {  	vm1 =	vge.f32 v52, v28;
	[tilespmem:s17+$0x0] =	vst v44;
	v37 =	vmul.f32 v17, v37;
	v17 =	vld [tilespmem:s8+$0xE180];
	v43 =	vmul.f32 v26, v19  }
0xcf: {  	[tilespmem:v30+s25+$0x0] =	vst.idx.msk vm0, v35;
	v56 =	vmul.f32 v54, v55;
	v58 =	vsub.f32 v22, v31;
	v19 =	vld [tilespmem:s8+$0xAF00]  }
0xd0: {  	[tilespmem:v30+s26+$0x0] =	vst.idx.msk vm0, v20;
	v20 =	vld [tilespmem:s8+$0xAF80];
	v59 =	vsub.f32 v25, v21;
	v57 =	vmul.f32 v43, v39  }
0xd1: {  	v35 =	vsub.f32 $1.500000000e+00, v56;
	v61 =	vmul.f32 v58, v58;
	v36 =	vmul.f32 v37, v36;
	[tilespmem:v45+s25+$0x0] =	vst.idx.msk vm2, v48  }
0xd2: {  	v62 =	vmul.f32 v59, v59;
	v37 =	vmul.f32 v57, v43;
	[tilespmem:v45+s26+$0x0] =	vst.idx.msk vm2, v24  }
0xd3: {  	s19 =	simm.s32 $0x80;
	v26 =	vor.u32 s11, v1;
	v35 =	vmul.f32 v54, v35;
	v60 =	vadd.f32 v36, v28;
	[tilespmem:v45+s28+$0x0] =	vst.idx.msk vm2, v33  }
0xd4: {  	s2 =	sand.u32 $0x3FFFFF00, s19;
	s11 =	simm.s32 $0x1950;
	v24 =	vor.u32 s14, v1;
	v63 =	vsub.f32 v18, v19;
	v37 =	vsub.f32 $1.500000000e+00, v37;
	[tilespmem:v45+s29+$0x0] =	vst.idx.msk vm2, v23  }
0xd5: {  	s12 =	simm.s32 $0x70;
	s8 =	sor.u32 s15, s2;
	v38 =	vsub.f32 v17, v20;
	v39 =	vadd.f32 v62, v61;
	v33 =	vld [tilespmem:s11+$0x0];
	v23 =	vor.u32 s18, v1;
	[tilespmem:v45+s30+$0x0] =	vst.idx.msk vm2, v32  }
0xd6: {  	s15 =	sor.u32 s13, s2;
	s13 =	simm.s32 $0x6;
	s14 =	simm.s32 $0x6;
	[tilespmem:s17+$0xFFFFFFF0] =	vst v60;
	v36 =	vmul.f32 v63, v63;
	v32 =	vld [tilespmem:s11+$0xFFFFFFF0];
	vm2 =	vlt.f32 v52, v60;
	v37 =	vmul.f32 v37, v43  }
.LBB2_5:
0xd7: {  	v38 =	vmul.f32 v38, v38;
	v39 =	vmax.f32 v39, $1.000000000e-30;
	v34 =	vmul.f32 v35, v34  }
0xd8: {  	s14 =	sadd.s32 $0x2, s14;
	v40 =	vld [tilespmem:s15+$0x0];
	[tilespmem:v30+s28+$0x0] =	vst.idx.msk vm0, v15;
	v41 =	vmovc v22;
	v42 =	vmovc v10;
	v10 =	vmov v25;
	v43 =	vmov v31;
	v44 =	vmov v16;
	s15 =	smov.u32 s6;
	s2 =	smov.u32 s11  }
0xd9: {  	s7 =	sadd.s32 $0x20, s7;
	s6 =	sshll.u32 s14, $0x6;
	p1 =	slt.u32 s14, $0xC6;
	v15 =	vshra.s32 v39, $0x1;
	v45 =	vmul.f32 $5.000000000e-01, v39;
	v46 =	vld [tilespmem:s8+$0x0];
	v31 =	vmul.f32 v37, v27;
	[tilespmem:v30+s29+$0x0] =	vst.idx.msk vm0, v5;
	v27 =	vmovc v39  }
0xda: {  	s8 =	sadd.s32 $0xFFFFFFF0, s7;
	s16 =	sand.u32 $0x70, s7;
	s17 =	sand.u32 $0xFFFFFE00, s6;
	v39 =	vadd.f32 v38, v36;
	v15 =	vsub.s32 $0x5F3759DF, v15;
	v25 =	vmul.f32 v34, v35;
	[tilespmem:v30+s30+$0x0] =	vst.idx.msk vm0, v6  }
0xdb: {  	s6 =	sand.u32 $0x60, s8;
	vm0 =	vmand vm1, vm2;
	v30 =	vmovc v26;
	v26 =	vmovc v24;
	s18 =	sor.u32 s17, s16;
	v6 =	vmul.f32 v15, v45;
	v36 =	vadd.f32 v31, v33  }
0xdc: {  	v16 =	vmovc v21;
	v24 =	vmovc v23;
	v23 =	vor.u32 s8, v1;
	s17 =	sor.u32 s6, s17;
	v22 =	vld [tilespmem:s18+$0xE100];
	v37 =	vmax.f32 v39, $1.000000000e-30;
	v38 =	vsub.f32 $1.500000000e+00, v25  }
0xdd: {  	v5 =	vmovc v3;
	v25 =	vld [tilespmem:s18+$0xE180];
	v48 =	vmul.f32 v15, v6;
	vm1 =	vge.f32 v40, v33;
	vm2 =	vlt.f32 v40, v36  }
0xde: {  	v3 =	vmovc v7;
	v7 =	vmovc v18;
	v39 =	vshra.s32 v37, $0x1;
	v34 =	vmul.f32 $5.000000000e-01, v37;
	v31 =	vld [tilespmem:s18+$0xAF00];
	vm2 =	vmand vm1, vm2  }
0xdf: {  	v47 =	vor.u32 s4, v1;
	s4 =	smov.u32 s12;
	s12 =	smov.u32 s7;
	v39 =	vsub.s32 $0x5F3759DF, v39;
	v21 =	vld [tilespmem:s18+$0xAF80];
	v40 =	vsub.f32 $1.500000000e+00, v48;
	v6 =	vmovc v2;
	v2 =	vmovc v9  }
0xe0: {  	v35 =	vmul.f32 v38, v35;
	vm1 =	vge.f32 v46, v32;
	v48 =	vmul.f32 v39, v34;
	v9 =	vmovc v17;
	v18 =	vld [tilespmem:s17+$0xE100]  }
0xe1: {  	v49 =	vmovc v19;
	v17 =	vld [tilespmem:s17+$0xE180];
	v40 =	vmul.f32 v15, v40;
	[tilespmem:v30+s25+$0x0] =	vst.idx.msk vm0, v28;
	v15 =	vmov v4;
	v4 =	vmov v12  }
0xe2: {  	v35 =	vmul.f32 v35, v29;
	v29 =	vmov v37;
	v38 =	vmul.f32 v39, v48;
	v19 =	vld [tilespmem:s17+$0xAF00];
	[tilespmem:v30+s26+$0x0] =	vst.idx.msk vm0, v8  }
0xe3: {  	v12 =	vmovc v20;
	v28 =	vmovc v32;
	v8 =	vmov v13;
	v13 =	vmov v49;
	v37 =	vmul.f32 v40, v45;
	[tilespmem:s11+$0x0] =	vst v36;
	v20 =	vld [tilespmem:s17+$0xAF80]  }
0xe4: {  	v32 =	vsub.f32 v22, v31;
	v36 =	vsub.f32 v25, v21;
	[tilespmem:v47+s25+$0x0] =	vst.idx.msk vm2, v33  }
.Ltmp1:
0xe5: {  	v45 =	vadd.f32 v35, v28;
	v33 =	vsub.f32 $1.500000000e+00, v38;
	v37 =	vmul.f32 v37, v40;
	[tilespmem:v47+s26+$0x0] =	vst.idx.msk vm2, v14;
	(pc) =	sbr.rel @p1 .LBB2_5-.Ltmp1, $4  }
0xe6: {  	v32 =	vmul.f32 v32, v32;
	v14 =	vmov v43;
	v36 =	vmul.f32 v36, v36;
	[tilespmem:v47+s28+$0x0] =	vst.idx.msk vm2, v44  }
0xe7: {  	s8 =	sshll.u32 s13, $0x5;
	s13 =	smov.u32 s14;
	s11 =	sadd.s32 $0x20, s11;
	v35 =	vmul.f32 v39, v33;
	v43 =	vsub.f32 v18, v19;
	v37 =	vsub.f32 $1.500000000e+00, v37;
	[tilespmem:v47+s29+$0x0] =	vst.idx.msk vm2, v11  }
0xe8: {  	s17 =	sand.u32 $0x3FFFFF00, s8;
	v11 =	vmov v41;
	v38 =	vsub.f32 v17, v20;
	v39 =	vadd.f32 v36, v32;
	v33 =	vld [tilespmem:s11+$0x0];
	[tilespmem:v47+s30+$0x0] =	vst.idx.msk vm2, v42  }
0xe9: {  	s8 =	sor.u32 s15, s17;
	s15 =	sor.u32 s5, s17;
	s5 =	smov.u32 s16;
	vm2 =	vlt.f32 v46, v45;
	v36 =	vmul.f32 v43, v43;
	v32 =	vld [tilespmem:s11+$0xFFFFFFF0];
	v37 =	vmul.f32 v37, v40;
	[tilespmem:s2+$0xFFFFFFF0] =	vst v45  }
0xea: {  	v39 =	vmax.f32 v39, $1.000000000e-30  }
0xeb: {  	v38 =	vmul.f32 v38, v38;
	v43 =	vld [tilespmem:s15+$0x0];
	v40 =	vshra.s32 v39, $0x1;
	v41 =	vmul.f32 $5.000000000e-01, v39  }
0xec: {  	v34 =	vmul.f32 v35, v34;
	v40 =	vsub.s32 $0x5F3759DF, v40  }
0xed: {  	v27 =	vmul.f32 v37, v27;
	v36 =	vadd.f32 v38, v36;
	v42 =	vmul.f32 v40, v41  }
0xee: {  	vm1 =	vmand vm1, vm2;
	v34 =	vmul.f32 v34, v35  }
0xef: {  	v27 =	vadd.f32 v27, v33;
	v36 =	vmax.f32 v36, $1.000000000e-30;
	v42 =	vmul.f32 v40, v42  }
0xf0: {  	vm2 =	vge.f32 v43, v33;
	v49 =	vshra.s32 v36, $0x1;
	v50 =	vmul.f32 $5.000000000e-01, v36  }
0xf1: {  	vm3 =	vlt.f32 v43, v27;
	v38 =	vsub.s32 $0x5F3759DF, v49;
	v48 =	vsub.f32 $1.500000000e+00, v42  }
0xf2: {  	[tilespmem:v30+s28+$0x0] =	vst.idx.msk vm0, v15;
	v15 =	vsub.f32 $1.500000000e+00, v34;
	vm2 =	vmand vm2, vm3;
	v51 =	vmul.f32 v38, v50  }
0xf3: {  	[tilespmem:v30+s29+$0x0] =	vst.idx.msk vm0, v5;
	v5 =	vor.u32 s4, v1;
	v37 =	vmul.f32 v40, v48  }
0xf4: {  	v52 =	vld [tilespmem:s8+$0x0];
	[tilespmem:v30+s30+$0x0] =	vst.idx.msk vm0, v6;
	v6 =	vmul.f32 v15, v35;
	v15 =	vmul.f32 v38, v51  }
0xf5: {  	[tilespmem:v26+s25+$0x0] =	vst.idx.msk vm1, v28;
	v41 =	vmul.f32 v37, v41  }
0xf6: {  	[tilespmem:v26+s26+$0x0] =	vst.idx.msk vm1, v8;
	v6 =	vmul.f32 v6, v29;
	v8 =	vsub.f32 $1.500000000e+00, v15  }
0xf7: {  	[tilespmem:s11+$0x0] =	vst v27;
	v41 =	vmul.f32 v41, v37  }
0xf8: {  	v6 =	vadd.f32 v6, v32;
	[tilespmem:v5+s25+$0x0] =	vst.idx.msk vm2, v33;
	v8 =	vmul.f32 v38, v8  }
0xf9: {  	s2 =	sshll.u32 s13, $0x5;
	s8 =	sadd.s32 $0x20, s11;
	vm0 =	vge.f32 v52, v32;
	[tilespmem:v5+s26+$0x0] =	vst.idx.msk vm2, v14;
	v28 =	vsub.f32 $1.500000000e+00, v41  }
0xfa: {  	s2 =	sand.u32 $0x3FFFFF00, s2;
	v15 =	vld [tilespmem:s8+$0x0];
	vm3 =	vlt.f32 v52, v6;
	[tilespmem:v5+s28+$0x0] =	vst.idx.msk vm2, v16;
	v16 =	vmul.f32 v8, v50  }
0xfb: {  	s5 =	sor.u32 s5, s2;
	vm0 =	vmand vm0, vm3;
	[tilespmem:v5+s29+$0x0] =	vst.idx.msk vm2, v11;
	v27 =	vmul.f32 v28, v37  }
0xfc: {  	[tilespmem:v5+s30+$0x0] =	vst.idx.msk vm2, v10;
	v28 =	vld [tilespmem:s5+$0x0];
	v5 =	vmul.f32 v16, v8  }
0xfd: {  	[tilespmem:v26+s28+$0x0] =	vst.idx.msk vm1, v4;
	v14 =	vmul.f32 v27, v39  }
0xfe: {  	[tilespmem:v26+s29+$0x0] =	vst.idx.msk vm1, v3;
	v4 =	vsub.f32 $1.500000000e+00, v5  }
0xff: {  	[tilespmem:v26+s30+$0x0] =	vst.idx.msk vm1, v2;
	v5 =	vld [tilespmem:s8+$0xFFFFFFF0];
	v11 =	vadd.f32 v14, v15  }
0x100: {  	s2 =	sor.u32 s6, s2;
	[tilespmem:s11+$0xFFFFFFF0] =	vst v6;
	v2 =	vmul.f32 v4, v8  }
0x101: {  	[tilespmem:v24+s25+$0x0] =	vst.idx.msk vm0, v32;
	v4 =	vld [tilespmem:s2+$0x0];
	vm2 =	vge.f32 v28, v15;
	vm3 =	vlt.f32 v28, v11  }
0x102: {  	[tilespmem:v24+s26+$0x0] =	vst.idx.msk vm0, v13;
	v2 =	vmul.f32 v2, v36;
	vm2 =	vmand vm2, vm3  }
0x103: {  	v3 =	vor.u32 s12, v1;
	[tilespmem:v24+s28+$0x0] =	vst.idx.msk vm0, v12  }
0x104: {  	[tilespmem:v24+s29+$0x0] =	vst.idx.msk vm0, v7;
	v2 =	vadd.f32 v2, v5  }
0x105: {  	[tilespmem:s8+$0x0] =	vst v11  }
0x106: {  	[tilespmem:v24+s30+$0x0] =	vst.idx.msk vm0, v9;
	vm1 =	vge.f32 v4, v5;
	vm3 =	vlt.f32 v4, v2  }
0x107: {  	[tilespmem:s8+$0xFFFFFFF0] =	vst v2;
	vm1 =	vmand vm1, vm3  }
0x108: {  	[tilespmem:v3+s25+$0x0] =	vst.idx.msk vm2, v15  }
0x109: {  	[tilespmem:v3+s26+$0x0] =	vst.idx.msk vm2, v31  }
0x10a: {  	[tilespmem:v3+s28+$0x0] =	vst.idx.msk vm2, v21  }
0x10b: {  	[tilespmem:v3+s29+$0x0] =	vst.idx.msk vm2, v22  }
0x10c: {  	[tilespmem:v3+s30+$0x0] =	vst.idx.msk vm2, v25  }
0x10d: {  	s4 =	smul.u32 $0x125400, s0;
	[tilespmem:v23+s25+$0x0] =	vst.idx.msk vm1, v5  }
0x10e: {  	[tilespmem:v23+s26+$0x0] =	vst.idx.msk vm1, v19  }
0x10f: {  	s13 =	sadd.s32 s4, s10;
	[tilespmem:v23+s28+$0x0] =	vst.idx.msk vm1, v20  }
0x110: {  	s2 =	sshrl.u32 s13, $0x3;
	[tilespmem:v23+s29+$0x0] =	vst.idx.msk vm1, v18  }
0x111: {  	s2 =	sadd.s32 s1, s2;
	[tilespmem:v23+s30+$0x0] =	vst.idx.msk vm1, v17  }
0x112: {  	[tilespmem:s22], [sflag:$0x2] =	stream.linear.gather [hbm4b:s2+s3], $0x3200, $0x38;
	[tilespmem:$0x11300] =	vst v63  }
0x113: {  	s14 =	simm.s32 $0x0;
	s6 =	simm.s32 $0x10;
	_ =	swait.ge [sflag:s23], $0x3200  }
0x114: {  	s2 =	sand.u32 $0xFFFFFE00, s14;
	s14 =	sand.u32 $0x70, s6;
	[sflag:s23] =	ssyncset.done $0x0  }
0x115: {  	s15 =	sor.u32 s2, s14;
	[sflag:s23] =	ssyncadd.s32 $0xFFFFCE00  }
0x116: {  	v18 =	vld [tilespmem:s15+$0x7D00]  }
0x117: {  	v17 =	vld [tilespmem:s15+$0x7D80]  }
0x118: {  	v21 =	vld [tilespmem:s15+$0xE100]  }
0x119: {  	v19 =	vld [tilespmem:s15+$0xE180]  }
0x11a: {  	s7 =	simm.s32 $0x0  }
0x11b: {  	s8 =	sand.u32 $0x60, s7  }
0x11c: {  	s2 =	sor.u32 s8, s2  }
0x11d: {  	v5 =	vld [tilespmem:s2+$0x7D00]  }
0x11e: {  	v6 =	vld [tilespmem:s2+$0x7D80];
	v2 =	vsub.f32 v18, v21;
	v3 =	vsub.f32 v17, v19  }
0x11f: {  	v15 =	vld [tilespmem:s2+$0xE180]  }
0x120: {  	s16 =	simm.s32 $0x80;
	s13 =	simm.s32 $0x30;
	v20 =	vld [tilespmem:s2+$0xE100];
	v2 =	vmul.f32 v2, v2;
	v3 =	vmul.f32 v3, v3  }
0x121: {  	s11 =	sand.u32 $0x70, s13;
	s2 =	sand.u32 $0xFFFFFE00, s16  }
0x122: {  	s17 =	sor.u32 s2, s11;
	v2 =	vadd.f32 v3, v2  }
0x123: {  	v24 =	vld [tilespmem:s17+$0x7D00]  }
0x124: {  	v32 =	vld [tilespmem:s17+$0x7D80];
	v4 =	vsub.f32 v6, v15;
	v7 =	vmax.f32 v2, $1.000000000e-30  }
0x125: {  	v33 =	vld [tilespmem:s17+$0xE180];
	v3 =	vsub.f32 v5, v20;
	v2 =	vshra.s32 v7, $0x1;
	v9 =	vmul.f32 $5.000000000e-01, v7  }
0x126: {  	v23 =	vld [tilespmem:s17+$0xE100];
	v4 =	vmul.f32 v4, v4;
	v2 =	vsub.s32 $0x5F3759DF, v2  }
0x127: {  	v3 =	vmul.f32 v3, v3;
	v8 =	vmul.f32 v2, v9;
	_ =	sdelay $0x1  }
0x128: {  	s12 =	simm.s32 $0x20;
	v3 =	vadd.f32 v4, v3;
	v8 =	vmul.f32 v2, v8  }
0x129: {  	s17 =	sand.u32 $0x60, s12;
	v10 =	vsub.f32 v32, v33  }
0x12a: {  	s2 =	sor.u32 s17, s2;
	v22 =	vmax.f32 v3, $1.000000000e-30;
	v4 =	vsub.f32 $1.500000000e+00, v8;
	v8 =	vsub.f32 v24, v23  }
0x12b: {  	v10 =	vmul.f32 v10, v10;
	v3 =	vld [tilespmem:s2+$0x7D00];
	v11 =	vshra.s32 v22, $0x1;
	v12 =	vmul.f32 $5.000000000e-01, v22  }
0x12c: {  	v11 =	vsub.s32 $0x5F3759DF, v11;
	v13 =	vmul.f32 v2, v4;
	v2 =	vld [tilespmem:s2+$0x7D80];
	v14 =	vmul.f32 v8, v8  }
0x12d: {  	v16 =	vmul.f32 v11, v12;
	v8 =	vld [tilespmem:s2+$0xE100]  }
0x12e: {  	v4 =	vld [tilespmem:s2+$0xE180];
	v9 =	vmul.f32 v13, v9;
	v10 =	vadd.f32 v10, v14  }
0x12f: {  	v14 =	vmul.f32 v11, v16  }
0x130: {  	v9 =	vmul.f32 v9, v13;
	v25 =	vmax.f32 v10, $1.000000000e-30  }
0x131: {  	s18 =	simm.s32 $0x0;
	s2 =	simm.s32 $0x1910;
	v10 =	vsub.f32 $1.500000000e+00, v14;
	v14 =	vshra.s32 v25, $0x1  }
0x132: {  	s19 =	simm.s32 $0x100;
	s5 =	simm.s32 $0x50;
	s16 =	sand.u32 $0x3FFFFF00, s18;
	v29 =	vld [tilespmem:s2+$0x0];
	v26 =	vmul.f32 $5.000000000e-01, v25;
	v16 =	vsub.f32 v3, v8;
	v9 =	vsub.f32 $1.500000000e+00, v9  }
0x133: {  	s19 =	sand.u32 $0xFFFFFE00, s19;
	s18 =	sor.u32 s14, s16;
	s14 =	sand.u32 $0x70, s5;
	v35 =	vld [tilespmem:s2+$0xFFFFFFF0];
	v27 =	vsub.s32 $0x5F3759DF, v14;
	v28 =	vmul.f32 v11, v10;
	v10 =	vsub.f32 v2, v4  }
0x134: {  	v14 =	vmul.f32 v27, v26;
	v9 =	vmul.f32 v9, v13;
	v13 =	vld [tilespmem:s18+$0x0];
	s18 =	sor.u32 s19, s14  }
0x135: {  	v16 =	vmul.f32 v16, v16;
	v30 =	vmul.f32 v10, v10;
	v11 =	vld [tilespmem:s18+$0x7D00]  }
0x136: {  	v12 =	vmul.f32 v28, v12;
	v31 =	vmul.f32 v27, v14;
	v10 =	vld [tilespmem:s18+$0x7D80]  }
0x137: {  	s15 =	simm.s32 $0x40;
	v14 =	vld [tilespmem:s18+$0xE100];
	v7 =	vmul.f32 v9, v7;
	v9 =	vadd.f32 v30, v16  }
0x138: {  	s8 =	sor.u32 s8, s16;
	s16 =	sand.u32 $0x60, s15;
	v12 =	vmul.f32 v12, v28;
	v16 =	vld [tilespmem:s18+$0xE180];
	v30 =	vsub.f32 $1.500000000e+00, v31  }
0x139: {  	s19 =	sor.u32 s16, s19;
	v31 =	vld [tilespmem:s8+$0x0];
	v53 =	vadd.f32 v7, v29;
	v36 =	vmax.f32 v9, $1.000000000e-30  }
0x13a: {  	v7 =	vld [tilespmem:s19+$0x7D00];
	v55 =	vsub.f32 $1.500000000e+00, v12;
	v27 =	vmul.f32 v27, v30;
	vm0 =	vge.f32 v13, v29  }
0x13b: {  	v12 =	vld [tilespmem:s19+$0xE180];
	v9 =	vshra.s32 v36, $0x1;
	v30 =	vmul.f32 $5.000000000e-01, v36;
	vm1 =	vlt.f32 v13, v53  }
0x13c: {  	v54 =	vsub.s32 $0x5F3759DF, v9;
	v13 =	vld [tilespmem:s19+$0xE100];
	v28 =	vmul.f32 v55, v28;
	v26 =	vmul.f32 v27, v26  }
0x13d: {  	v59 =	vor.u32 s6, v1;
	v9 =	vld [tilespmem:s19+$0x7D80];
	v57 =	vsub.f32 v11, v14;
	v56 =	vmul.f32 v54, v30  }
0x13e: {  	v58 =	vsub.f32 v10, v16;
	v22 =	vmul.f32 v28, v22;
	v26 =	vmul.f32 v26, v27  }
0x13f: {  	vm1 =	vmand vm0, vm1;
	v61 =	vmul.f32 v57, v57;
	v60 =	vmul.f32 v54, v56  }
0x140: {  	s8 =	simm.s32 $0x40;
	v62 =	vmul.f32 v58, v58;
	v49 =	vadd.f32 v22, v35;
	v26 =	vsub.f32 $1.500000000e+00, v26  }
0x141: {  	v45 =	vor.u32 s13, v1;
	s18 =	simm.s32 $0x1930;
	s6 =	sand.u32 $0x3FFFFF00, s8;
	v28 =	vsub.f32 $1.500000000e+00, v60;
	v48 =	vsub.f32 v7, v13  }
0x142: {  	v63 =	vld [tilespmem:s18+$0x0];
	s11 =	sor.u32 s11, s6;
	vm0 =	vge.f32 v31, v35;
	v39 =	vadd.f32 v62, v61;
	v22 =	vsub.f32 v9, v12  }
0x143: {  	v50 =	vld [tilespmem:s11+$0x0];
	vm2 =	vlt.f32 v31, v49;
	v26 =	vmul.f32 v26, v27;
	v37 =	vmul.f32 v54, v28  }
0x144: {  	s17 =	sor.u32 s17, s6;
	s19 =	simm.s32 $0x180;
	s11 =	simm.s32 $0x70;
	[tilespmem:s2+$0x0] =	vst v53;
	v41 =	vmul.f32 v48, v48;
	v27 =	vmax.f32 v39, $1.000000000e-30;
	v22 =	vmul.f32 v22, v22  }
0x145: {  	v52 =	vld [tilespmem:s17+$0x0];
	s8 =	sand.u32 $0xFFFFFE00, s19;
	s6 =	sand.u32 $0x70, s11;
	[tilespmem:v59+s25+$0x0] =	vst.idx.msk vm1, v29;
	v39 =	vmul.f32 $5.000000000e-01, v27;
	v25 =	vmul.f32 v26, v25;
	v26 =	vshra.s32 v27, $0x1  }
0x146: {  	s17 =	sor.u32 s8, s6;
	v28 =	vld [tilespmem:s18+$0xFFFFFFF0];
	vm0 =	vmand vm0, vm2;
	[tilespmem:v59+s26+$0x0] =	vst.idx.msk vm1, v21;
	v31 =	vadd.f32 v22, v41;
	v26 =	vsub.s32 $0x5F3759DF, v26  }
0x147: {  	v21 =	vld [tilespmem:s17+$0xE180];
	v44 =	vadd.f32 v25, v63;
	v25 =	vmul.f32 v37, v30;
	v51 =	vmul.f32 v26, v39  }
0x148: {  	vm2 =	vge.f32 v50, v63;
	v22 =	vld [tilespmem:s17+$0x7D00];
	[tilespmem:v59+s28+$0x0] =	vst.idx.msk vm1, v19;
	v30 =	vor.u32 s7, v1;
	v29 =	vmax.f32 v31, $1.000000000e-30  }
0x149: {  	s19 =	simm.s32 $0x60;
	v31 =	vld [tilespmem:s17+$0xE100];
	vm3 =	vlt.f32 v50, v44;
	v19 =	vmul.f32 v25, v37;
	v53 =	vmul.f32 v26, v51  }
0x14a: {  	[tilespmem:v59+s29+$0x0] =	vst.idx.msk vm1, v18;
	s7 =	sand.u32 $0x60, s19;
	v18 =	vshra.s32 v29, $0x1;
	v34 =	vmul.f32 $5.000000000e-01, v29;
	v25 =	vld [tilespmem:s17+$0x7D80];
	vm2 =	vmand vm2, vm3  }
0x14b: {  	[tilespmem:v59+s30+$0x0] =	vst.idx.msk vm1, v17;
	s8 =	sor.u32 s7, s8;
	v54 =	vsub.s32 $0x5F3759DF, v18;
	v17 =	vsub.f32 $1.500000000e+00, v19;
	v19 =	vsub.f32 $1.500000000e+00, v53  }
0x14c: {  	[tilespmem:s2+$0xFFFFFFF0] =	vst v49;
	v18 =	vld [tilespmem:s8+$0x7D00];
	v55 =	vmul.f32 v54, v34  }
0x14d: {  	vm1 =	vge.f32 v52, v28;
	[tilespmem:s18+$0x0] =	vst v44;
	v37 =	vmul.f32 v17, v37;
	v17 =	vld [tilespmem:s8+$0x7D80];
	v43 =	vmul.f32 v26, v19  }
0x14e: {  	[tilespmem:v30+s25+$0x0] =	vst.idx.msk vm0, v35;
	v56 =	vmul.f32 v54, v55;
	v58 =	vsub.f32 v22, v31;
	v19 =	vld [tilespmem:s8+$0xE100]  }
0x14f: {  	[tilespmem:v30+s26+$0x0] =	vst.idx.msk vm0, v20;
	v20 =	vld [tilespmem:s8+$0xE180];
	v59 =	vsub.f32 v25, v21;
	v57 =	vmul.f32 v43, v39  }
0x150: {  	v35 =	vsub.f32 $1.500000000e+00, v56;
	v61 =	vmul.f32 v58, v58;
	v36 =	vmul.f32 v37, v36;
	[tilespmem:v45+s25+$0x0] =	vst.idx.msk vm2, v63  }
0x151: {  	v62 =	vmul.f32 v59, v59;
	v37 =	vmul.f32 v57, v43;
	[tilespmem:v45+s26+$0x0] =	vst.idx.msk vm2, v23  }
0x152: {  	s17 =	simm.s32 $0x80;
	v26 =	vor.u32 s12, v1;
	v35 =	vmul.f32 v54, v35;
	v60 =	vadd.f32 v36, v28;
	[tilespmem:v45+s28+$0x0] =	vst.idx.msk vm2, v33  }
0x153: {  	s2 =	sand.u32 $0x3FFFFF00, s17;
	s12 =	simm.s32 $0x1950;
	v23 =	vor.u32 s15, v1;
	v63 =	vsub.f32 v18, v19;
	v37 =	vsub.f32 $1.500000000e+00, v37;
	[tilespmem:v45+s29+$0x0] =	vst.idx.msk vm2, v24  }
0x154: {  	s13 =	simm.s32 $0x70;
	s8 =	sor.u32 s16, s2;
	v38 =	vsub.f32 v17, v20;
	v39 =	vadd.f32 v62, v61;
	v33 =	vld [tilespmem:s12+$0x0];
	v24 =	vor.u32 s19, v1;
	[tilespmem:v45+s30+$0x0] =	vst.idx.msk vm2, v32  }
0x155: {  	s16 =	sor.u32 s14, s2;
	s14 =	simm.s32 $0x6;
	s15 =	simm.s32 $0x6;
	[tilespmem:s18+$0xFFFFFFF0] =	vst v60;
	v36 =	vmul.f32 v63, v63;
	v32 =	vld [tilespmem:s12+$0xFFFFFFF0];
	vm2 =	vlt.f32 v52, v60;
	v37 =	vmul.f32 v37, v43  }
.LBB2_7:
0x156: {  	v38 =	vmul.f32 v38, v38;
	v39 =	vmax.f32 v39, $1.000000000e-30;
	v34 =	vmul.f32 v35, v34  }
0x157: {  	s15 =	sadd.s32 $0x2, s15;
	v40 =	vld [tilespmem:s16+$0x0];
	[tilespmem:v30+s28+$0x0] =	vst.idx.msk vm0, v15;
	v41 =	vmovc v22;
	v42 =	vmovc v10;
	v10 =	vmov v25;
	v43 =	vmov v31;
	v44 =	vmov v16;
	s16 =	smov.u32 s7;
	s2 =	smov.u32 s12  }
0x158: {  	s11 =	sadd.s32 $0x20, s11;
	s7 =	sshll.u32 s15, $0x6;
	p1 =	slt.u32 s15, $0xC6;
	v15 =	vshra.s32 v39, $0x1;
	v45 =	vmul.f32 $5.000000000e-01, v39;
	v46 =	vld [tilespmem:s8+$0x0];
	v31 =	vmul.f32 v37, v27;
	[tilespmem:v30+s29+$0x0] =	vst.idx.msk vm0, v5;
	v27 =	vmovc v39  }
0x159: {  	s8 =	sadd.s32 $0xFFFFFFF0, s11;
	s17 =	sand.u32 $0x70, s11;
	s18 =	sand.u32 $0xFFFFFE00, s7;
	v39 =	vadd.f32 v38, v36;
	v15 =	vsub.s32 $0x5F3759DF, v15;
	v25 =	vmul.f32 v34, v35;
	[tilespmem:v30+s30+$0x0] =	vst.idx.msk vm0, v6  }
0x15a: {  	s7 =	sand.u32 $0x60, s8;
	vm0 =	vmand vm1, vm2;
	v30 =	vmovc v26;
	v26 =	vmovc v23;
	s19 =	sor.u32 s18, s17;
	v6 =	vmul.f32 v15, v45;
	v36 =	vadd.f32 v31, v33  }
0x15b: {  	v16 =	vmovc v21;
	v23 =	vmovc v24;
	v24 =	vor.u32 s8, v1;
	s18 =	sor.u32 s7, s18;
	v22 =	vld [tilespmem:s19+$0x7D00];
	v37 =	vmax.f32 v39, $1.000000000e-30;
	v38 =	vsub.f32 $1.500000000e+00, v25  }
0x15c: {  	v5 =	vmovc v3;
	v25 =	vld [tilespmem:s19+$0x7D80];
	v48 =	vmul.f32 v15, v6;
	vm1 =	vge.f32 v40, v33;
	vm2 =	vlt.f32 v40, v36  }
0x15d: {  	v3 =	vmovc v7;
	v7 =	vmovc v18;
	v39 =	vshra.s32 v37, $0x1;
	v34 =	vmul.f32 $5.000000000e-01, v37;
	v31 =	vld [tilespmem:s19+$0xE100];
	vm2 =	vmand vm1, vm2  }
0x15e: {  	v47 =	vor.u32 s5, v1;
	s5 =	smov.u32 s13;
	s13 =	smov.u32 s11;
	v39 =	vsub.s32 $0x5F3759DF, v39;
	v21 =	vld [tilespmem:s19+$0xE180];
	v40 =	vsub.f32 $1.500000000e+00, v48;
	v6 =	vmovc v2;
	v2 =	vmovc v9  }
0x15f: {  	v35 =	vmul.f32 v38, v35;
	vm1 =	vge.f32 v46, v32;
	v48 =	vmul.f32 v39, v34;
	v9 =	vmovc v17;
	v18 =	vld [tilespmem:s18+$0x7D00]  }
0x160: {  	v49 =	vmovc v19;
	v17 =	vld [tilespmem:s18+$0x7D80];
	v40 =	vmul.f32 v15, v40;
	[tilespmem:v30+s25+$0x0] =	vst.idx.msk vm0, v28;
	v15 =	vmov v4;
	v4 =	vmov v12  }
0x161: {  	v35 =	vmul.f32 v35, v29;
	v29 =	vmov v37;
	v38 =	vmul.f32 v39, v48;
	v19 =	vld [tilespmem:s18+$0xE100];
	[tilespmem:v30+s26+$0x0] =	vst.idx.msk vm0, v8  }
0x162: {  	v12 =	vmovc v20;
	v28 =	vmovc v32;
	v8 =	vmov v13;
	v13 =	vmov v49;
	v37 =	vmul.f32 v40, v45;
	[tilespmem:s12+$0x0] =	vst v36;
	v20 =	vld [tilespmem:s18+$0xE180]  }
0x163: {  	v32 =	vsub.f32 v22, v31;
	v36 =	vsub.f32 v25, v21;
	[tilespmem:v47+s25+$0x0] =	vst.idx.msk vm2, v33  }
.Ltmp2:
0x164: {  	v45 =	vadd.f32 v35, v28;
	v33 =	vsub.f32 $1.500000000e+00, v38;
	v37 =	vmul.f32 v37, v40;
	[tilespmem:v47+s26+$0x0] =	vst.idx.msk vm2, v14;
	(pc) =	sbr.rel @p1 .LBB2_7-.Ltmp2, $4  }
0x165: {  	v32 =	vmul.f32 v32, v32;
	v14 =	vmov v43;
	v36 =	vmul.f32 v36, v36;
	[tilespmem:v47+s28+$0x0] =	vst.idx.msk vm2, v44  }
0x166: {  	s8 =	sshll.u32 s14, $0x5;
	s14 =	smov.u32 s15;
	s12 =	sadd.s32 $0x20, s12;
	v35 =	vmul.f32 v39, v33;
	v43 =	vsub.f32 v18, v19;
	v37 =	vsub.f32 $1.500000000e+00, v37;
	[tilespmem:v47+s29+$0x0] =	vst.idx.msk vm2, v11  }
0x167: {  	s18 =	sand.u32 $0x3FFFFF00, s8;
	v11 =	vmov v41;
	v38 =	vsub.f32 v17, v20;
	v39 =	vadd.f32 v36, v32;
	v33 =	vld [tilespmem:s12+$0x0];
	[tilespmem:v47+s30+$0x0] =	vst.idx.msk vm2, v42  }
0x168: {  	s8 =	sor.u32 s16, s18;
	s16 =	sor.u32 s6, s18;
	s6 =	smov.u32 s17;
	vm2 =	vlt.f32 v46, v45;
	v36 =	vmul.f32 v43, v43;
	v32 =	vld [tilespmem:s12+$0xFFFFFFF0];
	v37 =	vmul.f32 v37, v40;
	[tilespmem:s2+$0xFFFFFFF0] =	vst v45  }
0x169: {  	v39 =	vmax.f32 v39, $1.000000000e-30  }
0x16a: {  	v38 =	vmul.f32 v38, v38;
	v43 =	vld [tilespmem:s16+$0x0];
	v40 =	vshra.s32 v39, $0x1;
	v41 =	vmul.f32 $5.000000000e-01, v39  }
0x16b: {  	v34 =	vmul.f32 v35, v34;
	v40 =	vsub.s32 $0x5F3759DF, v40  }
0x16c: {  	v27 =	vmul.f32 v37, v27;
	v36 =	vadd.f32 v38, v36;
	v42 =	vmul.f32 v40, v41  }
0x16d: {  	vm1 =	vmand vm1, vm2;
	v34 =	vmul.f32 v34, v35  }
0x16e: {  	v27 =	vadd.f32 v27, v33;
	v36 =	vmax.f32 v36, $1.000000000e-30;
	v42 =	vmul.f32 v40, v42  }
0x16f: {  	vm2 =	vge.f32 v43, v33;
	v49 =	vshra.s32 v36, $0x1;
	v50 =	vmul.f32 $5.000000000e-01, v36  }
0x170: {  	vm3 =	vlt.f32 v43, v27;
	v38 =	vsub.s32 $0x5F3759DF, v49;
	v48 =	vsub.f32 $1.500000000e+00, v42  }
0x171: {  	[tilespmem:v30+s28+$0x0] =	vst.idx.msk vm0, v15;
	v15 =	vsub.f32 $1.500000000e+00, v34;
	vm2 =	vmand vm2, vm3;
	v51 =	vmul.f32 v38, v50  }
0x172: {  	[tilespmem:v30+s29+$0x0] =	vst.idx.msk vm0, v5;
	v5 =	vor.u32 s5, v1;
	v37 =	vmul.f32 v40, v48  }
0x173: {  	v52 =	vld [tilespmem:s8+$0x0];
	[tilespmem:v30+s30+$0x0] =	vst.idx.msk vm0, v6;
	v6 =	vmul.f32 v15, v35;
	v15 =	vmul.f32 v38, v51  }
0x174: {  	[tilespmem:v26+s25+$0x0] =	vst.idx.msk vm1, v28;
	v41 =	vmul.f32 v37, v41  }
0x175: {  	[tilespmem:v26+s26+$0x0] =	vst.idx.msk vm1, v8;
	v6 =	vmul.f32 v6, v29;
	v8 =	vsub.f32 $1.500000000e+00, v15  }
0x176: {  	[tilespmem:s12+$0x0] =	vst v27;
	v41 =	vmul.f32 v41, v37  }
0x177: {  	v6 =	vadd.f32 v6, v32;
	[tilespmem:v5+s25+$0x0] =	vst.idx.msk vm2, v33;
	v8 =	vmul.f32 v38, v8  }
0x178: {  	s2 =	sshll.u32 s14, $0x5;
	s15 =	sadd.s32 $0x20, s12;
	vm0 =	vge.f32 v52, v32;
	[tilespmem:v5+s26+$0x0] =	vst.idx.msk vm2, v14;
	v28 =	vsub.f32 $1.500000000e+00, v41  }
0x179: {  	s2 =	sand.u32 $0x3FFFFF00, s2;
	v15 =	vld [tilespmem:s15+$0x0];
	vm3 =	vlt.f32 v52, v6;
	[tilespmem:v5+s28+$0x0] =	vst.idx.msk vm2, v16;
	v16 =	vmul.f32 v8, v50  }
0x17a: {  	s6 =	sor.u32 s6, s2;
	vm0 =	vmand vm0, vm3;
	[tilespmem:v5+s29+$0x0] =	vst.idx.msk vm2, v11;
	v27 =	vmul.f32 v28, v37  }
0x17b: {  	[tilespmem:v5+s30+$0x0] =	vst.idx.msk vm2, v10;
	v28 =	vld [tilespmem:s6+$0x0];
	v5 =	vmul.f32 v16, v8  }
0x17c: {  	[tilespmem:v26+s28+$0x0] =	vst.idx.msk vm1, v4;
	v14 =	vmul.f32 v27, v39  }
0x17d: {  	[tilespmem:v26+s29+$0x0] =	vst.idx.msk vm1, v3;
	v4 =	vsub.f32 $1.500000000e+00, v5  }
0x17e: {  	[tilespmem:v26+s30+$0x0] =	vst.idx.msk vm1, v2;
	v5 =	vld [tilespmem:s15+$0xFFFFFFF0];
	v11 =	vadd.f32 v14, v15  }
0x17f: {  	s2 =	sor.u32 s7, s2;
	[tilespmem:s12+$0xFFFFFFF0] =	vst v6;
	v2 =	vmul.f32 v4, v8  }
0x180: {  	[tilespmem:v23+s25+$0x0] =	vst.idx.msk vm0, v32;
	v4 =	vld [tilespmem:s2+$0x0];
	vm2 =	vge.f32 v28, v15;
	vm3 =	vlt.f32 v28, v11  }
0x181: {  	[tilespmem:v23+s26+$0x0] =	vst.idx.msk vm0, v13;
	v2 =	vmul.f32 v2, v36;
	vm2 =	vmand vm2, vm3  }
0x182: {  	v3 =	vor.u32 s13, v1;
	[tilespmem:v23+s28+$0x0] =	vst.idx.msk vm0, v12  }
0x183: {  	[tilespmem:v23+s29+$0x0] =	vst.idx.msk vm0, v7;
	v2 =	vadd.f32 v2, v5  }
0x184: {  	[tilespmem:s15+$0x0] =	vst v11  }
0x185: {  	[tilespmem:v23+s30+$0x0] =	vst.idx.msk vm0, v9;
	vm1 =	vge.f32 v4, v5;
	vm3 =	vlt.f32 v4, v2  }
0x186: {  	[tilespmem:s15+$0xFFFFFFF0] =	vst v2;
	vm1 =	vmand vm1, vm3  }
0x187: {  	[tilespmem:v3+s25+$0x0] =	vst.idx.msk vm2, v15  }
0x188: {  	[tilespmem:v3+s26+$0x0] =	vst.idx.msk vm2, v31  }
0x189: {  	[tilespmem:v3+s28+$0x0] =	vst.idx.msk vm2, v21  }
0x18a: {  	[tilespmem:v3+s29+$0x0] =	vst.idx.msk vm2, v22  }
0x18b: {  	[tilespmem:v3+s30+$0x0] =	vst.idx.msk vm2, v25  }
0x18c: {  	[tilespmem:v24+s25+$0x0] =	vst.idx.msk vm1, v5  }
0x18d: {  	[tilespmem:v24+s26+$0x0] =	vst.idx.msk vm1, v19  }
0x18e: {  	s16 =	sadd.s32 s4, s9;
	[tilespmem:v24+s28+$0x0] =	vst.idx.msk vm1, v20  }
0x18f: {  	s2 =	sshrl.u32 s16, $0x3;
	[tilespmem:v24+s29+$0x0] =	vst.idx.msk vm1, v18  }
0x190: {  	s17 =	simm.s32 $0xE100;
	s2 =	sadd.s32 s1, s2;
	[tilespmem:v24+s30+$0x0] =	vst.idx.msk vm1, v17  }
0x191: {  	[tilespmem:s17], [sflag:$0x3] =	stream.linear.gather [hbm4b:s2+s3], $0x3200, $0x38;
	[tilespmem:$0x11300] =	vst v63  }
0x192: {  	s18 =	simm.s32 $0x0;
	s6 =	simm.s32 $0x10;
	_ =	swait.ge [sflag:s24], $0x3200  }
0x193: {  	s19 =	sand.u32 $0x70, s6;
	s2 =	sand.u32 $0xFFFFFE00, s18;
	[sflag:s24] =	ssyncset.done $0x0  }
0x194: {  	s15 =	sor.u32 s2, s19;
	[sflag:s24] =	ssyncadd.s32 $0xFFFFCE00  }
0x195: {  	v18 =	vld [tilespmem:s15+$0xAF00]  }
0x196: {  	v17 =	vld [tilespmem:s15+$0xAF80]  }
0x197: {  	v21 =	vld [tilespmem:s15+$0x7D00]  }
0x198: {  	v19 =	vld [tilespmem:s15+$0x7D80]  }
0x199: {  	s7 =	simm.s32 $0x0  }
0x19a: {  	s8 =	sand.u32 $0x60, s7  }
0x19b: {  	s2 =	sor.u32 s8, s2  }
0x19c: {  	v5 =	vld [tilespmem:s2+$0xAF00]  }
0x19d: {  	v6 =	vld [tilespmem:s2+$0xAF80];
	v2 =	vsub.f32 v18, v21;
	v3 =	vsub.f32 v17, v19  }
0x19e: {  	v15 =	vld [tilespmem:s2+$0x7D80]  }
0x19f: {  	s13 =	simm.s32 $0x30;
	s16 =	simm.s32 $0x80;
	v20 =	vld [tilespmem:s2+$0x7D00];
	v2 =	vmul.f32 v2, v2;
	v3 =	vmul.f32 v3, v3  }
0x1a0: {  	s11 =	sand.u32 $0x70, s13;
	s2 =	sand.u32 $0xFFFFFE00, s16  }
0x1a1: {  	s17 =	sor.u32 s2, s11;
	v2 =	vadd.f32 v3, v2  }
0x1a2: {  	v24 =	vld [tilespmem:s17+$0xAF00]  }
0x1a3: {  	v32 =	vld [tilespmem:s17+$0xAF80];
	v4 =	vsub.f32 v6, v15;
	v7 =	vmax.f32 v2, $1.000000000e-30  }
0x1a4: {  	v33 =	vld [tilespmem:s17+$0x7D80];
	v3 =	vsub.f32 v5, v20;
	v2 =	vshra.s32 v7, $0x1;
	v9 =	vmul.f32 $5.000000000e-01, v7  }
0x1a5: {  	v23 =	vld [tilespmem:s17+$0x7D00];
	v4 =	vmul.f32 v4, v4;
	v2 =	vsub.s32 $0x5F3759DF, v2  }
0x1a6: {  	v3 =	vmul.f32 v3, v3;
	v8 =	vmul.f32 v2, v9;
	_ =	sdelay $0x1  }
0x1a7: {  	s12 =	simm.s32 $0x20;
	v3 =	vadd.f32 v4, v3;
	v8 =	vmul.f32 v2, v8  }
0x1a8: {  	s17 =	sand.u32 $0x60, s12;
	v10 =	vsub.f32 v32, v33  }
0x1a9: {  	s2 =	sor.u32 s17, s2;
	v22 =	vmax.f32 v3, $1.000000000e-30;
	v4 =	vsub.f32 $1.500000000e+00, v8;
	v8 =	vsub.f32 v24, v23  }
0x1aa: {  	v10 =	vmul.f32 v10, v10;
	v3 =	vld [tilespmem:s2+$0xAF00];
	v11 =	vshra.s32 v22, $0x1;
	v12 =	vmul.f32 $5.000000000e-01, v22  }
0x1ab: {  	v11 =	vsub.s32 $0x5F3759DF, v11;
	v13 =	vmul.f32 v2, v4;
	v2 =	vld [tilespmem:s2+$0xAF80];
	v14 =	vmul.f32 v8, v8  }
0x1ac: {  	v16 =	vmul.f32 v11, v12;
	v8 =	vld [tilespmem:s2+$0x7D00]  }
0x1ad: {  	v4 =	vld [tilespmem:s2+$0x7D80];
	v9 =	vmul.f32 v13, v9;
	v10 =	vadd.f32 v10, v14  }
0x1ae: {  	v14 =	vmul.f32 v11, v16  }
0x1af: {  	v9 =	vmul.f32 v9, v13;
	v25 =	vmax.f32 v10, $1.000000000e-30  }
0x1b0: {  	s18 =	simm.s32 $0x0;
	s2 =	simm.s32 $0x1910;
	v10 =	vsub.f32 $1.500000000e+00, v14;
	v14 =	vshra.s32 v25, $0x1  }
0x1b1: {  	s5 =	simm.s32 $0x50;
	s16 =	sand.u32 $0x3FFFFF00, s18;
	s15 =	simm.s32 $0x100;
	v29 =	vld [tilespmem:s2+$0x0];
	v26 =	vmul.f32 $5.000000000e-01, v25;
	v16 =	vsub.f32 v3, v8;
	v9 =	vsub.f32 $1.500000000e+00, v9  }
0x1b2: {  	s14 =	sand.u32 $0x70, s5;
	s18 =	sor.u32 s19, s16;
	s19 =	sand.u32 $0xFFFFFE00, s15;
	v35 =	vld [tilespmem:s2+$0xFFFFFFF0];
	v27 =	vsub.s32 $0x5F3759DF, v14;
	v28 =	vmul.f32 v11, v10;
	v10 =	vsub.f32 v2, v4  }
0x1b3: {  	v14 =	vmul.f32 v27, v26;
	v9 =	vmul.f32 v9, v13;
	v13 =	vld [tilespmem:s18+$0x0];
	s18 =	sor.u32 s19, s14  }
0x1b4: {  	v16 =	vmul.f32 v16, v16;
	v30 =	vmul.f32 v10, v10;
	v11 =	vld [tilespmem:s18+$0xAF00]  }
0x1b5: {  	v12 =	vmul.f32 v28, v12;
	v31 =	vmul.f32 v27, v14;
	v10 =	vld [tilespmem:s18+$0xAF80]  }
0x1b6: {  	s15 =	simm.s32 $0x40;
	v14 =	vld [tilespmem:s18+$0x7D00];
	v7 =	vmul.f32 v9, v7;
	v9 =	vadd.f32 v30, v16  }
0x1b7: {  	s8 =	sor.u32 s8, s16;
	s16 =	sand.u32 $0x60, s15;
	v12 =	vmul.f32 v12, v28;
	v16 =	vld [tilespmem:s18+$0x7D80];
	v30 =	vsub.f32 $1.500000000e+00, v31  }
0x1b8: {  	s19 =	sor.u32 s16, s19;
	v31 =	vld [tilespmem:s8+$0x0];
	v53 =	vadd.f32 v7, v29;
	v36 =	vmax.f32 v9, $1.000000000e-30  }
0x1b9: {  	v7 =	vld [tilespmem:s19+$0xAF00];
	v55 =	vsub.f32 $1.500000000e+00, v12;
	v27 =	vmul.f32 v27, v30;
	vm0 =	vge.f32 v13, v29  }
0x1ba: {  	v12 =	vld [tilespmem:s19+$0x7D80];
	v9 =	vshra.s32 v36, $0x1;
	v30 =	vmul.f32 $5.000000000e-01, v36;
	vm1 =	vlt.f32 v13, v53  }
0x1bb: {  	v54 =	vsub.s32 $0x5F3759DF, v9;
	v13 =	vld [tilespmem:s19+$0x7D00];
	v28 =	vmul.f32 v55, v28;
	v26 =	vmul.f32 v27, v26  }
0x1bc: {  	v59 =	vor.u32 s6, v1;
	v9 =	vld [tilespmem:s19+$0xAF80];
	v57 =	vsub.f32 v11, v14;
	v56 =	vmul.f32 v54, v30  }
0x1bd: {  	v58 =	vsub.f32 v10, v16;
	v22 =	vmul.f32 v28, v22;
	v26 =	vmul.f32 v26, v27  }
0x1be: {  	vm1 =	vmand vm0, vm1;
	v61 =	vmul.f32 v57, v57;
	v60 =	vmul.f32 v54, v56  }
0x1bf: {  	s8 =	simm.s32 $0x40;
	v62 =	vmul.f32 v58, v58;
	v49 =	vadd.f32 v22, v35;
	v26 =	vsub.f32 $1.500000000e+00, v26  }
0x1c0: {  	v45 =	vor.u32 s13, v1;
	s18 =	simm.s32 $0x1930;
	s6 =	sand.u32 $0x3FFFFF00, s8;
	v28 =	vsub.f32 $1.500000000e+00, v60;
	v48 =	vsub.f32 v7, v13  }
0x1c1: {  	v63 =	vld [tilespmem:s18+$0x0];
	s11 =	sor.u32 s11, s6;
	vm0 =	vge.f32 v31, v35;
	v39 =	vadd.f32 v62, v61;
	v22 =	vsub.f32 v9, v12  }
0x1c2: {  	v50 =	vld [tilespmem:s11+$0x0];
	vm2 =	vlt.f32 v31, v49;
	v26 =	vmul.f32 v26, v27;
	v37 =	vmul.f32 v54, v28  }
0x1c3: {  	s17 =	sor.u32 s17, s6;
	s19 =	simm.s32 $0x180;
	s11 =	simm.s32 $0x70;
	[tilespmem:s2+$0x0] =	vst v53;
	v41 =	vmul.f32 v48, v48;
	v27 =	vmax.f32 v39, $1.000000000e-30;
	v22 =	vmul.f32 v22, v22  }
0x1c4: {  	v52 =	vld [tilespmem:s17+$0x0];
	s8 =	sand.u32 $0xFFFFFE00, s19;
	s6 =	sand.u32 $0x70, s11;
	[tilespmem:v59+s25+$0x0] =	vst.idx.msk vm1, v29;
	v39 =	vmul.f32 $5.000000000e-01, v27;
	v25 =	vmul.f32 v26, v25;
	v26 =	vshra.s32 v27, $0x1  }
0x1c5: {  	s17 =	sor.u32 s8, s6;
	v28 =	vld [tilespmem:s18+$0xFFFFFFF0];
	vm0 =	vmand vm0, vm2;
	[tilespmem:v59+s26+$0x0] =	vst.idx.msk vm1, v21;
	v31 =	vadd.f32 v22, v41;
	v26 =	vsub.s32 $0x5F3759DF, v26  }
0x1c6: {  	v21 =	vld [tilespmem:s17+$0x7D80];
	v44 =	vadd.f32 v25, v63;
	v25 =	vmul.f32 v37, v30;
	v51 =	vmul.f32 v26, v39  }
0x1c7: {  	vm2 =	vge.f32 v50, v63;
	v22 =	vld [tilespmem:s17+$0xAF00];
	[tilespmem:v59+s28+$0x0] =	vst.idx.msk vm1, v19;
	v30 =	vor.u32 s7, v1;
	v29 =	vmax.f32 v31, $1.000000000e-30  }
0x1c8: {  	s19 =	simm.s32 $0x60;
	v31 =	vld [tilespmem:s17+$0x7D00];
	vm3 =	vlt.f32 v50, v44;
	v19 =	vmul.f32 v25, v37;
	v53 =	vmul.f32 v26, v51  }
0x1c9: {  	[tilespmem:v59+s29+$0x0] =	vst.idx.msk vm1, v18;
	s7 =	sand.u32 $0x60, s19;
	v18 =	vshra.s32 v29, $0x1;
	v34 =	vmul.f32 $5.000000000e-01, v29;
	v25 =	vld [tilespmem:s17+$0xAF80];
	vm2 =	vmand vm2, vm3  }
0x1ca: {  	[tilespmem:v59+s30+$0x0] =	vst.idx.msk vm1, v17;
	s8 =	sor.u32 s7, s8;
	v54 =	vsub.s32 $0x5F3759DF, v18;
	v17 =	vsub.f32 $1.500000000e+00, v19;
	v19 =	vsub.f32 $1.500000000e+00, v53  }
0x1cb: {  	[tilespmem:s2+$0xFFFFFFF0] =	vst v49;
	v18 =	vld [tilespmem:s8+$0xAF00];
	v55 =	vmul.f32 v54, v34  }
0x1cc: {  	vm1 =	vge.f32 v52, v28;
	[tilespmem:s18+$0x0] =	vst v44;
	v37 =	vmul.f32 v17, v37;
	v17 =	vld [tilespmem:s8+$0xAF80];
	v43 =	vmul.f32 v26, v19  }
0x1cd: {  	[tilespmem:v30+s25+$0x0] =	vst.idx.msk vm0, v35;
	v56 =	vmul.f32 v54, v55;
	v58 =	vsub.f32 v22, v31;
	v19 =	vld [tilespmem:s8+$0x7D00]  }
0x1ce: {  	[tilespmem:v30+s26+$0x0] =	vst.idx.msk vm0, v20;
	v20 =	vld [tilespmem:s8+$0x7D80];
	v59 =	vsub.f32 v25, v21;
	v57 =	vmul.f32 v43, v39  }
0x1cf: {  	v35 =	vsub.f32 $1.500000000e+00, v56;
	v61 =	vmul.f32 v58, v58;
	v36 =	vmul.f32 v37, v36;
	[tilespmem:v45+s25+$0x0] =	vst.idx.msk vm2, v63  }
0x1d0: {  	v62 =	vmul.f32 v59, v59;
	v37 =	vmul.f32 v57, v43;
	[tilespmem:v45+s26+$0x0] =	vst.idx.msk vm2, v23  }
0x1d1: {  	s17 =	simm.s32 $0x80;
	v26 =	vor.u32 s12, v1;
	v35 =	vmul.f32 v54, v35;
	v60 =	vadd.f32 v36, v28;
	[tilespmem:v45+s28+$0x0] =	vst.idx.msk vm2, v33  }
0x1d2: {  	s2 =	sand.u32 $0x3FFFFF00, s17;
	s12 =	simm.s32 $0x1950;
	v23 =	vor.u32 s15, v1;
	v63 =	vsub.f32 v18, v19;
	v37 =	vsub.f32 $1.500000000e+00, v37;
	[tilespmem:v45+s29+$0x0] =	vst.idx.msk vm2, v24  }
0x1d3: {  	s13 =	simm.s32 $0x70;
	s8 =	sor.u32 s16, s2;
	v38 =	vsub.f32 v17, v20;
	v39 =	vadd.f32 v62, v61;
	v33 =	vld [tilespmem:s12+$0x0];
	v24 =	vor.u32 s19, v1;
	[tilespmem:v45+s30+$0x0] =	vst.idx.msk vm2, v32  }
0x1d4: {  	s16 =	sor.u32 s14, s2;
	s14 =	simm.s32 $0x6;
	s15 =	simm.s32 $0x6;
	[tilespmem:s18+$0xFFFFFFF0] =	vst v60;
	v36 =	vmul.f32 v63, v63;
	v32 =	vld [tilespmem:s12+$0xFFFFFFF0];
	vm2 =	vlt.f32 v52, v60;
	v37 =	vmul.f32 v37, v43  }
.LBB2_9:
0x1d5: {  	v38 =	vmul.f32 v38, v38;
	v39 =	vmax.f32 v39, $1.000000000e-30;
	v34 =	vmul.f32 v35, v34  }
0x1d6: {  	s15 =	sadd.s32 $0x2, s15;
	v40 =	vld [tilespmem:s16+$0x0];
	[tilespmem:v30+s28+$0x0] =	vst.idx.msk vm0, v15;
	v41 =	vmovc v22;
	v42 =	vmovc v10;
	v10 =	vmov v25;
	v43 =	vmov v31;
	v44 =	vmov v16;
	s16 =	smov.u32 s7;
	s2 =	smov.u32 s12  }
0x1d7: {  	s11 =	sadd.s32 $0x20, s11;
	s7 =	sshll.u32 s15, $0x6;
	p1 =	slt.u32 s15, $0xC6;
	v15 =	vshra.s32 v39, $0x1;
	v45 =	vmul.f32 $5.000000000e-01, v39;
	v46 =	vld [tilespmem:s8+$0x0];
	v31 =	vmul.f32 v37, v27;
	[tilespmem:v30+s29+$0x0] =	vst.idx.msk vm0, v5;
	v27 =	vmovc v39  }
0x1d8: {  	s8 =	sadd.s32 $0xFFFFFFF0, s11;
	s17 =	sand.u32 $0x70, s11;
	s18 =	sand.u32 $0xFFFFFE00, s7;
	v39 =	vadd.f32 v38, v36;
	v15 =	vsub.s32 $0x5F3759DF, v15;
	v25 =	vmul.f32 v34, v35;
	[tilespmem:v30+s30+$0x0] =	vst.idx.msk vm0, v6  }
0x1d9: {  	s7 =	sand.u32 $0x60, s8;
	vm0 =	vmand vm1, vm2;
	v30 =	vmovc v26;
	v26 =	vmovc v23;
	s19 =	sor.u32 s18, s17;
	v6 =	vmul.f32 v15, v45;
	v36 =	vadd.f32 v31, v33  }
0x1da: {  	v16 =	vmovc v21;
	v23 =	vmovc v24;
	v24 =	vor.u32 s8, v1;
	s18 =	sor.u32 s7, s18;
	v22 =	vld [tilespmem:s19+$0xAF00];
	v37 =	vmax.f32 v39, $1.000000000e-30;
	v38 =	vsub.f32 $1.500000000e+00, v25  }
0x1db: {  	v5 =	vmovc v3;
	v25 =	vld [tilespmem:s19+$0xAF80];
	v48 =	vmul.f32 v15, v6;
	vm1 =	vge.f32 v40, v33;
	vm2 =	vlt.f32 v40, v36  }
0x1dc: {  	v3 =	vmovc v7;
	v7 =	vmovc v18;
	v39 =	vshra.s32 v37, $0x1;
	v34 =	vmul.f32 $5.000000000e-01, v37;
	v31 =	vld [tilespmem:s19+$0x7D00];
	vm2 =	vmand vm1, vm2  }
0x1dd: {  	v47 =	vor.u32 s5, v1;
	s5 =	smov.u32 s13;
	s13 =	smov.u32 s11;
	v39 =	vsub.s32 $0x5F3759DF, v39;
	v21 =	vld [tilespmem:s19+$0x7D80];
	v40 =	vsub.f32 $1.500000000e+00, v48;
	v6 =	vmovc v2;
	v2 =	vmovc v9  }
0x1de: {  	v35 =	vmul.f32 v38, v35;
	vm1 =	vge.f32 v46, v32;
	v48 =	vmul.f32 v39, v34;
	v9 =	vmovc v17;
	v18 =	vld [tilespmem:s18+$0xAF00]  }
0x1df: {  	v49 =	vmovc v19;
	v17 =	vld [tilespmem:s18+$0xAF80];
	v40 =	vmul.f32 v15, v40;
	[tilespmem:v30+s25+$0x0] =	vst.idx.msk vm0, v28;
	v15 =	vmov v4;
	v4 =	vmov v12  }
0x1e0: {  	v35 =	vmul.f32 v35, v29;
	v29 =	vmov v37;
	v38 =	vmul.f32 v39, v48;
	v19 =	vld [tilespmem:s18+$0x7D00];
	[tilespmem:v30+s26+$0x0] =	vst.idx.msk vm0, v8  }
0x1e1: {  	v12 =	vmovc v20;
	v28 =	vmovc v32;
	v8 =	vmov v13;
	v13 =	vmov v49;
	v37 =	vmul.f32 v40, v45;
	[tilespmem:s12+$0x0] =	vst v36;
	v20 =	vld [tilespmem:s18+$0x7D80]  }
0x1e2: {  	v32 =	vsub.f32 v22, v31;
	v36 =	vsub.f32 v25, v21;
	[tilespmem:v47+s25+$0x0] =	vst.idx.msk vm2, v33  }
.Ltmp3:
0x1e3: {  	v45 =	vadd.f32 v35, v28;
	v33 =	vsub.f32 $1.500000000e+00, v38;
	v37 =	vmul.f32 v37, v40;
	[tilespmem:v47+s26+$0x0] =	vst.idx.msk vm2, v14;
	(pc) =	sbr.rel @p1 .LBB2_9-.Ltmp3, $4  }
0x1e4: {  	v32 =	vmul.f32 v32, v32;
	v14 =	vmov v43;
	v36 =	vmul.f32 v36, v36;
	[tilespmem:v47+s28+$0x0] =	vst.idx.msk vm2, v44  }
0x1e5: {  	s8 =	sshll.u32 s14, $0x5;
	s14 =	smov.u32 s15;
	s12 =	sadd.s32 $0x20, s12;
	v35 =	vmul.f32 v39, v33;
	v43 =	vsub.f32 v18, v19;
	v37 =	vsub.f32 $1.500000000e+00, v37;
	[tilespmem:v47+s29+$0x0] =	vst.idx.msk vm2, v11  }
0x1e6: {  	s18 =	sand.u32 $0x3FFFFF00, s8;
	v11 =	vmov v41;
	v38 =	vsub.f32 v17, v20;
	v39 =	vadd.f32 v36, v32;
	v33 =	vld [tilespmem:s12+$0x0];
	[tilespmem:v47+s30+$0x0] =	vst.idx.msk vm2, v42  }
0x1e7: {  	s8 =	sor.u32 s16, s18;
	s16 =	sor.u32 s6, s18;
	s6 =	smov.u32 s17;
	vm2 =	vlt.f32 v46, v45;
	v36 =	vmul.f32 v43, v43;
	v32 =	vld [tilespmem:s12+$0xFFFFFFF0];
	v37 =	vmul.f32 v37, v40;
	[tilespmem:s2+$0xFFFFFFF0] =	vst v45  }
0x1e8: {  	v39 =	vmax.f32 v39, $1.000000000e-30  }
0x1e9: {  	v38 =	vmul.f32 v38, v38;
	v40 =	vshra.s32 v39, $0x1;
	v41 =	vmul.f32 $5.000000000e-01, v39  }
0x1ea: {  	v40 =	vsub.s32 $0x5F3759DF, v40  }
0x1eb: {  	v36 =	vadd.f32 v38, v36;
	v42 =	vmul.f32 v40, v41  }
0x1ec: {  	v43 =	vld [tilespmem:s16+$0x0];
	v34 =	vmul.f32 v35, v34;
	vm1 =	vmand vm1, vm2  }
0x1ed: {  	v27 =	vmul.f32 v37, v27;
	v36 =	vmax.f32 v36, $1.000000000e-30;
	v42 =	vmul.f32 v40, v42  }
0x1ee: {  	v34 =	vmul.f32 v34, v35;
	v44 =	vshra.s32 v36, $0x1;
	v45 =	vmul.f32 $5.000000000e-01, v36  }
0x1ef: {  	[tilespmem:v30+s28+$0x0] =	vst.idx.msk vm0, v15;
	v38 =	vsub.s32 $0x5F3759DF, v44;
	v42 =	vsub.f32 $1.500000000e+00, v42  }
0x1f0: {  	[tilespmem:v30+s29+$0x0] =	vst.idx.msk vm0, v5;
	v27 =	vadd.f32 v27, v33;
	v46 =	vsub.f32 $1.500000000e+00, v34;
	v47 =	vmul.f32 v38, v45  }
0x1f1: {  	[tilespmem:v30+s30+$0x0] =	vst.idx.msk vm0, v6;
	vm9 =	vge.f32 v43, v33;
	v37 =	vmul.f32 v40, v42  }
0x1f2: {  	v49 =	vld [tilespmem:s8+$0x0];
	vm3 =	vlt.f32 v43, v27;
	v50 =	vmul.f32 v46, v35;
	v51 =	vmul.f32 v38, v47  }
0x1f3: {  	[tilespmem:s12+$0x0] =	vst v27;
	vm2 =	vmand vm9, vm3;
	v41 =	vmul.f32 v37, v41  }
0x1f4: {  	v48 =	vor.u32 s5, v1;
	[tilespmem:v26+s25+$0x0] =	vst.idx.msk vm1, v28;
	v6 =	vmul.f32 v50, v29;
	v53 =	vsub.f32 $1.500000000e+00, v51  }
0x1f5: {  	[tilespmem:v26+s26+$0x0] =	vst.idx.msk vm1, v8;
	v41 =	vmul.f32 v41, v37  }
0x1f6: {  	[tilespmem:v26+s28+$0x0] =	vst.idx.msk vm1, v4;
	v6 =	vadd.f32 v6, v32;
	v8 =	vmul.f32 v38, v53  }
0x1f7: {  	s2 =	sshll.u32 s14, $0x5;
	s18 =	sadd.s32 $0x20, s12;
	vm10 =	vge.f32 v49, v32;
	[tilespmem:v26+s29+$0x0] =	vst.idx.msk vm1, v3;
	v52 =	vsub.f32 $1.500000000e+00, v41  }
0x1f8: {  	s2 =	sand.u32 $0x3FFFFF00, s2;
	v54 =	vld [tilespmem:s18+$0x0];
	[tilespmem:v26+s30+$0x0] =	vst.idx.msk vm1, v2;
	vm11 =	vlt.f32 v49, v6;
	v58 =	vmul.f32 v8, v45  }
0x1f9: {  	s6 =	sor.u32 s6, s2;
	[tilespmem:v48+s25+$0x0] =	vst.idx.msk vm2, v33;
	vm0 =	vmand vm10, vm11;
	v55 =	vmul.f32 v52, v37  }
0x1fa: {  	v56 =	vld [tilespmem:s6+$0x0];
	[tilespmem:s12+$0xFFFFFFF0] =	vst v6;
	v60 =	vmul.f32 v58, v8  }
0x1fb: {  	[tilespmem:v48+s26+$0x0] =	vst.idx.msk vm2, v14;
	v57 =	vmul.f32 v55, v39  }
0x1fc: {  	[tilespmem:v48+s28+$0x0] =	vst.idx.msk vm2, v16;
	v61 =	vsub.f32 $1.500000000e+00, v60  }
0x1fd: {  	v62 =	vld [tilespmem:s18+$0xFFFFFFF0];
	[tilespmem:v48+s29+$0x0] =	vst.idx.msk vm2, v11;
	v59 =	vadd.f32 v57, v54  }
0x1fe: {  	s2 =	sor.u32 s7, s2;
	[tilespmem:v48+s30+$0x0] =	vst.idx.msk vm2, v10;
	v2 =	vmul.f32 v61, v8  }
0x1ff: {  	v63 =	vld [tilespmem:s2+$0x0];
	vm12 =	vge.f32 v56, v54;
	[tilespmem:v23+s25+$0x0] =	vst.idx.msk vm0, v32;
	vm13 =	vlt.f32 v56, v59  }
0x200: {  	[tilespmem:v23+s26+$0x0] =	vst.idx.msk vm0, v13;
	v2 =	vmul.f32 v2, v36;
	vm2 =	vmand vm12, vm13  }
0x201: {  	v3 =	vor.u32 s13, v1;
	[tilespmem:v23+s28+$0x0] =	vst.idx.msk vm0, v12  }
0x202: {  	[tilespmem:v23+s29+$0x0] =	vst.idx.msk vm0, v7;
	v2 =	vadd.f32 v2, v62  }
0x203: {  	[tilespmem:s18+$0x0] =	vst v59  }
0x204: {  	vm14 =	vge.f32 v63, v62;
	[tilespmem:v23+s30+$0x0] =	vst.idx.msk vm0, v9;
	vm15 =	vlt.f32 v63, v2  }
0x205: {  	[tilespmem:s18+$0xFFFFFFF0] =	vst v2;
	vm1 =	vmand vm14, vm15  }
0x206: {  	[tilespmem:v3+s25+$0x0] =	vst.idx.msk vm2, v54  }
0x207: {  	[tilespmem:v3+s26+$0x0] =	vst.idx.msk vm2, v31  }
0x208: {  	[tilespmem:v3+s28+$0x0] =	vst.idx.msk vm2, v21  }
0x209: {  	[tilespmem:v3+s29+$0x0] =	vst.idx.msk vm2, v22  }
0x20a: {  	s0 =	sadd.s32 $0x1, s0;
	[tilespmem:v3+s30+$0x0] =	vst.idx.msk vm2, v25  }
0x20b: {  	p1 =	sne.s32 s0, $0x30;
	[tilespmem:v24+s25+$0x0] =	vst.idx.msk vm1, v62  }
.Ltmp4:
0x20c: {  	[tilespmem:v24+s26+$0x0] =	vst.idx.msk vm1, v19;
	(pc) =	sbr.rel @p1 .LBB2_4-.Ltmp4, $4  }
0x20d: {  	s19 =	sadd.s32 s4, s20;
	[tilespmem:v24+s28+$0x0] =	vst.idx.msk vm1, v20  }
0x20e: {  	s2 =	sshrl.u32 s19, $0x3;
	[tilespmem:v24+s29+$0x0] =	vst.idx.msk vm1, v18  }
0x20f: {  	s2 =	sadd.s32 s1, s2;
	[tilespmem:v24+s30+$0x0] =	vst.idx.msk vm1, v17  }
0x210: {  	[tilespmem:s21], [sflag:$0x1] =	stream.linear.gather [hbm4b:s2+s3], $0x3200, $0x38;
	[tilespmem:$0x11300] =	vst v63  }
0x211: {  	_ =	swait.ge [sflag:s31], $0x3200;
	s2 =	simm.s32 $0x0;
	s0 =	simm.s32 $0x0  }
0x212: {  	[sflag:s31] =	ssyncset.done $0x0;
	s6 =	sand.u32 $0x70, s2;
	s0 =	sand.u32 $0xFFFFFE00, s0  }
0x213: {  	[sflag:s31] =	ssyncadd.s32 $0xFFFFCE00;
	s0 =	sor.u32 s6, s0  }
0x214: {  	v9 =	vld [tilespmem:s0+$0xE100]  }
0x215: {  	v11 =	vld [tilespmem:s0+$0xAF00]  }
0x216: {  	v15 =	vld [tilespmem:s0+$0xE180]  }
0x217: {  	v10 =	vld [tilespmem:s0+$0xAF80];
	_ =	sdelay $0x3  }
0x218: {  	s5 =	simm.s32 $0x10;
	s20 =	simm.s32 $0x40  }
0x219: {  	s8 =	sand.u32 $0x70, s5;
	s0 =	sand.u32 $0xFFFFFE00, s20;
	v2 =	vsub.f32 v9, v11;
	v3 =	vsub.f32 v15, v10  }
0x21a: {  	s0 =	sor.u32 s8, s0  }
0x21b: {  	v7 =	vld [tilespmem:s0+$0xE100];
	v4 =	vmul.f32 v2, v2;
	v3 =	vmul.f32 v3, v3  }
0x21c: {  	v6 =	vld [tilespmem:s0+$0xAF00]  }
0x21d: {  	v17 =	vld [tilespmem:s0+$0xAF80];
	v3 =	vadd.f32 v3, v4  }
0x21e: {  	v2 =	vld [tilespmem:s0+$0xE180]  }
0x21f: {  	v18 =	vmax.f32 v3, $1.000000000e-30  }
0x220: {  	v3 =	vshra.s32 v18, $0x1;
	v12 =	vmul.f32 $5.000000000e-01, v18  }
0x221: {  	s4 =	simm.s32 $0x80;
	s0 =	simm.s32 $0x20;
	v13 =	vsub.s32 $0x5F3759DF, v3  }
0x222: {  	s4 =	sand.u32 $0xFFFFFE00, s4;
	s11 =	sand.u32 $0x70, s0;
	v3 =	vmul.f32 v13, v12  }
0x223: {  	v4 =	vsub.f32 v7, v6;
	s4 =	sor.u32 s11, s4;
	v8 =	vsub.f32 v2, v17  }
0x224: {  	v5 =	vld [tilespmem:s4+$0xE100];
	v14 =	vmul.f32 v13, v3  }
0x225: {  	v16 =	vmul.f32 v4, v4;
	v4 =	vld [tilespmem:s4+$0xAF00];
	v19 =	vmul.f32 v8, v8  }
0x226: {  	v8 =	vld [tilespmem:s4+$0xAF80];
	v14 =	vsub.f32 $1.500000000e+00, v14  }
0x227: {  	v3 =	vld [tilespmem:s4+$0xE180];
	v16 =	vadd.f32 v19, v16  }
0x228: {  	v19 =	vmul.f32 v13, v14  }
0x229: {  	s17 =	simm.s32 $0x1900;
	s7 =	simm.s32 $0x0;
	v28 =	vmax.f32 v16, $1.000000000e-30  }
0x22a: {  	s12 =	simm.s32 $0xC0;
	s13 =	sand.u32 $0x3FFFFF00, s7;
	s4 =	simm.s32 $0x30;
	v20 =	vmul.f32 $5.000000000e-01, v28;
	v13 =	vshra.s32 v28, $0x1;
	v12 =	vmul.f32 v19, v12  }
0x22b: {  	s12 =	sand.u32 $0xFFFFFE00, s12;
	s6 =	sor.u32 s6, s13;
	v33 =	vld [tilespmem:s17+$0x0];
	s7 =	sand.u32 $0x70, s4;
	v14 =	vsub.f32 v5, v4;
	v21 =	vsub.s32 $0x5F3759DF, v13  }
0x22c: {  	v23 =	vld [tilespmem:s6+$0x0];
	s12 =	sor.u32 s7, s12;
	v16 =	vsub.f32 v3, v8;
	v22 =	vmul.f32 v21, v20;
	v24 =	vmul.f32 v12, v19  }
0x22d: {  	v25 =	vmul.f32 v14, v14;
	v14 =	vld [tilespmem:s12+$0xE180]  }
0x22e: {  	v26 =	vmul.f32 v16, v16;
	v16 =	vld [tilespmem:s12+$0xAF80];
	v22 =	vmul.f32 v21, v22;
	v24 =	vsub.f32 $1.500000000e+00, v24  }
0x22f: {  	v13 =	vld [tilespmem:s12+$0xAF00]  }
0x230: {  	v12 =	vld [tilespmem:s12+$0xE100];
	v25 =	vadd.f32 v26, v25;
	v22 =	vsub.f32 $1.500000000e+00, v22;
	v19 =	vmul.f32 v24, v19;
	_ =	sdelay $0x1  }
0x231: {  	s21 =	simm.s32 $0x20;
	v26 =	vmax.f32 v25, $1.000000000e-30;
	v24 =	vmul.f32 v21, v22;
	v18 =	vmul.f32 v19, v18  }
0x232: {  	s15 =	sand.u32 $0x3FFFFF00, s21;
	v29 =	vmul.f32 $5.000000000e-01, v26;
	v27 =	vsub.f32 v14, v16;
	v19 =	vshra.s32 v26, $0x1  }
0x233: {  	s14 =	simm.s32 $0x100;
	s6 =	simm.s32 $0x40;
	s8 =	sor.u32 s8, s15;
	v20 =	vmul.f32 v24, v20;
	v19 =	vsub.s32 $0x5F3759DF, v19;
	v30 =	vadd.f32 v18, v33  }
0x234: {  	s14 =	sand.u32 $0xFFFFFE00, s14;
	s13 =	simm.s32 $0x1910;
	vm0 =	vge.f32 v23, v33;
	s12 =	sand.u32 $0x70, s6;
	v25 =	vld [tilespmem:s8+$0x0];
	v18 =	vsub.f32 v12, v13;
	v31 =	vmul.f32 v19, v29  }
0x235: {  	s18 =	sor.u32 s12, s14;
	v21 =	vld [tilespmem:s13+$0x0];
	v27 =	vmul.f32 v27, v27;
	v32 =	vmul.f32 v20, v24;
	vm1 =	vlt.f32 v23, v30  }
0x236: {  	v22 =	vld [tilespmem:s18+$0xAF00];
	v18 =	vmul.f32 v18, v18;
	v31 =	vmul.f32 v19, v31;
	vm0 =	vmand vm0, vm1  }
0x237: {  	v20 =	vld [tilespmem:s18+$0xE100];
	v23 =	vor.u32 s2, v1;
	v32 =	vsub.f32 $1.500000000e+00, v32  }
0x238: {  	v27 =	vadd.f32 v27, v18;
	v31 =	vsub.f32 $1.500000000e+00, v31  }
0x239: {  	v32 =	vmul.f32 v32, v24;
	v18 =	vld [tilespmem:s18+$0xE180]  }
0x23a: {  	v24 =	vmax.f32 v27, $1.000000000e-30;
	v27 =	vmul.f32 v19, v31;
	v19 =	vld [tilespmem:s18+$0xAF80]  }
0x23b: {  	s16 =	simm.s32 $0x3;
	s15 =	simm.s32 $0x4;
	s14 =	simm.s32 $0x1920;
	[tilespmem:s17+$0x0] =	vst v30;
	vm1 =	vge.f32 v25, v21;
	v31 =	vmul.f32 v32, v28  }
0x23c: {  	s8 =	simm.s32 $0x5;
	s2 =	simm.s32 $0x50;
	s17 =	simm.s32 $0x40;
	v30 =	vsub.f32 v20, v22;
	v32 =	vshra.s32 v24, $0x1;
	v28 =	vmul.f32 $5.000000000e-01, v24;
	[tilespmem:v23+s25+$0x0] =	vst.idx.msk vm0, v33  }
.LBB2_12:
0x23d: {  	s18 =	sshll.u32 s8, $0x6;
	p1 =	sne.s32 s8, $0xC7;
	v32 =	vsub.s32 $0x5F3759DF, v32;
	s19 =	sand.u32 $0x3FFFFF00, s17;
	v29 =	vmul.f32 v27, v29;
	v33 =	vadd.f32 v31, v21  }
0x23e: {  	[tilespmem:v23+s26+$0x0] =	vst.idx.msk vm0, v11;
	v11 =	vmovc v6;
	v6 =	vmovc v4;
	v4 =	vmov v13;
	v13 =	vmov v22;
	v31 =	vmov v26;
	s17 =	smov.u32 s16;
	s16 =	smov.u32 s15;
	s15 =	smov.u32 s8  }
0x23f: {  	s20 =	sand.u32 $0x70, s2;
	s18 =	sand.u32 $0xFFFFFE00, s18;
	v26 =	vsub.f32 v18, v19;
	v34 =	vmul.f32 v32, v28;
	s11 =	sor.u32 s11, s19;
	v35 =	vld [tilespmem:s14+$0x0];
	[tilespmem:v23+s28+$0x0] =	vst.idx.msk vm0, v10;
	v10 =	vmov v17  }
0x240: {  	s18 =	sor.u32 s20, s18;
	v37 =	vmul.f32 v29, v27;
	vm2 =	vlt.f32 v25, v33;
	v25 =	vld [tilespmem:s11+$0x0];
	[tilespmem:v23+s29+$0x0] =	vst.idx.msk vm0, v9;
	v9 =	vmov v7;
	s11 =	smov.u32 s7;
	s7 =	smov.u32 s12  }
0x241: {  	v29 =	vmul.f32 v30, v30;
	v7 =	vmovc v5;
	s12 =	smov.u32 s20;
	v36 =	vld [tilespmem:s18+$0xE100];
	[tilespmem:v23+s30+$0x0] =	vst.idx.msk vm0, v15;
	v23 =	vor.u32 s5, v1;
	vm0 =	vmand vm1, vm2;
	s5 =	smov.u32 s0;
	s0 =	smov.u32 s4  }
0x242: {  	v5 =	vmovc v12;
	v12 =	vmovc v20;
	v38 =	vmul.f32 v26, v26;
	v30 =	vmul.f32 v32, v34;
	s4 =	smov.u32 s6;
	s6 =	smov.u32 s2;
	v22 =	vld [tilespmem:s18+$0xAF00];
	v34 =	vsub.f32 $1.500000000e+00, v37  }
.Ltmp5:
0x243: {  	v17 =	vmovc v8;
	v15 =	vmovc v2;
	v2 =	vmov v3;
	v3 =	vmov v14;
	v14 =	vmov v18;
	v18 =	vld [tilespmem:s18+$0xE180];
	(pc) =	sbr.rel @p1 .LBB2_12-.Ltmp5, $4  }
0x244: {  	v8 =	vmovc v16;
	v16 =	vmovc v19;
	v37 =	vadd.f32 v38, v29;
	v30 =	vsub.f32 $1.500000000e+00, v30;
	v34 =	vmul.f32 v34, v27;
	v19 =	vld [tilespmem:s18+$0xAF80]  }
0x245: {  	v26 =	vmov v24;
	v29 =	vmov v28;
	vm1 =	vge.f32 v25, v35  }
0x246: {  	v24 =	vmax.f32 v37, $1.000000000e-30;
	v27 =	vmul.f32 v32, v30;
	v31 =	vmul.f32 v34, v31;
	[tilespmem:s13+$0x0] =	vst v33;
	v20 =	vmovc v36;
	s13 =	smov.u32 s14;
	s14 =	sadd.s32 $0x10, s14  }
0x247: {  	s8 =	sadd.s32 $0x1, s8;
	s17 =	sshll.u32 s17, $0x5;
	s2 =	sadd.s32 $0x10, s2;
	v32 =	vshra.s32 v24, $0x1;
	v28 =	vmul.f32 $5.000000000e-01, v24;
	v30 =	vsub.f32 v20, v22;
	[tilespmem:v23+s25+$0x0] =	vst.idx.msk vm0, v21;
	v21 =	vmovc v35  }
0x248: {  	_ = 	snop  }
0x249: {  	v33 =	vsub.f32 v18, v19;
	_ =	sdelay $0x1  }
0x24a: {  	v32 =	vsub.s32 $0x5F3759DF, v32;
	v30 =	vmul.f32 v30, v30;
	v33 =	vmul.f32 v33, v33  }
0x24b: {  	v34 =	vmul.f32 v32, v28  }
0x24c: {  	v29 =	vmul.f32 v27, v29;
	v30 =	vadd.f32 v33, v30  }
0x24d: {  	v59 =	vmul.f32 v32, v34  }
0x24e: {  	v29 =	vmul.f32 v29, v27;
	v30 =	vmax.f32 v30, $1.000000000e-30  }
0x24f: {  	v33 =	vsub.f32 $1.500000000e+00, v59;
	v60 =	vshra.s32 v30, $0x1;
	v35 =	vmul.f32 $5.000000000e-01, v30  }
0x250: {  	v29 =	vsub.f32 $1.500000000e+00, v29;
	v34 =	vsub.s32 $0x5F3759DF, v60  }
0x251: {  	s2 =	sand.u32 $0x3FFFFF00, s17;
	v31 =	vadd.f32 v31, v21;
	v32 =	vmul.f32 v32, v33;
	v61 =	vmul.f32 v34, v35  }
0x252: {  	s2 =	sor.u32 s11, s2;
	v27 =	vmul.f32 v29, v27;
	v29 =	vld [tilespmem:s14+$0x0]  }
0x253: {  	vm2 =	vlt.f32 v25, v31;
	v25 =	vld [tilespmem:s2+$0x0];
	v28 =	vmul.f32 v32, v28;
	v33 =	vmul.f32 v34, v61  }
0x254: {  	[tilespmem:v23+s26+$0x0] =	vst.idx.msk vm0, v11;
	v11 =	vor.u32 s5, v1;
	vm1 =	vmand vm1, vm2  }
0x255: {  	v26 =	vmul.f32 v27, v26;
	v27 =	vmul.f32 v28, v32;
	v28 =	vsub.f32 $1.500000000e+00, v33  }
0x256: {  	[tilespmem:v23+s28+$0x0] =	vst.idx.msk vm0, v10  }
0x257: {  	s10 =	sadd.s32 $0x10, s14;
	s11 =	sshll.u32 s16, $0x5;
	[tilespmem:v23+s29+$0x0] =	vst.idx.msk vm0, v9;
	v9 =	vadd.f32 v26, v29;
	v10 =	vsub.f32 $1.500000000e+00, v27;
	v26 =	vmul.f32 v34, v28  }
0x258: {  	s5 =	sand.u32 $0x3FFFFF00, s11;
	[tilespmem:v23+s30+$0x0] =	vst.idx.msk vm0, v15;
	v15 =	vld [tilespmem:s10+$0x0];
	vm0 =	vge.f32 v25, v29  }
0x259: {  	[tilespmem:s13+$0x0] =	vst v31;
	s5 =	sor.u32 s7, s5;
	vm2 =	vlt.f32 v25, v9;
	v10 =	vmul.f32 v10, v32;
	v23 =	vmul.f32 v26, v35  }
0x25a: {  	[tilespmem:v11+s25+$0x0] =	vst.idx.msk vm1, v21;
	v21 =	vld [tilespmem:s5+$0x0];
	vm0 =	vmand vm0, vm2  }
0x25b: {  	[tilespmem:v11+s26+$0x0] =	vst.idx.msk vm1, v6;
	v6 =	vor.u32 s0, v1;
	v10 =	vmul.f32 v10, v24;
	v23 =	vmul.f32 v23, v26  }
0x25c: {  	[tilespmem:v11+s28+$0x0] =	vst.idx.msk vm1, v17  }
0x25d: {  	s16 =	sshll.u32 s15, $0x5;
	s13 =	sadd.s32 $0x10, s10;
	[tilespmem:v11+s29+$0x0] =	vst.idx.msk vm1, v7;
	v7 =	vadd.f32 v10, v15;
	v10 =	vsub.f32 $1.500000000e+00, v23  }
0x25e: {  	s5 =	sand.u32 $0x3FFFFF00, s16;
	[tilespmem:v11+s30+$0x0] =	vst.idx.msk vm1, v2;
	v2 =	vld [tilespmem:s13+$0x0]  }
0x25f: {  	s5 =	sor.u32 s12, s5;
	[tilespmem:s14+$0x0] =	vst v9;
	vm1 =	vge.f32 v21, v15;
	vm2 =	vlt.f32 v21, v7;
	v9 =	vmul.f32 v10, v26  }
0x260: {  	[tilespmem:v6+s25+$0x0] =	vst.idx.msk vm0, v29;
	vm1 =	vmand vm1, vm2;
	v10 =	vld [tilespmem:s5+$0x0]  }
0x261: {  	[tilespmem:v6+s26+$0x0] =	vst.idx.msk vm0, v4;
	v4 =	vor.u32 s4, v1;
	v9 =	vmul.f32 v9, v30  }
0x262: {  	[tilespmem:v6+s28+$0x0] =	vst.idx.msk vm0, v8  }
0x263: {  	[tilespmem:v6+s29+$0x0] =	vst.idx.msk vm0, v5;
	v5 =	vadd.f32 v9, v2  }
0x264: {  	[tilespmem:s10+$0x0] =	vst v7  }
0x265: {  	[tilespmem:v6+s30+$0x0] =	vst.idx.msk vm0, v3;
	vm0 =	vge.f32 v10, v2;
	vm2 =	vlt.f32 v10, v5  }
0x266: {  	[tilespmem:v4+s25+$0x0] =	vst.idx.msk vm1, v15;
	vm0 =	vmand vm0, vm2  }
0x267: {  	v3 =	vor.u32 s6, v1;
	[tilespmem:v4+s26+$0x0] =	vst.idx.msk vm1, v13  }
0x268: {  	[tilespmem:v4+s28+$0x0] =	vst.idx.msk vm1, v16  }
0x269: {  	[tilespmem:s13+$0x0] =	vst v5  }
0x26a: {  	[tilespmem:v4+s29+$0x0] =	vst.idx.msk vm1, v12  }
0x26b: {  	[tilespmem:v4+s30+$0x0] =	vst.idx.msk vm1, v14  }
0x26c: {  	[tilespmem:v3+s25+$0x0] =	vst.idx.msk vm0, v2  }
0x26d: {  	[tilespmem:v3+s26+$0x0] =	vst.idx.msk vm0, v22  }
0x26e: {  	[tilespmem:v3+s28+$0x0] =	vst.idx.msk vm0, v19  }
0x26f: {  	[tilespmem:v3+s29+$0x0] =	vst.idx.msk vm0, v20  }
0x270: {  	[tilespmem:v3+s30+$0x0] =	vst.idx.msk vm0, v18  }
0x271: {  	s17 =	simm.s32 $0x0;
	s0 =	rddreg [dreg:$0xd]  }
0x272: {  	[tilespmem:s22], [sflag:$0x2] =	stream.linear.gather [hbm4b:s0+s17], $0x3200, $0x38;
	[tilespmem:$0x11300] =	vst v63  }
0x273: {  	s21 =	simm.s32 $0x0;
	_ =	swait.ge [sflag:s23], $0x3200  }
0x274: {  	s22 =	sand.u32 $0x70, s17;
	s0 =	sand.u32 $0xFFFFFE00, s21;
	[sflag:s23] =	ssyncset.done $0x0  }
0x275: {  	s0 =	sor.u32 s22, s0;
	[sflag:s23] =	ssyncadd.s32 $0xFFFFCE00  }
0x276: {  	v9 =	vld [tilespmem:s0+$0x7D00]  }
0x277: {  	v11 =	vld [tilespmem:s0+$0xE100]  }
0x278: {  	v15 =	vld [tilespmem:s0+$0x7D80]  }
0x279: {  	v10 =	vld [tilespmem:s0+$0xE180];
	_ =	sdelay $0x3  }
0x27a: {  	s7 =	simm.s32 $0x40;
	s5 =	simm.s32 $0x10  }
0x27b: {  	s8 =	sand.u32 $0x70, s5;
	s0 =	sand.u32 $0xFFFFFE00, s7;
	v2 =	vsub.f32 v9, v11;
	v3 =	vsub.f32 v15, v10  }
0x27c: {  	s0 =	sor.u32 s8, s0  }
0x27d: {  	v7 =	vld [tilespmem:s0+$0x7D00];
	v4 =	vmul.f32 v2, v2;
	v3 =	vmul.f32 v3, v3  }
0x27e: {  	v6 =	vld [tilespmem:s0+$0xE100]  }
0x27f: {  	v17 =	vld [tilespmem:s0+$0xE180];
	v3 =	vadd.f32 v3, v4  }
0x280: {  	v2 =	vld [tilespmem:s0+$0x7D80]  }
0x281: {  	v18 =	vmax.f32 v3, $1.000000000e-30  }
0x282: {  	v3 =	vshra.s32 v18, $0x1;
	v12 =	vmul.f32 $5.000000000e-01, v18  }
0x283: {  	s9 =	simm.s32 $0x80;
	s0 =	simm.s32 $0x20;
	v13 =	vsub.s32 $0x5F3759DF, v3  }
0x284: {  	s4 =	sand.u32 $0xFFFFFE00, s9;
	s11 =	sand.u32 $0x70, s0;
	v3 =	vmul.f32 v13, v12  }
0x285: {  	v4 =	vsub.f32 v7, v6;
	s4 =	sor.u32 s11, s4;
	v8 =	vsub.f32 v2, v17  }
0x286: {  	v5 =	vld [tilespmem:s4+$0x7D00];
	v14 =	vmul.f32 v13, v3  }
0x287: {  	v16 =	vmul.f32 v4, v4;
	v4 =	vld [tilespmem:s4+$0xE100];
	v19 =	vmul.f32 v8, v8  }
0x288: {  	v8 =	vld [tilespmem:s4+$0xE180];
	v14 =	vsub.f32 $1.500000000e+00, v14  }
0x289: {  	v3 =	vld [tilespmem:s4+$0x7D80];
	v16 =	vadd.f32 v19, v16  }
0x28a: {  	v19 =	vmul.f32 v13, v14  }
0x28b: {  	s18 =	simm.s32 $0xC0;
	s16 =	simm.s32 $0x0;
	v28 =	vmax.f32 v16, $1.000000000e-30  }
0x28c: {  	s19 =	sand.u32 $0x3FFFFF00, s16;
	s10 =	simm.s32 $0x1900;
	s4 =	simm.s32 $0x30;
	v20 =	vmul.f32 $5.000000000e-01, v28;
	v13 =	vshra.s32 v28, $0x1;
	v12 =	vmul.f32 v19, v12  }
0x28d: {  	s12 =	sand.u32 $0xFFFFFE00, s18;
	s6 =	sor.u32 s22, s19;
	v62 =	vld [tilespmem:s10+$0x0];
	s7 =	sand.u32 $0x70, s4;
	v14 =	vsub.f32 v5, v4;
	v21 =	vsub.s32 $0x5F3759DF, v13  }
0x28e: {  	v23 =	vld [tilespmem:s6+$0x0];
	s12 =	sor.u32 s7, s12;
	v16 =	vsub.f32 v3, v8;
	v22 =	vmul.f32 v21, v20;
	v24 =	vmul.f32 v12, v19  }
0x28f: {  	v25 =	vmul.f32 v14, v14;
	v14 =	vld [tilespmem:s12+$0x7D80]  }
0x290: {  	v26 =	vmul.f32 v16, v16;
	v16 =	vld [tilespmem:s12+$0xE180];
	v22 =	vmul.f32 v21, v22;
	v24 =	vsub.f32 $1.500000000e+00, v24  }
0x291: {  	v13 =	vld [tilespmem:s12+$0xE100]  }
0x292: {  	v12 =	vld [tilespmem:s12+$0x7D00];
	v25 =	vadd.f32 v26, v25;
	v22 =	vsub.f32 $1.500000000e+00, v22;
	v19 =	vmul.f32 v24, v19;
	_ =	sdelay $0x1  }
0x293: {  	s20 =	simm.s32 $0x20;
	v26 =	vmax.f32 v25, $1.000000000e-30;
	v24 =	vmul.f32 v21, v22;
	v18 =	vmul.f32 v19, v18  }
0x294: {  	s22 =	sand.u32 $0x3FFFFF00, s20;
	v29 =	vmul.f32 $5.000000000e-01, v26;
	v27 =	vsub.f32 v14, v16;
	v19 =	vshra.s32 v26, $0x1  }
0x295: {  	s21 =	simm.s32 $0x100;
	s6 =	simm.s32 $0x40;
	s8 =	sor.u32 s8, s22;
	v20 =	vmul.f32 v24, v20;
	v19 =	vsub.s32 $0x5F3759DF, v19;
	v30 =	vadd.f32 v18, v62  }
0x296: {  	s13 =	simm.s32 $0x1910;
	s14 =	sand.u32 $0xFFFFFE00, s21;
	vm0 =	vge.f32 v23, v62;
	s12 =	sand.u32 $0x70, s6;
	v25 =	vld [tilespmem:s8+$0x0];
	v18 =	vsub.f32 v12, v13;
	v31 =	vmul.f32 v19, v29  }
0x297: {  	s18 =	sor.u32 s12, s14;
	v21 =	vld [tilespmem:s13+$0x0];
	v27 =	vmul.f32 v27, v27;
	v63 =	vmul.f32 v20, v24;
	vm1 =	vlt.f32 v23, v30  }
0x298: {  	v22 =	vld [tilespmem:s18+$0xE100];
	v18 =	vmul.f32 v18, v18;
	v31 =	vmul.f32 v19, v31;
	vm0 =	vmand vm0, vm1  }
0x299: {  	v20 =	vld [tilespmem:s18+$0x7D00];
	v23 =	vor.u32 s17, v1;
	v32 =	vsub.f32 $1.500000000e+00, v63  }
0x29a: {  	v27 =	vadd.f32 v27, v18;
	v31 =	vsub.f32 $1.500000000e+00, v31  }
0x29b: {  	v32 =	vmul.f32 v32, v24;
	v18 =	vld [tilespmem:s18+$0x7D80]  }
0x29c: {  	v24 =	vmax.f32 v27, $1.000000000e-30;
	v27 =	vmul.f32 v19, v31;
	v19 =	vld [tilespmem:s18+$0xE180]  }
0x29d: {  	s15 =	simm.s32 $0x4;
	s2 =	simm.s32 $0x50;
	s16 =	simm.s32 $0x3;
	[tilespmem:s10+$0x0] =	vst v30;
	vm1 =	vge.f32 v25, v21;
	v31 =	vmul.f32 v32, v28  }
0x29e: {  	s14 =	simm.s32 $0x1920;
	s8 =	simm.s32 $0x5;
	s17 =	simm.s32 $0x40;
	v30 =	vsub.f32 v20, v22;
	v32 =	vshra.s32 v24, $0x1;
	v28 =	vmul.f32 $5.000000000e-01, v24;
	[tilespmem:v23+s25+$0x0] =	vst.idx.msk vm0, v62  }
.LBB2_14:
0x29f: {  	s18 =	sshll.u32 s8, $0x6;
	p1 =	sne.s32 s8, $0xC7;
	v32 =	vsub.s32 $0x5F3759DF, v32;
	s19 =	sand.u32 $0x3FFFFF00, s17;
	v29 =	vmul.f32 v27, v29;
	v33 =	vadd.f32 v31, v21  }
0x2a0: {  	[tilespmem:v23+s26+$0x0] =	vst.idx.msk vm0, v11;
	v11 =	vmovc v6;
	v6 =	vmovc v4;
	v4 =	vmov v13;
	v13 =	vmov v22;
	v31 =	vmov v26;
	s17 =	smov.u32 s16;
	s16 =	smov.u32 s15;
	s15 =	smov.u32 s8  }
0x2a1: {  	s20 =	sand.u32 $0x70, s2;
	s18 =	sand.u32 $0xFFFFFE00, s18;
	v26 =	vsub.f32 v18, v19;
	v34 =	vmul.f32 v32, v28;
	s11 =	sor.u32 s11, s19;
	v35 =	vld [tilespmem:s14+$0x0];
	[tilespmem:v23+s28+$0x0] =	vst.idx.msk vm0, v10;
	v10 =	vmov v17  }
0x2a2: {  	s18 =	sor.u32 s20, s18;
	v37 =	vmul.f32 v29, v27;
	vm2 =	vlt.f32 v25, v33;
	v25 =	vld [tilespmem:s11+$0x0];
	[tilespmem:v23+s29+$0x0] =	vst.idx.msk vm0, v9;
	v9 =	vmov v7;
	s11 =	smov.u32 s7;
	s7 =	smov.u32 s12  }
0x2a3: {  	v29 =	vmul.f32 v30, v30;
	v7 =	vmovc v5;
	s12 =	smov.u32 s20;
	v36 =	vld [tilespmem:s18+$0x7D00];
	[tilespmem:v23+s30+$0x0] =	vst.idx.msk vm0, v15;
	v23 =	vor.u32 s5, v1;
	vm0 =	vmand vm1, vm2;
	s5 =	smov.u32 s0;
	s0 =	smov.u32 s4  }
0x2a4: {  	v5 =	vmovc v12;
	v12 =	vmovc v20;
	v38 =	vmul.f32 v26, v26;
	v30 =	vmul.f32 v32, v34;
	s4 =	smov.u32 s6;
	s6 =	smov.u32 s2;
	v22 =	vld [tilespmem:s18+$0xE100];
	v34 =	vsub.f32 $1.500000000e+00, v37  }
.Ltmp6:
0x2a5: {  	v17 =	vmovc v8;
	v15 =	vmovc v2;
	v2 =	vmov v3;
	v3 =	vmov v14;
	v14 =	vmov v18;
	v18 =	vld [tilespmem:s18+$0x7D80];
	(pc) =	sbr.rel @p1 .LBB2_14-.Ltmp6, $4  }
0x2a6: {  	v8 =	vmovc v16;
	v16 =	vmovc v19;
	v37 =	vadd.f32 v38, v29;
	v30 =	vsub.f32 $1.500000000e+00, v30;
	v34 =	vmul.f32 v34, v27;
	v19 =	vld [tilespmem:s18+$0xE180]  }
0x2a7: {  	v26 =	vmov v24;
	v29 =	vmov v28;
	vm1 =	vge.f32 v25, v35  }
0x2a8: {  	v24 =	vmax.f32 v37, $1.000000000e-30;
	v27 =	vmul.f32 v32, v30;
	v31 =	vmul.f32 v34, v31;
	[tilespmem:s13+$0x0] =	vst v33;
	v20 =	vmovc v36;
	s13 =	smov.u32 s14;
	s14 =	sadd.s32 $0x10, s14  }
0x2a9: {  	s8 =	sadd.s32 $0x1, s8;
	s17 =	sshll.u32 s17, $0x5;
	s2 =	sadd.s32 $0x10, s2;
	v32 =	vshra.s32 v24, $0x1;
	v28 =	vmul.f32 $5.000000000e-01, v24;
	v30 =	vsub.f32 v20, v22;
	[tilespmem:v23+s25+$0x0] =	vst.idx.msk vm0, v21;
	v21 =	vmovc v35  }
0x2aa: {  	_ = 	snop  }
0x2ab: {  	v33 =	vsub.f32 v18, v19;
	_ =	sdelay $0x1  }
0x2ac: {  	v32 =	vsub.s32 $0x5F3759DF, v32;
	v30 =	vmul.f32 v30, v30;
	v33 =	vmul.f32 v33, v33  }
0x2ad: {  	v34 =	vmul.f32 v32, v28  }
0x2ae: {  	v29 =	vmul.f32 v27, v29;
	v30 =	vadd.f32 v33, v30  }
0x2af: {  	v59 =	vmul.f32 v32, v34  }
0x2b0: {  	v29 =	vmul.f32 v29, v27;
	v30 =	vmax.f32 v30, $1.000000000e-30  }
0x2b1: {  	v33 =	vsub.f32 $1.500000000e+00, v59;
	v60 =	vshra.s32 v30, $0x1;
	v35 =	vmul.f32 $5.000000000e-01, v30  }
0x2b2: {  	v29 =	vsub.f32 $1.500000000e+00, v29;
	v34 =	vsub.s32 $0x5F3759DF, v60  }
0x2b3: {  	s2 =	sand.u32 $0x3FFFFF00, s17;
	v31 =	vadd.f32 v31, v21;
	v32 =	vmul.f32 v32, v33;
	v61 =	vmul.f32 v34, v35  }
0x2b4: {  	s2 =	sor.u32 s11, s2;
	v27 =	vmul.f32 v29, v27;
	v29 =	vld [tilespmem:s14+$0x0]  }
0x2b5: {  	vm2 =	vlt.f32 v25, v31;
	v25 =	vld [tilespmem:s2+$0x0];
	v28 =	vmul.f32 v32, v28;
	v33 =	vmul.f32 v34, v61  }
0x2b6: {  	[tilespmem:v23+s26+$0x0] =	vst.idx.msk vm0, v11;
	v11 =	vor.u32 s5, v1;
	vm1 =	vmand vm1, vm2  }
0x2b7: {  	v26 =	vmul.f32 v27, v26;
	v27 =	vmul.f32 v28, v32;
	v28 =	vsub.f32 $1.500000000e+00, v33  }
0x2b8: {  	[tilespmem:v23+s28+$0x0] =	vst.idx.msk vm0, v10  }
0x2b9: {  	s10 =	sadd.s32 $0x10, s14;
	s11 =	sshll.u32 s16, $0x5;
	[tilespmem:v23+s29+$0x0] =	vst.idx.msk vm0, v9;
	v9 =	vadd.f32 v26, v29;
	v10 =	vsub.f32 $1.500000000e+00, v27;
	v26 =	vmul.f32 v34, v28  }
0x2ba: {  	s5 =	sand.u32 $0x3FFFFF00, s11;
	[tilespmem:v23+s30+$0x0] =	vst.idx.msk vm0, v15;
	v15 =	vld [tilespmem:s10+$0x0];
	vm0 =	vge.f32 v25, v29  }
0x2bb: {  	[tilespmem:s13+$0x0] =	vst v31;
	s5 =	sor.u32 s7, s5;
	vm2 =	vlt.f32 v25, v9;
	v10 =	vmul.f32 v10, v32;
	v23 =	vmul.f32 v26, v35  }
0x2bc: {  	[tilespmem:v11+s25+$0x0] =	vst.idx.msk vm1, v21;
	v21 =	vld [tilespmem:s5+$0x0];
	vm0 =	vmand vm0, vm2  }
0x2bd: {  	[tilespmem:v11+s26+$0x0] =	vst.idx.msk vm1, v6;
	v6 =	vor.u32 s0, v1;
	v10 =	vmul.f32 v10, v24;
	v23 =	vmul.f32 v23, v26  }
0x2be: {  	[tilespmem:v11+s28+$0x0] =	vst.idx.msk vm1, v17  }
0x2bf: {  	s16 =	sshll.u32 s15, $0x5;
	s13 =	sadd.s32 $0x10, s10;
	[tilespmem:v11+s29+$0x0] =	vst.idx.msk vm1, v7;
	v7 =	vadd.f32 v10, v15;
	v10 =	vsub.f32 $1.500000000e+00, v23  }
0x2c0: {  	s5 =	sand.u32 $0x3FFFFF00, s16;
	[tilespmem:v11+s30+$0x0] =	vst.idx.msk vm1, v2;
	v2 =	vld [tilespmem:s13+$0x0]  }
0x2c1: {  	s5 =	sor.u32 s12, s5;
	[tilespmem:s14+$0x0] =	vst v9;
	vm1 =	vge.f32 v21, v15;
	vm2 =	vlt.f32 v21, v7;
	v9 =	vmul.f32 v10, v26  }
0x2c2: {  	[tilespmem:v6+s25+$0x0] =	vst.idx.msk vm0, v29;
	vm1 =	vmand vm1, vm2;
	v10 =	vld [tilespmem:s5+$0x0]  }
0x2c3: {  	[tilespmem:v6+s26+$0x0] =	vst.idx.msk vm0, v4;
	v4 =	vor.u32 s4, v1;
	v9 =	vmul.f32 v9, v30  }
0x2c4: {  	[tilespmem:v6+s28+$0x0] =	vst.idx.msk vm0, v8  }
0x2c5: {  	[tilespmem:v6+s29+$0x0] =	vst.idx.msk vm0, v5;
	v5 =	vadd.f32 v9, v2  }
0x2c6: {  	[tilespmem:s10+$0x0] =	vst v7  }
0x2c7: {  	[tilespmem:v6+s30+$0x0] =	vst.idx.msk vm0, v3;
	vm0 =	vge.f32 v10, v2;
	vm2 =	vlt.f32 v10, v5  }
0x2c8: {  	[tilespmem:v4+s25+$0x0] =	vst.idx.msk vm1, v15;
	vm0 =	vmand vm0, vm2  }
0x2c9: {  	v3 =	vor.u32 s6, v1;
	[tilespmem:v4+s26+$0x0] =	vst.idx.msk vm1, v13  }
0x2ca: {  	[tilespmem:v4+s28+$0x0] =	vst.idx.msk vm1, v16  }
0x2cb: {  	[tilespmem:s13+$0x0] =	vst v5  }
0x2cc: {  	[tilespmem:v4+s29+$0x0] =	vst.idx.msk vm1, v12  }
0x2cd: {  	[tilespmem:v4+s30+$0x0] =	vst.idx.msk vm1, v14  }
0x2ce: {  	[tilespmem:v3+s25+$0x0] =	vst.idx.msk vm0, v2  }
0x2cf: {  	[tilespmem:v3+s26+$0x0] =	vst.idx.msk vm0, v22  }
0x2d0: {  	[tilespmem:v3+s28+$0x0] =	vst.idx.msk vm0, v19  }
0x2d1: {  	[tilespmem:v3+s29+$0x0] =	vst.idx.msk vm0, v20  }
0x2d2: {  	[tilespmem:v3+s30+$0x0] =	vst.idx.msk vm0, v18  }
0x2d3: {  	s17 =	simm.s32 $0x0;
	s20 =	simm.s32 $0xE100;
	s0 =	rddreg [dreg:$0xe]  }
0x2d4: {  	[tilespmem:s20], [sflag:$0x3] =	stream.linear.gather [hbm4b:s0+s17], $0x3200, $0x38;
	[tilespmem:$0x11300] =	vst v63  }
0x2d5: {  	s21 =	simm.s32 $0x0;
	_ =	swait.ge [sflag:s24], $0x3200  }
0x2d6: {  	s22 =	sand.u32 $0x70, s17;
	s0 =	sand.u32 $0xFFFFFE00, s21;
	[sflag:s24] =	ssyncset.done $0x0  }
0x2d7: {  	s0 =	sor.u32 s22, s0;
	[sflag:s24] =	ssyncadd.s32 $0xFFFFCE00  }
0x2d8: {  	v9 =	vld [tilespmem:s0+$0xAF00]  }
0x2d9: {  	v11 =	vld [tilespmem:s0+$0x7D00]  }
0x2da: {  	v15 =	vld [tilespmem:s0+$0xAF80]  }
0x2db: {  	v10 =	vld [tilespmem:s0+$0x7D80];
	_ =	sdelay $0x3  }
0x2dc: {  	s7 =	simm.s32 $0x40;
	s5 =	simm.s32 $0x10  }
0x2dd: {  	s8 =	sand.u32 $0x70, s5;
	s0 =	sand.u32 $0xFFFFFE00, s7;
	v2 =	vsub.f32 v9, v11;
	v3 =	vsub.f32 v15, v10  }
0x2de: {  	s0 =	sor.u32 s8, s0  }
0x2df: {  	v7 =	vld [tilespmem:s0+$0xAF00];
	v4 =	vmul.f32 v2, v2;
	v3 =	vmul.f32 v3, v3  }
0x2e0: {  	v6 =	vld [tilespmem:s0+$0x7D00]  }
0x2e1: {  	v17 =	vld [tilespmem:s0+$0x7D80];
	v3 =	vadd.f32 v3, v4  }
0x2e2: {  	v2 =	vld [tilespmem:s0+$0xAF80]  }
0x2e3: {  	v18 =	vmax.f32 v3, $1.000000000e-30  }
0x2e4: {  	v3 =	vshra.s32 v18, $0x1;
	v12 =	vmul.f32 $5.000000000e-01, v18  }
0x2e5: {  	s9 =	simm.s32 $0x80;
	s0 =	simm.s32 $0x20;
	v13 =	vsub.s32 $0x5F3759DF, v3  }
0x2e6: {  	s4 =	sand.u32 $0xFFFFFE00, s9;
	s11 =	sand.u32 $0x70, s0;
	v3 =	vmul.f32 v13, v12  }
0x2e7: {  	v4 =	vsub.f32 v7, v6;
	s4 =	sor.u32 s11, s4;
	v8 =	vsub.f32 v2, v17  }
0x2e8: {  	v5 =	vld [tilespmem:s4+$0xAF00];
	v14 =	vmul.f32 v13, v3  }
0x2e9: {  	v16 =	vmul.f32 v4, v4;
	v4 =	vld [tilespmem:s4+$0x7D00];
	v19 =	vmul.f32 v8, v8  }
0x2ea: {  	v8 =	vld [tilespmem:s4+$0x7D80];
	v14 =	vsub.f32 $1.500000000e+00, v14  }
0x2eb: {  	v3 =	vld [tilespmem:s4+$0xAF80];
	v16 =	vadd.f32 v19, v16  }
0x2ec: {  	v19 =	vmul.f32 v13, v14  }
0x2ed: {  	s18 =	simm.s32 $0xC0;
	s16 =	simm.s32 $0x0;
	v28 =	vmax.f32 v16, $1.000000000e-30  }
0x2ee: {  	s19 =	sand.u32 $0x3FFFFF00, s16;
	s10 =	simm.s32 $0x1900;
	s4 =	simm.s32 $0x30;
	v20 =	vmul.f32 $5.000000000e-01, v28;
	v13 =	vshra.s32 v28, $0x1;
	v12 =	vmul.f32 v19, v12  }
0x2ef: {  	s12 =	sand.u32 $0xFFFFFE00, s18;
	s6 =	sor.u32 s22, s19;
	v62 =	vld [tilespmem:s10+$0x0];
	s7 =	sand.u32 $0x70, s4;
	v14 =	vsub.f32 v5, v4;
	v21 =	vsub.s32 $0x5F3759DF, v13  }
0x2f0: {  	v23 =	vld [tilespmem:s6+$0x0];
	s12 =	sor.u32 s7, s12;
	v16 =	vsub.f32 v3, v8;
	v22 =	vmul.f32 v21, v20;
	v24 =	vmul.f32 v12, v19  }
0x2f1: {  	v25 =	vmul.f32 v14, v14;
	v14 =	vld [tilespmem:s12+$0xAF80]  }
0x2f2: {  	v26 =	vmul.f32 v16, v16;
	v16 =	vld [tilespmem:s12+$0x7D80];
	v22 =	vmul.f32 v21, v22;
	v24 =	vsub.f32 $1.500000000e+00, v24  }
0x2f3: {  	v13 =	vld [tilespmem:s12+$0x7D00]  }
0x2f4: {  	v12 =	vld [tilespmem:s12+$0xAF00];
	v25 =	vadd.f32 v26, v25;
	v22 =	vsub.f32 $1.500000000e+00, v22;
	v19 =	vmul.f32 v24, v19;
	_ =	sdelay $0x1  }
0x2f5: {  	s20 =	simm.s32 $0x20;
	v26 =	vmax.f32 v25, $1.000000000e-30;
	v24 =	vmul.f32 v21, v22;
	v18 =	vmul.f32 v19, v18  }
0x2f6: {  	s22 =	sand.u32 $0x3FFFFF00, s20;
	v29 =	vmul.f32 $5.000000000e-01, v26;
	v27 =	vsub.f32 v14, v16;
	v19 =	vshra.s32 v26, $0x1  }
0x2f7: {  	s21 =	simm.s32 $0x100;
	s6 =	simm.s32 $0x40;
	s8 =	sor.u32 s8, s22;
	v20 =	vmul.f32 v24, v20;
	v19 =	vsub.s32 $0x5F3759DF, v19;
	v30 =	vadd.f32 v18, v62  }
0x2f8: {  	s13 =	simm.s32 $0x1910;
	s14 =	sand.u32 $0xFFFFFE00, s21;
	vm0 =	vge.f32 v23, v62;
	s12 =	sand.u32 $0x70, s6;
	v25 =	vld [tilespmem:s8+$0x0];
	v18 =	vsub.f32 v12, v13;
	v31 =	vmul.f32 v19, v29  }
0x2f9: {  	s18 =	sor.u32 s12, s14;
	v21 =	vld [tilespmem:s13+$0x0];
	v27 =	vmul.f32 v27, v27;
	v63 =	vmul.f32 v20, v24;
	vm1 =	vlt.f32 v23, v30  }
0x2fa: {  	v22 =	vld [tilespmem:s18+$0x7D00];
	v18 =	vmul.f32 v18, v18;
	v31 =	vmul.f32 v19, v31;
	vm0 =	vmand vm0, vm1  }
0x2fb: {  	v20 =	vld [tilespmem:s18+$0xAF00];
	v23 =	vor.u32 s17, v1;
	v32 =	vsub.f32 $1.500000000e+00, v63  }
0x2fc: {  	v27 =	vadd.f32 v27, v18;
	v31 =	vsub.f32 $1.500000000e+00, v31  }
0x2fd: {  	v32 =	vmul.f32 v32, v24;
	v18 =	vld [tilespmem:s18+$0xAF80]  }
0x2fe: {  	v24 =	vmax.f32 v27, $1.000000000e-30;
	v27 =	vmul.f32 v19, v31;
	v19 =	vld [tilespmem:s18+$0x7D80]  }
0x2ff: {  	s15 =	simm.s32 $0x4;
	s2 =	simm.s32 $0x50;
	s16 =	simm.s32 $0x3;
	[tilespmem:s10+$0x0] =	vst v30;
	vm1 =	vge.f32 v25, v21;
	v31 =	vmul.f32 v32, v28  }
0x300: {  	s14 =	simm.s32 $0x1920;
	s8 =	simm.s32 $0x5;
	s17 =	simm.s32 $0x40;
	v30 =	vsub.f32 v20, v22;
	v32 =	vshra.s32 v24, $0x1;
	v28 =	vmul.f32 $5.000000000e-01, v24;
	[tilespmem:v23+s25+$0x0] =	vst.idx.msk vm0, v62  }
.LBB2_16:
0x301: {  	s18 =	sshll.u32 s8, $0x6;
	p1 =	sne.s32 s8, $0xC7;
	v32 =	vsub.s32 $0x5F3759DF, v32;
	s19 =	sand.u32 $0x3FFFFF00, s17;
	v29 =	vmul.f32 v27, v29;
	v33 =	vadd.f32 v31, v21  }
0x302: {  	[tilespmem:v23+s26+$0x0] =	vst.idx.msk vm0, v11;
	v11 =	vmovc v6;
	v6 =	vmovc v4;
	v4 =	vmov v13;
	v13 =	vmov v22;
	v31 =	vmov v26;
	s17 =	smov.u32 s16;
	s16 =	smov.u32 s15;
	s15 =	smov.u32 s8  }
0x303: {  	s20 =	sand.u32 $0x70, s2;
	s18 =	sand.u32 $0xFFFFFE00, s18;
	v26 =	vsub.f32 v18, v19;
	v34 =	vmul.f32 v32, v28;
	s11 =	sor.u32 s11, s19;
	v35 =	vld [tilespmem:s14+$0x0];
	[tilespmem:v23+s28+$0x0] =	vst.idx.msk vm0, v10;
	v10 =	vmov v17  }
0x304: {  	s18 =	sor.u32 s20, s18;
	v37 =	vmul.f32 v29, v27;
	vm2 =	vlt.f32 v25, v33;
	v25 =	vld [tilespmem:s11+$0x0];
	[tilespmem:v23+s29+$0x0] =	vst.idx.msk vm0, v9;
	v9 =	vmov v7;
	s11 =	smov.u32 s7;
	s7 =	smov.u32 s12  }
0x305: {  	v29 =	vmul.f32 v30, v30;
	v7 =	vmovc v5;
	s12 =	smov.u32 s20;
	v36 =	vld [tilespmem:s18+$0xAF00];
	[tilespmem:v23+s30+$0x0] =	vst.idx.msk vm0, v15;
	v23 =	vor.u32 s5, v1;
	vm0 =	vmand vm1, vm2;
	s5 =	smov.u32 s0;
	s0 =	smov.u32 s4  }
0x306: {  	v5 =	vmovc v12;
	v12 =	vmovc v20;
	v38 =	vmul.f32 v26, v26;
	v30 =	vmul.f32 v32, v34;
	s4 =	smov.u32 s6;
	s6 =	smov.u32 s2;
	v22 =	vld [tilespmem:s18+$0x7D00];
	v34 =	vsub.f32 $1.500000000e+00, v37  }
.Ltmp7:
0x307: {  	v17 =	vmovc v8;
	v15 =	vmovc v2;
	v2 =	vmov v3;
	v3 =	vmov v14;
	v14 =	vmov v18;
	v18 =	vld [tilespmem:s18+$0xAF80];
	(pc) =	sbr.rel @p1 .LBB2_16-.Ltmp7, $4  }
0x308: {  	v8 =	vmovc v16;
	v16 =	vmovc v19;
	v37 =	vadd.f32 v38, v29;
	v30 =	vsub.f32 $1.500000000e+00, v30;
	v34 =	vmul.f32 v34, v27;
	v19 =	vld [tilespmem:s18+$0x7D80]  }
0x309: {  	v26 =	vmov v24;
	v29 =	vmov v28;
	vm1 =	vge.f32 v25, v35  }
0x30a: {  	v24 =	vmax.f32 v37, $1.000000000e-30;
	v27 =	vmul.f32 v32, v30;
	v31 =	vmul.f32 v34, v31;
	[tilespmem:s13+$0x0] =	vst v33;
	v20 =	vmovc v36;
	s13 =	smov.u32 s14;
	s14 =	sadd.s32 $0x10, s14  }
0x30b: {  	s8 =	sadd.s32 $0x1, s8;
	s17 =	sshll.u32 s17, $0x5;
	s2 =	sadd.s32 $0x10, s2;
	v32 =	vshra.s32 v24, $0x1;
	v28 =	vmul.f32 $5.000000000e-01, v24;
	v30 =	vsub.f32 v20, v22;
	[tilespmem:v23+s25+$0x0] =	vst.idx.msk vm0, v21;
	v21 =	vmovc v35  }
0x30c: {  	_ = 	snop  }
0x30d: {  	v33 =	vsub.f32 v18, v19;
	_ =	sdelay $0x1  }
0x30e: {  	v32 =	vsub.s32 $0x5F3759DF, v32;
	v30 =	vmul.f32 v30, v30;
	v33 =	vmul.f32 v33, v33  }
0x30f: {  	v34 =	vmul.f32 v32, v28  }
0x310: {  	v29 =	vmul.f32 v27, v29;
	v30 =	vadd.f32 v33, v30  }
0x311: {  	v61 =	vmul.f32 v32, v34  }
0x312: {  	v29 =	vmul.f32 v29, v27;
	v30 =	vmax.f32 v30, $1.000000000e-30  }
0x313: {  	v33 =	vsub.f32 $1.500000000e+00, v61;
	v62 =	vshra.s32 v30, $0x1;
	v35 =	vmul.f32 $5.000000000e-01, v30  }
0x314: {  	v29 =	vsub.f32 $1.500000000e+00, v29;
	v34 =	vsub.s32 $0x5F3759DF, v62  }
0x315: {  	s2 =	sand.u32 $0x3FFFFF00, s17;
	v31 =	vadd.f32 v31, v21;
	v32 =	vmul.f32 v32, v33;
	v63 =	vmul.f32 v34, v35  }
0x316: {  	s2 =	sor.u32 s11, s2;
	v27 =	vmul.f32 v29, v27;
	v29 =	vld [tilespmem:s14+$0x0]  }
0x317: {  	vm2 =	vlt.f32 v25, v31;
	v25 =	vld [tilespmem:s2+$0x0];
	v28 =	vmul.f32 v32, v28;
	v33 =	vmul.f32 v34, v63  }
0x318: {  	[tilespmem:v23+s26+$0x0] =	vst.idx.msk vm0, v11;
	v11 =	vor.u32 s5, v1;
	vm1 =	vmand vm1, vm2  }
0x319: {  	v26 =	vmul.f32 v27, v26;
	v27 =	vmul.f32 v28, v32;
	v28 =	vsub.f32 $1.500000000e+00, v33  }
0x31a: {  	[tilespmem:v23+s28+$0x0] =	vst.idx.msk vm0, v10  }
0x31b: {  	s10 =	sadd.s32 $0x10, s14;
	s11 =	sshll.u32 s16, $0x5;
	[tilespmem:v23+s29+$0x0] =	vst.idx.msk vm0, v9;
	v9 =	vadd.f32 v26, v29;
	v10 =	vsub.f32 $1.500000000e+00, v27;
	v26 =	vmul.f32 v34, v28  }
0x31c: {  	s5 =	sand.u32 $0x3FFFFF00, s11;
	[tilespmem:v23+s30+$0x0] =	vst.idx.msk vm0, v15;
	v15 =	vld [tilespmem:s10+$0x0];
	vm0 =	vge.f32 v25, v29  }
0x31d: {  	[tilespmem:s13+$0x0] =	vst v31;
	s5 =	sor.u32 s7, s5;
	vm2 =	vlt.f32 v25, v9;
	v10 =	vmul.f32 v10, v32;
	v23 =	vmul.f32 v26, v35  }
0x31e: {  	[tilespmem:v11+s25+$0x0] =	vst.idx.msk vm1, v21;
	v21 =	vld [tilespmem:s5+$0x0];
	vm0 =	vmand vm0, vm2  }
0x31f: {  	[tilespmem:v11+s26+$0x0] =	vst.idx.msk vm1, v6;
	v6 =	vor.u32 s0, v1;
	v10 =	vmul.f32 v10, v24;
	v23 =	vmul.f32 v23, v26  }
0x320: {  	[tilespmem:v11+s28+$0x0] =	vst.idx.msk vm1, v17  }
0x321: {  	s15 =	sshll.u32 s15, $0x5;
	s13 =	sadd.s32 $0x10, s10;
	[tilespmem:v11+s29+$0x0] =	vst.idx.msk vm1, v7;
	v7 =	vadd.f32 v10, v15;
	v10 =	vsub.f32 $1.500000000e+00, v23  }
0x322: {  	s5 =	sand.u32 $0x3FFFFF00, s15;
	[tilespmem:v11+s30+$0x0] =	vst.idx.msk vm1, v2;
	v2 =	vld [tilespmem:s13+$0x0]  }
0x323: {  	s5 =	sor.u32 s12, s5;
	[tilespmem:s14+$0x0] =	vst v9;
	vm1 =	vge.f32 v21, v15;
	vm2 =	vlt.f32 v21, v7;
	v9 =	vmul.f32 v10, v26  }
0x324: {  	[tilespmem:v6+s25+$0x0] =	vst.idx.msk vm0, v29;
	vm1 =	vmand vm1, vm2;
	v10 =	vld [tilespmem:s5+$0x0]  }
0x325: {  	[tilespmem:v6+s26+$0x0] =	vst.idx.msk vm0, v4;
	v4 =	vor.u32 s4, v1;
	v9 =	vmul.f32 v9, v30  }
0x326: {  	[tilespmem:v6+s28+$0x0] =	vst.idx.msk vm0, v8  }
0x327: {  	[tilespmem:v6+s29+$0x0] =	vst.idx.msk vm0, v5;
	v5 =	vadd.f32 v9, v2  }
0x328: {  	[tilespmem:s10+$0x0] =	vst v7  }
0x329: {  	[tilespmem:v6+s30+$0x0] =	vst.idx.msk vm0, v3;
	vm0 =	vge.f32 v10, v2;
	vm2 =	vlt.f32 v10, v5  }
0x32a: {  	[tilespmem:v4+s25+$0x0] =	vst.idx.msk vm1, v15;
	vm0 =	vmand vm0, vm2  }
0x32b: {  	v3 =	vor.u32 s6, v1;
	[tilespmem:v4+s26+$0x0] =	vst.idx.msk vm1, v13  }
0x32c: {  	[tilespmem:v4+s28+$0x0] =	vst.idx.msk vm1, v16  }
0x32d: {  	[tilespmem:s13+$0x0] =	vst v5  }
0x32e: {  	[tilespmem:v4+s29+$0x0] =	vst.idx.msk vm1, v12  }
0x32f: {  	[tilespmem:v4+s30+$0x0] =	vst.idx.msk vm1, v14  }
0x330: {  	[tilespmem:v3+s25+$0x0] =	vst.idx.msk vm0, v2  }
0x331: {  	[tilespmem:v3+s26+$0x0] =	vst.idx.msk vm0, v22  }
0x332: {  	[tilespmem:v3+s28+$0x0] =	vst.idx.msk vm0, v19  }
0x333: {  	[tilespmem:v3+s29+$0x0] =	vst.idx.msk vm0, v20  }
0x334: {  	[tilespmem:v3+s30+$0x0] =	vst.idx.msk vm0, v18  }
0x335: {  	s9 =	simm.s32 $0x0;
	s16 =	simm.s32 $0x0;
	_ =	swait.ge [sflag:s31], $0x3200  }
0x336: {  	s17 =	sand.u32 $0x70, s9;
	s0 =	sand.u32 $0xFFFFFE00, s16;
	[sflag:s31] =	ssyncset.done $0x0  }
0x337: {  	s0 =	sor.u32 s17, s0;
	[sflag:s31] =	ssyncadd.s32 $0xFFFFCE00  }
0x338: {  	v23 =	vld [tilespmem:s0+$0xE100]  }
0x339: {  	v10 =	vld [tilespmem:s0+$0xE180]  }
0x33a: {  	v17 =	vld [tilespmem:s0+$0xAF00]  }
0x33b: {  	v19 =	vld [tilespmem:s0+$0xAF80];
	_ =	sdelay $0x2  }
0x33c: {  	s18 =	simm.s32 $0x40;
	s19 =	simm.s32 $0x10  }
0x33d: {  	s2 =	sand.u32 $0x70, s19;
	s0 =	sand.u32 $0xFFFFFE00, s18  }
0x33e: {  	s0 =	sor.u32 s2, s0;
	v2 =	vsub.f32 v23, v17;
	v3 =	vsub.f32 v10, v19  }
0x33f: {  	v7 =	vld [tilespmem:s0+$0xAF00]  }
0x340: {  	v6 =	vld [tilespmem:s0+$0xAF80];
	v4 =	vmul.f32 v2, v2;
	v5 =	vmul.f32 v3, v3  }
0x341: {  	v2 =	vld [tilespmem:s0+$0xE100]  }
0x342: {  	v3 =	vld [tilespmem:s0+$0xE180];
	v4 =	vadd.f32 v5, v4;
	_ =	sdelay $0x1  }
0x343: {  	v12 =	vmax.f32 v4, $1.000000000e-30  }
0x344: {  	v4 =	vshra.s32 v12, $0x1;
	v11 =	vmul.f32 $5.000000000e-01, v12  }
0x345: {  	v5 =	vsub.f32 v2, v7;
	v9 =	vsub.s32 $0x5F3759DF, v4  }
0x346: {  	v8 =	vsub.f32 v3, v6;
	v4 =	vmul.f32 v9, v11  }
0x347: {  	s20 =	simm.s32 $0x80;
	s21 =	simm.s32 $0x20;
	v13 =	vmul.f32 v5, v5  }
0x348: {  	s11 =	sand.u32 $0x70, s21;
	s0 =	sand.u32 $0xFFFFFE00, s20;
	v8 =	vmul.f32 v8, v8;
	v4 =	vmul.f32 v9, v4  }
0x349: {  	s0 =	sor.u32 s11, s0  }
0x34a: {  	v5 =	vld [tilespmem:s0+$0xE100];
	v13 =	vadd.f32 v8, v13;
	v14 =	vsub.f32 $1.500000000e+00, v4  }
0x34b: {  	v8 =	vld [tilespmem:s0+$0xAF00]  }
0x34c: {  	v4 =	vld [tilespmem:s0+$0xE180];
	v15 =	vmax.f32 v13, $1.000000000e-30;
	v14 =	vmul.f32 v9, v14  }
0x34d: {  	v13 =	vshra.s32 v15, $0x1;
	v16 =	vmul.f32 $5.000000000e-01, v15;
	v9 =	vld [tilespmem:s0+$0xAF80]  }
0x34e: {  	v18 =	vsub.s32 $0x5F3759DF, v13;
	v11 =	vmul.f32 v14, v11  }
0x34f: {  	v20 =	vmul.f32 v18, v16  }
0x350: {  	v11 =	vmul.f32 v11, v14  }
0x351: {  	s22 =	simm.s32 $0x1900;
	s10 =	simm.s32 $0x0;
	v13 =	vsub.f32 v5, v8;
	v20 =	vmul.f32 v18, v20  }
0x352: {  	s8 =	simm.s32 $0xC0;
	s6 =	sand.u32 $0x3FFFFF00, s10;
	s0 =	simm.s32 $0x30;
	v21 =	vsub.f32 v4, v9;
	v11 =	vsub.f32 $1.500000000e+00, v11  }
0x353: {  	s8 =	sand.u32 $0xFFFFFE00, s8;
	s4 =	sor.u32 s17, s6;
	v26 =	vld [tilespmem:s22+$0x0];
	s7 =	sand.u32 $0x70, s0;
	v22 =	vmul.f32 v13, v13;
	v20 =	vsub.f32 $1.500000000e+00, v20  }
0x354: {  	v24 =	vld [tilespmem:s4+$0x0];
	s12 =	sor.u32 s7, s8;
	v21 =	vmul.f32 v21, v21;
	v14 =	vmul.f32 v11, v14  }
0x355: {  	v13 =	vld [tilespmem:s12+$0xE100];
	v25 =	vmul.f32 v18, v20  }
0x356: {  	v11 =	vld [tilespmem:s12+$0xE180];
	v21 =	vadd.f32 v21, v22;
	v22 =	vmul.f32 v14, v12  }
0x357: {  	v16 =	vmul.f32 v25, v16;
	v12 =	vld [tilespmem:s12+$0xAF00]  }
0x358: {  	v14 =	vld [tilespmem:s12+$0xAF80];
	v20 =	vadd.f32 v22, v26  }
0x359: {  	vm0 =	vge.f32 v24, v26;
	v18 =	vmax.f32 v21, $1.000000000e-30;
	v16 =	vmul.f32 v16, v25  }
0x35a: {  	v21 =	vshra.s32 v18, $0x1;
	v27 =	vmul.f32 $5.000000000e-01, v18;
	vm1 =	vlt.f32 v24, v20  }
0x35b: {  	v22 =	vsub.s32 $0x5F3759DF, v21;
	vm0 =	vmand vm0, vm1;
	vm1 =	vge.f32 v24, v20  }
0x35c: {  	s13 =	simm.s32 $0x20;
	v16 =	vsub.f32 $1.500000000e+00, v16;
	v20 =	vsub.f32 v13, v12;
	vm0 =	vmor vm1, vm0  }
0x35d: {  	s16 =	simm.s32 $0x1910;
	s4 =	sand.u32 $0x3FFFFF00, s13;
	v21 =	vor.u32 s9, v1;
	v24 =	vmul.f32 v22, v27;
	v28 =	vsub.f32 v11, v14  }
0x35e: {  	s14 =	simm.s32 $0x100;
	s4 =	sor.u32 s2, s4;
	s2 =	simm.s32 $0x40;
	v16 =	vmul.f32 v16, v25;
	v29 =	vmul.f32 v20, v20  }
0x35f: {  	s15 =	sand.u32 $0xFFFFFE00, s14;
	s12 =	sand.u32 $0x70, s2;
	v30 =	vmul.f32 v22, v24;
	v20 =	vld [tilespmem:s16+$0x0];
	v28 =	vmul.f32 v28, v28  }
0x360: {  	s17 =	sor.u32 s12, s15;
	v24 =	vld [tilespmem:s4+$0x0]  }
0x361: {  	s4 =	simm.s32 $0x2580;
	v25 =	vsub.f32 $1.500000000e+00, v30;
	v28 =	vadd.f32 v28, v29;
	v29 =	vmul.f32 v16, v15;
	v15 =	vld [tilespmem:s17+$0xE100]  }
0x362: {  	s20 =	simm.s32 $0x3200;
	v16 =	vld [tilespmem:s17+$0xE180];
	[tilespmem:v21+s4+$0x0] =	vst.idx.msk vm0, v26  }
0x363: {  	s19 =	simm.s32 $0x2;
	s21 =	simm.s32 $0x3E80;
	v25 =	vmul.f32 v22, v25;
	[tilespmem:v21+s20+$0x0] =	vst.idx.msk vm0, v17;
	v17 =	vld [tilespmem:s17+$0xAF00]  }
0x364: {  	s14 =	simm.s32 $0x30;
	s5 =	simm.s32 $0x10;
	s6 =	simm.s32 $0x5;
	v22 =	vmax.f32 v28, $1.000000000e-30;
	v28 =	vadd.f32 v29, v20;
	[tilespmem:v21+s21+$0x0] =	vst.idx.msk vm0, v19;
	v19 =	vld [tilespmem:s17+$0xAF80]  }
0x365: {  	s22 =	simm.s32 $0x4B00;
	s18 =	simm.s32 $0x5780;
	s13 =	simm.s32 $0x40;
	v26 =	vshra.s32 v22, $0x1;
	vm1 =	vge.f32 v24, v20;
	v29 =	vmul.f32 v25, v27  }
0x366: {  	s8 =	simm.s32 $0x3;
	s15 =	simm.s32 $0x4;
	v27 =	vsub.s32 $0x5F3759DF, v26;
	v26 =	vmul.f32 $5.000000000e-01, v22;
	vm2 =	vlt.f32 v24, v28;
	s17 =	simm.s32 $0x20;
	[tilespmem:v21+s22+$0x0] =	vst.idx.msk vm0, v23  }
.LBB2_18:
0x367: {  	p1 =	sne.s32 s6, $0xC7;
	v23 =	vmul.f32 v29, v25;
	vm1 =	vmand vm1, vm2;
	vm2 =	vge.f32 v24, v28;
	[tilespmem:v21+s18+$0x0] =	vst.idx.msk vm0, v10  }
0x368: {  	s9 =	sshll.u32 s19, $0x5;
	s16 =	sadd.s32 $0x10, s16;
	v30 =	vmovc v5;
	v5 =	vmovc v13;
	s19 =	smov.u32 s8;
	v24 =	vsub.f32 v15, v17;
	v28 =	vmul.f32 v27, v26;
	vm0 =	vmor vm2, vm1  }
0x369: {  	s8 =	sshll.u32 s6, $0x6;
	s2 =	sadd.s32 $0x10, s2;
	v21 =	vor.u32 s5, v1;
	v13 =	vmovc v15;
	v10 =	vmovc v3;
	s9 =	sand.u32 $0x3FFFFF00, s9;
	v29 =	vsub.f32 v16, v19;
	v23 =	vsub.f32 $1.500000000e+00, v23  }
0x36a: {  	v3 =	vmovc v4;
	v4 =	vmovc v11;
	v11 =	vmov v16;
	s10 =	sand.u32 $0x70, s2;
	s5 =	sand.u32 $0xFFFFFE00, s8;
	s8 =	sor.u32 s11, s9;
	v31 =	vmul.f32 v24, v24;
	v28 =	vmul.f32 v27, v28;
	v32 =	vld [tilespmem:s16+$0x0]  }
0x36b: {  	v33 =	vmovc v8;
	v8 =	vmovc v12;
	v12 =	vmov v17;
	s9 =	sor.u32 s10, s5;
	s5 =	smov.u32 s17;
	s17 =	smov.u32 s14;
	v29 =	vmul.f32 v29, v29;
	v24 =	vld [tilespmem:s8+$0x0];
	v23 =	vmul.f32 v23, v25  }
0x36c: {  	v34 =	vmovc v6;
	v6 =	vmovc v9;
	v9 =	vmov v14;
	v14 =	vmov v19;
	s14 =	smov.u32 s13;
	s13 =	smov.u32 s2;
	s11 =	smov.u32 s7;
	v15 =	vld [tilespmem:s9+$0xE100];
	v25 =	vsub.f32 $1.500000000e+00, v28  }
.Ltmp8:
0x36d: {  	s7 =	smov.u32 s12;
	v16 =	vld [tilespmem:s9+$0xE180];
	v28 =	vadd.f32 v29, v31;
	v23 =	vmul.f32 v23, v18;
	v18 =	vmov v22;
	(pc) =	sbr.rel @p1 .LBB2_18-.Ltmp8, $4  }
0x36e: {  	s12 =	smov.u32 s10;
	s8 =	smov.u32 s15;
	v17 =	vld [tilespmem:s9+$0xAF00];
	v25 =	vmul.f32 v27, v25;
	[tilespmem:v21+s4+$0x0] =	vst.idx.msk vm0, v20  }
0x36f: {  	s15 =	smov.u32 s6;
	v19 =	vld [tilespmem:s9+$0xAF80];
	v22 =	vmax.f32 v28, $1.000000000e-30;
	v28 =	vadd.f32 v23, v32;
	[tilespmem:v21+s20+$0x0] =	vst.idx.msk vm0, v7;
	v20 =	vmovc v32;
	v7 =	vmov v33  }
0x370: {  	v23 =	vshra.s32 v22, $0x1;
	v29 =	vmul.f32 v25, v26;
	vm1 =	vge.f32 v24, v20;
	[tilespmem:v21+s21+$0x0] =	vst.idx.msk vm0, v34  }
0x371: {  	s6 =	sadd.s32 $0x1, s6;
	v26 =	vmul.f32 $5.000000000e-01, v22;
	v27 =	vsub.s32 $0x5F3759DF, v23;
	vm2 =	vlt.f32 v24, v28;
	[tilespmem:v21+s22+$0x0] =	vst.idx.msk vm0, v2;
	v2 =	vmovc v30  }
0x372: {  	_ =	sdelay $0x1  }
0x373: {  	v23 =	vsub.f32 v15, v17;
	v30 =	vsub.f32 v16, v19;
	_ =	sdelay $0x1  }
0x374: {  	v23 =	vmul.f32 v23, v23;
	v30 =	vmul.f32 v30, v30;
	_ =	sdelay $0x1  }
0x375: {  	v31 =	vmul.f32 v27, v26;
	v23 =	vadd.f32 v30, v23;
	_ =	sdelay $0x1  }
0x376: {  	v30 =	vmul.f32 v27, v31;
	v23 =	vmax.f32 v23, $1.000000000e-30  }
0x377: {  	v31 =	vshra.s32 v23, $0x1;
	v32 =	vmul.f32 $5.000000000e-01, v23  }
0x378: {  	v30 =	vsub.f32 $1.500000000e+00, v30;
	v31 =	vsub.s32 $0x5F3759DF, v31  }
0x379: {  	v29 =	vmul.f32 v29, v25;
	v33 =	vmul.f32 v31, v32  }
0x37a: {  	v27 =	vmul.f32 v27, v30  }
0x37b: {  	s2 =	sshll.u32 s19, $0x5;
	s4 =	sadd.s32 $0x10, s16;
	v29 =	vsub.f32 $1.500000000e+00, v29;
	v30 =	vmul.f32 v31, v33  }
0x37c: {  	s2 =	sand.u32 $0x3FFFFF00, s2;
	v60 =	vld [tilespmem:s4+$0x0];
	v26 =	vmul.f32 v27, v26  }
0x37d: {  	s2 =	sor.u32 s11, s2;
	v25 =	vmul.f32 v29, v25;
	v29 =	vsub.f32 $1.500000000e+00, v30  }
0x37e: {  	vm1 =	vmand vm1, vm2;
	v26 =	vmul.f32 v26, v27;
	v30 =	vld [tilespmem:s2+$0x0]  }
0x37f: {  	vm14 =	vge.f32 v24, v28;
	v18 =	vmul.f32 v25, v18;
	v24 =	vmul.f32 v31, v29  }
0x380: {  	s6 =	sshll.u32 s8, $0x5;
	vm1 =	vmor vm14, vm1;
	s4 =	sadd.s32 $0x10, s4;
	v25 =	vsub.f32 $1.500000000e+00, v26  }
0x381: {  	v28 =	vld [tilespmem:s4+$0x0];
	v18 =	vadd.f32 v18, v60;
	s2 =	sand.u32 $0x3FFFFF00, s6;
	v26 =	vor.u32 s5, v1;
	v29 =	vmul.f32 v24, v32  }
0x382: {  	s2 =	sor.u32 s7, s2;
	v25 =	vmul.f32 v25, v27  }
0x383: {  	v27 =	vld [tilespmem:s2+$0x0];
	vm15 =	vge.f32 v30, v60;
	vm3 =	vlt.f32 v30, v18;
	v29 =	vmul.f32 v29, v24  }
0x384: {  	vm6 =	vge.f32 v30, v18;
	v18 =	vmul.f32 v25, v22;
	vm2 =	vmand vm15, vm3  }
0x385: {  	[tilespmem:v21+s18+$0x0] =	vst.idx.msk vm0, v10;
	s8 =	sshll.u32 s15, $0x5;
	s4 =	sadd.s32 $0x10, s4;
	s2 =	simm.s32 $0x2580;
	vm7 =	vmor vm6, vm2;
	v10 =	vsub.f32 $1.500000000e+00, v29  }
0x386: {  	v21 =	vld [tilespmem:s4+$0x0];
	s6 =	simm.s32 $0x3200;
	s5 =	sand.u32 $0x3FFFFF00, s8;
	[tilespmem:v26+s2+$0x0] =	vst.idx.msk vm1, v20;
	v20 =	vor.u32 s17, v1;
	v18 =	vadd.f32 v18, v28  }
0x387: {  	s9 =	simm.s32 $0x3E80;
	s5 =	sor.u32 s12, s5;
	[tilespmem:v26+s6+$0x0] =	vst.idx.msk vm1, v7;
	v7 =	vmul.f32 v10, v24  }
0x388: {  	s10 =	simm.s32 $0x4B00;
	[tilespmem:v26+s9+$0x0] =	vst.idx.msk vm1, v6;
	vm8 =	vge.f32 v27, v28;
	v6 =	vld [tilespmem:s5+$0x0];
	vm9 =	vlt.f32 v27, v18  }
0x389: {  	s11 =	simm.s32 $0x5780;
	[tilespmem:v26+s10+$0x0] =	vst.idx.msk vm1, v2;
	vm10 =	vge.f32 v27, v18;
	vm2 =	vmand vm8, vm9;
	v2 =	vmul.f32 v7, v23  }
0x38a: {  	[tilespmem:v26+s11+$0x0] =	vst.idx.msk vm1, v3;
	vm11 =	vmor vm10, vm2  }
0x38b: {  	v3 =	vor.u32 s14, v1;
	[tilespmem:v20+s2+$0x0] =	vst.idx.msk vm7, v60;
	v2 =	vadd.f32 v2, v21  }
0x38c: {  	[tilespmem:v20+s6+$0x0] =	vst.idx.msk vm7, v8  }
0x38d: {  	vm12 =	vge.f32 v6, v21;
	[tilespmem:v20+s9+$0x0] =	vst.idx.msk vm7, v9;
	vm13 =	vlt.f32 v6, v2  }
0x38e: {  	s12 =	simm.s32 $0x5780;
	[tilespmem:v20+s10+$0x0] =	vst.idx.msk vm7, v5;
	vm14 =	vge.f32 v6, v2;
	vm2 =	vmand vm12, vm13  }
0x38f: {  	[tilespmem:v20+s12+$0x0] =	vst.idx.msk vm7, v4;
	vm15 =	vmor vm14, vm2  }
0x390: {  	v2 =	vor.u32 s13, v1;
	[tilespmem:v3+s2+$0x0] =	vst.idx.msk vm11, v28  }
0x391: {  	[tilespmem:v3+s6+$0x0] =	vst.idx.msk vm11, v12  }
0x392: {  	[tilespmem:v3+s9+$0x0] =	vst.idx.msk vm11, v14  }
0x393: {  	s14 =	simm.s32 $0x5780;
	[tilespmem:v3+s10+$0x0] =	vst.idx.msk vm11, v13  }
0x394: {  	[tilespmem:v3+s14+$0x0] =	vst.idx.msk vm11, v11  }
0x395: {  	[tilespmem:v2+s2+$0x0] =	vst.idx.msk vm15, v21  }
0x396: {  	[tilespmem:v2+s6+$0x0] =	vst.idx.msk vm15, v17  }
0x397: {  	[tilespmem:v2+s9+$0x0] =	vst.idx.msk vm15, v19  }
0x398: {  	s15 =	simm.s32 $0x5780;
	[tilespmem:v2+s10+$0x0] =	vst.idx.msk vm15, v15  }
0x399: {  	[tilespmem:v2+s15+$0x0] =	vst.idx.msk vm15, v16  }
0x39a: {  	v18 =	vld [tilespmem:s6+$0x0]  }
0x39b: {  	v2 =	vld [tilespmem:s10+$0x0]  }
0x39c: {  	v16 =	vld [tilespmem:s9+$0x0]  }
0x39d: {  	v3 =	vld [tilespmem:s15+$0x0];
	_ =	sdelay $0x4  }
0x39e: {  	s18 =	simm.s32 $0x3E90;
	v15 =	vsub.f32 v2, v18;
	v17 =	vsub.f32 v3, v16  }
0x39f: {  	s16 =	simm.s32 $0x3210;
	v7 =	vld [tilespmem:s18+$0x0]  }
0x3a0: {  	s17 =	simm.s32 $0x4B10;
	v2 =	vld [tilespmem:s16+$0x0];
	v4 =	vmul.f32 v15, v15;
	v5 =	vmul.f32 v17, v17  }
0x3a1: {  	s19 =	simm.s32 $0x5790;
	v3 =	vld [tilespmem:s17+$0x0]  }
0x3a2: {  	v4 =	vadd.f32 v5, v4;
	v5 =	vld [tilespmem:s19+$0x0];
	_ =	sdelay $0x1  }
0x3a3: {  	v4 =	vmax.f32 v4, $1.000000000e-30  }
0x3a4: {  	v6 =	vshra.s32 v4, $0x1;
	v10 =	vmul.f32 $5.000000000e-01, v4  }
0x3a5: {  	v22 =	vsub.f32 v3, v2;
	v6 =	vsub.s32 $0x5F3759DF, v6  }
0x3a6: {  	s21 =	simm.s32 $0x4B20;
	v20 =	vsub.f32 v5, v7;
	v3 =	vmul.f32 v6, v10  }
0x3a7: {  	s5 =	simm.s32 $0x57A0;
	v11 =	vld [tilespmem:s21+$0x0];
	v5 =	vmul.f32 v22, v22  }
0x3a8: {  	s22 =	simm.s32 $0x3EA0;
	v12 =	vld [tilespmem:s5+$0x0];
	v8 =	vmul.f32 v20, v20;
	v9 =	vmul.f32 v6, v3  }
0x3a9: {  	s20 =	simm.s32 $0x3220;
	v3 =	vld [tilespmem:s22+$0x0]  }
0x3aa: {  	v4 =	vld [tilespmem:s20+$0x0];
	v5 =	vadd.f32 v8, v5;
	v8 =	vsub.f32 $1.500000000e+00, v9;
	_ =	sdelay $0x1  }
0x3ab: {  	v5 =	vmax.f32 v5, $1.000000000e-30;
	v13 =	vmul.f32 v6, v8  }
0x3ac: {  	v6 =	vshra.s32 v5, $0x1;
	v19 =	vmul.f32 $5.000000000e-01, v5  }
0x3ad: {  	v8 =	vsub.f32 v12, v3;
	v14 =	vsub.s32 $0x5F3759DF, v6;
	v5 =	vmul.f32 v13, v10  }
0x3ae: {  	s7 =	simm.s32 $0x4B30;
	v9 =	vsub.f32 v11, v4;
	v21 =	vmul.f32 v14, v19  }
0x3af: {  	s6 =	simm.s32 $0x3230;
	v12 =	vld [tilespmem:s7+$0x0];
	v23 =	vmul.f32 v8, v8;
	v5 =	vmul.f32 v5, v13  }
0x3b0: {  	s8 =	simm.s32 $0x3EB0;
	v6 =	vld [tilespmem:s6+$0x0];
	v11 =	vmul.f32 v14, v21;
	v21 =	vmul.f32 v9, v9  }
0x3b1: {  	s9 =	simm.s32 $0x57B0;
	s10 =	simm.s32 $0x0;
	v24 =	vsub.f32 $1.500000000e+00, v5;
	v5 =	vld [tilespmem:s8+$0x0]  }
0x3b2: {  	s11 =	sand.u32 $0x7C00, s10;
	v11 =	vsub.f32 $1.500000000e+00, v11;
	v21 =	vadd.f32 v23, v21;
	v23 =	vld [tilespmem:s9+$0x0]  }
0x3b3: {  	s5 =	sand.u32 $0x70, s10;
	s4 =	sshrl.u32 s11, $0x2;
	v24 =	vmul.f32 v24, v13  }
0x3b4: {  	s4 =	sor.u32 s5, s4;
	v14 =	vmul.f32 v14, v11;
	v11 =	vmax.f32 v21, $1.000000000e-30;
	v21 =	vld [tilespmem:s2+$0x0]  }
0x3b5: {  	s13 =	simm.s32 $0x4B40;
	v10 =	vmul.f32 v24, v10;
	v25 =	vshra.s32 v11, $0x1;
	v26 =	vmul.f32 $5.000000000e-01, v11;
	v11 =	vld [tilespmem:s4+$0x0]  }
0x3b6: {  	s12 =	simm.s32 $0x3240;
	v29 =	vld [tilespmem:s13+$0x0];
	v13 =	vsub.f32 v12, v6;
	v27 =	vmul.f32 v14, v19;
	v25 =	vsub.s32 $0x5F3759DF, v25  }
0x3b7: {  	v28 =	vmul.f32 v10, v24;
	v10 =	vld [tilespmem:s12+$0x0];
	v12 =	vsub.f32 v23, v5;
	v23 =	vmul.f32 v25, v26  }
0x3b8: {  	v30 =	vmul.f32 v13, v13;
	v27 =	vmul.f32 v27, v14  }
0x3b9: {  	v28 =	vsub.f32 $1.500000000e+00, v28;
	v31 =	vmul.f32 v12, v12;
	v23 =	vmul.f32 v25, v23  }
0x3ba: {  	s14 =	simm.s32 $0x3EC0;
	v27 =	vsub.f32 $1.500000000e+00, v27;
	v21 =	vsub.f32 v11, v21  }
0x3bb: {  	s15 =	simm.s32 $0x57C0;
	s16 =	simm.s32 $0x80;
	v11 =	vld [tilespmem:s14+$0x0];
	v24 =	vmul.f32 v28, v24;
	v28 =	vadd.f32 v31, v30;
	v23 =	vsub.f32 $1.500000000e+00, v23  }
0x3bc: {  	s18 =	simm.s32 $0x10;
	s17 =	sand.u32 $0x7C00, s16;
	v30 =	vld [tilespmem:s15+$0x0];
	v27 =	vmul.f32 v27, v14;
	v14 =	vsub.f32 v29, v10  }
0x3bd: {  	s19 =	simm.s32 $0x2590;
	s2 =	sshrl.u32 s17, $0x2;
	s4 =	sand.u32 $0x70, s18;
	v21 =	vmul.f32 v24, v21;
	v24 =	vmax.f32 v28, $1.000000000e-30;
	v23 =	vmul.f32 v25, v23  }
0x3be: {  	s2 =	sor.u32 s4, s2;
	v25 =	vld [tilespmem:s19+$0x0];
	v28 =	vmul.f32 v27, v19;
	v19 =	vmul.f32 $5.000000000e-01, v24  }
0x3bf: {  	v29 =	vshra.s32 v24, $0x1;
	v24 =	vld [tilespmem:s2+$0x0];
	v34 =	vmul.f32 v14, v14;
	v31 =	vmul.f32 v21, v15  }
0x3c0: {  	s13 =	simm.s32 $0x4B50;
	v29 =	vsub.s32 $0x5F3759DF, v29;
	v61 =	vmul.f32 v23, v26;
	v28 =	vmul.f32 v28, v27  }
0x3c1: {  	v33 =	vld [tilespmem:s13+$0x0];
	s11 =	simm.s32 $0x3250;
	v21 =	vmul.f32 v21, v17;
	v15 =	vsub.f32 v30, v11;
	v30 =	vmul.f32 v29, v19  }
0x3c2: {  	v17 =	vld [tilespmem:s11+$0x0];
	v32 =	vmul.f32 v61, v23;
	v31 =	vadd.f32 v31, v18;
	v28 =	vsub.f32 $1.500000000e+00, v28  }
0x3c3: {  	v63 =	vadd.f32 v21, v16;
	v18 =	vmul.f32 v15, v15;
	v30 =	vmul.f32 v29, v30  }
0x3c4: {  	s2 =	simm.s32 $0x3ED0;
	v24 =	vsub.f32 v24, v25;
	v25 =	vsub.f32 $1.500000000e+00, v32;
	v27 =	vmul.f32 v28, v27  }
0x3c5: {  	s7 =	simm.s32 $0x100;
	s15 =	simm.s32 $0x57D0;
	v16 =	vld [tilespmem:s2+$0x0];
	v62 =	vadd.f32 v18, v34;
	v30 =	vsub.f32 $1.500000000e+00, v30  }
0x3c6: {  	s21 =	simm.s32 $0x20;
	s5 =	simm.s32 $0x6400;
	s20 =	sand.u32 $0x7C00, s7;
	v28 =	vld [tilespmem:s15+$0x0];
	v21 =	vmul.f32 v25, v23;
	v35 =	vmul.f32 v27, v24  }
0x3c7: {  	s6 =	sand.u32 $0x70, s21;
	s22 =	sshrl.u32 s20, $0x2;
	s14 =	simm.s32 $0x25A0;
	v18 =	vsub.f32 v33, v17;
	v32 =	vmax.f32 v62, $1.000000000e-30;
	v23 =	vmul.f32 v29, v30  }
0x3c8: {  	s8 =	simm.s32 $0x60;
	s9 =	sor.u32 s6, s22;
	s4 =	simm.s32 $0x7080;
	[tilespmem:s5+$0x0] =	vst v31;
	v24 =	vld [tilespmem:s14+$0x0];
	v27 =	vshra.s32 v32, $0x1;
	v29 =	vmul.f32 v21, v26;
	v25 =	vmul.f32 v35, v22  }
0x3c9: {  	s6 =	simm.s32 $0x50;
	s22 =	simm.s32 $0xAF00;
	s12 =	simm.s32 $0x40;
	[tilespmem:s4+$0x0] =	vst v63;
	v26 =	vld [tilespmem:s9+$0x0];
	v27 =	vsub.s32 $0x5F3759DF, v27;
	v22 =	vmul.f32 $5.000000000e-01, v32;
	v20 =	vmul.f32 v35, v20  }
.LBB2_20:
0x3ca: {  	p1 =	sne.s32 s8, $0xC70;
	s11 =	sadd.s32 $0x10, s11;
	v30 =	vmul.f32 v23, v19;
	v29 =	vmul.f32 v29, v21;
	v25 =	vadd.f32 v25, v2;
	v2 =	vmovc v4  }
0x3cb: {  	s13 =	sadd.s32 $0x10, s13;
	s5 =	sadd.s32 $0x10, s5;
	v4 =	vmovc v6;
	v31 =	vld [tilespmem:s11+$0x0];
	v28 =	vsub.f32 v28, v16;
	v32 =	vmul.f32 v27, v22;
	v35 =	vadd.f32 v20, v7  }
0x3cc: {  	v33 =	vmul.f32 v18, v18;
	s4 =	sadd.s32 $0x10, s4;
	v6 =	vmovc v10;
	v20 =	vld [tilespmem:s13+$0x0];
	v30 =	vmul.f32 v30, v23;
	v29 =	vsub.f32 $1.500000000e+00, v29;
	[tilespmem:s5+$0x0] =	vst v25  }
0x3cd: {  	v10 =	vmovc v17;
	v34 =	vmov v15;
	v25 =	vmul.f32 v28, v28;
	v32 =	vmul.f32 v27, v32;
	[tilespmem:s4+$0x0] =	vst v35  }
0x3ce: {  	s2 =	sadd.s32 $0x10, s2;
	v7 =	vmovc v3;
	v15 =	vmovc v28;
	v35 =	vsub.f32 $1.500000000e+00, v30;
	v29 =	vmul.f32 v29, v21;
	v24 =	vsub.f32 v26, v24  }
.Ltmp9:
0x3cf: {  	s15 =	sadd.s32 $0x10, s15;
	s7 =	sadd.s32 $0x80, s7;
	v3 =	vmovc v5;
	v5 =	vmovc v11;
	v11 =	vmov v16;
	v33 =	vadd.f32 v25, v33;
	v26 =	vsub.f32 $1.500000000e+00, v32;
	v16 =	vld [tilespmem:s2+$0x0];
	(pc) =	sbr.rel @p1 .LBB2_20-.Ltmp9, $4  }
0x3d0: {  	s9 =	sand.u32 $0x7C00, s7;
	v28 =	vld [tilespmem:s15+$0x0];
	v21 =	vmul.f32 v35, v23;
	v30 =	vmul.f32 v29, v24;
	v17 =	vmovc v31;
	v31 =	vmovc v14;
	v14 =	vmov v18  }
0x3d1: {  	s0 =	sand.u32 $0x70, s0;
	s14 =	sadd.s32 $0x10, s14;
	s9 =	sshrl.u32 s9, $0x2;
	v18 =	vsub.f32 v20, v17;
	v20 =	vmax.f32 v33, $1.000000000e-30;
	v23 =	vmul.f32 v27, v26;
	v25 =	vmovc v19;
	v19 =	vmovc v22  }
0x3d2: {  	s9 =	sor.u32 s0, s9;
	s0 =	smov.u32 s12;
	s12 =	smov.u32 s6;
	v22 =	vshra.s32 v20, $0x1;
	v24 =	vld [tilespmem:s14+$0x0];
	v29 =	vmul.f32 v21, v25;
	v25 =	vmul.f32 v30, v9;
	v9 =	vmovc v13;
	v13 =	vmovc v31  }
0x3d3: {  	s6 =	smov.u32 s8;
	s8 =	sadd.s32 $0x10, s8;
	v27 =	vsub.s32 $0x5F3759DF, v22;
	v22 =	vmul.f32 $5.000000000e-01, v20;
	v26 =	vld [tilespmem:s9+$0x0];
	v20 =	vmul.f32 v30, v8;
	v8 =	vmovc v12;
	v12 =	vmovc v34  }
0x3d4: {  	_ = 	snop  }
0x3d5: {  	v28 =	vsub.f32 v28, v16;
	_ =	sdelay $0x1  }
0x3d6: {  	v30 =	vmul.f32 v18, v18;
	v31 =	vmul.f32 v28, v28;
	_ =	sdelay $0x1  }
0x3d7: {  	v30 =	vadd.f32 v31, v30;
	_ =	sdelay $0x1  }
0x3d8: {  	v30 =	vmax.f32 v30, $1.000000000e-30  }
0x3d9: {  	v57 =	vmul.f32 v27, v22;
	v32 =	vshra.s32 v30, $0x1;
	v30 =	vmul.f32 $5.000000000e-01, v30  }
0x3da: {  	v32 =	vsub.s32 $0x5F3759DF, v32  }
0x3db: {  	v31 =	vmul.f32 v27, v57;
	v33 =	vmul.f32 v32, v30;
	_ =	sdelay $0x1  }
0x3dc: {  	v31 =	vsub.f32 $1.500000000e+00, v31;
	v33 =	vmul.f32 v32, v33  }
0x3dd: {  	v34 =	vmul.f32 v23, v19  }
0x3de: {  	v58 =	vmul.f32 v27, v31;
	v59 =	vsub.f32 $1.500000000e+00, v33  }
0x3df: {  	v60 =	vmul.f32 v34, v23  }
0x3e0: {  	v61 =	vmul.f32 v58, v22;
	v31 =	vmul.f32 v32, v59  }
0x3e1: {  	v62 =	vsub.f32 $1.500000000e+00, v60  }
0x3e2: {  	s2 =	sadd.s32 $0x80, s7;
	v63 =	vmul.f32 v61, v58;
	v36 =	vmul.f32 v31, v30  }
0x3e3: {  	s7 =	sand.u32 $0x7C00, s2;
	v37 =	vmul.f32 v62, v23  }
0x3e4: {  	s0 =	sand.u32 $0x70, s0;
	s8 =	sadd.s32 $0x10, s14;
	s7 =	sshrl.u32 s7, $0x2;
	v38 =	vsub.f32 $1.500000000e+00, v63;
	v39 =	vmul.f32 v36, v31  }
0x3e5: {  	v29 =	vmul.f32 v29, v21;
	v40 =	vld [tilespmem:s8+$0x0];
	s2 =	sadd.s32 $0x80, s2;
	s0 =	sor.u32 s0, s7;
	v41 =	vmul.f32 v37, v19  }
0x3e6: {  	s14 =	sand.u32 $0x70, s12;
	s13 =	sand.u32 $0x7C00, s2;
	v42 =	vld [tilespmem:s0+$0x0];
	v27 =	vmul.f32 v38, v58;
	v33 =	vsub.f32 $1.500000000e+00, v39  }
0x3e7: {  	s8 =	sadd.s32 $0x10, s8;
	v29 =	vsub.f32 $1.500000000e+00, v29;
	s2 =	sadd.s32 $0x80, s2;
	s0 =	sshrl.u32 s13, $0x2;
	v19 =	vmul.f32 v41, v37  }
0x3e8: {  	v43 =	vld [tilespmem:s8+$0x0];
	s2 =	sand.u32 $0x7C00, s2;
	s0 =	sor.u32 s14, s0;
	v44 =	vmul.f32 v27, v22;
	v31 =	vmul.f32 v33, v31  }
0x3e9: {  	s15 =	sand.u32 $0x70, s6;
	s16 =	sadd.s32 $0x10, s8;
	v45 =	vmul.f32 v29, v21;
	v24 =	vsub.f32 v26, v24;
	s2 =	sshrl.u32 s2, $0x2;
	v46 =	vld [tilespmem:s0+$0x0];
	v19 =	vsub.f32 $1.500000000e+00, v19  }
0x3ea: {  	v47 =	vld [tilespmem:s16+$0x0];
	s0 =	sor.u32 s15, s2;
	v22 =	vmul.f32 v44, v27;
	v30 =	vmul.f32 v31, v30  }
0x3eb: {  	v21 =	vmul.f32 v45, v24;
	v49 =	vld [tilespmem:s0+$0x0];
	v48 =	vsub.f32 v42, v40;
	v19 =	vmul.f32 v19, v37  }
0x3ec: {  	v2 =	vadd.f32 v25, v2;
	v22 =	vsub.f32 $1.500000000e+00, v22;
	v50 =	vmul.f32 v30, v31  }
0x3ed: {  	v7 =	vadd.f32 v20, v7;
	v9 =	vmul.f32 v21, v9;
	v19 =	vmul.f32 v19, v48  }
0x3ee: {  	v52 =	vsub.f32 v46, v43;
	v51 =	vmul.f32 v22, v27;
	v53 =	vsub.f32 $1.500000000e+00, v50  }
0x3ef: {  	s17 =	sadd.s32 $0x10, s5;
	v8 =	vmul.f32 v21, v8;
	v4 =	vadd.f32 v9, v4;
	v54 =	vmul.f32 v19, v13  }
0x3f0: {  	s18 =	sadd.s32 $0x10, s4;
	[tilespmem:s17+$0x0] =	vst v2;
	v56 =	vsub.f32 v49, v47;
	v2 =	vmul.f32 v51, v52;
	v55 =	vmul.f32 v53, v31  }
0x3f1: {  	[tilespmem:s18+$0x0] =	vst v7;
	s0 =	sadd.s32 $0x10, s17;
	v3 =	vadd.f32 v8, v3;
	v57 =	vmul.f32 v19, v12  }
0x3f2: {  	s2 =	sadd.s32 $0x10, s18;
	[tilespmem:s0+$0x0] =	vst v4;
	v58 =	vadd.f32 v54, v6;
	v59 =	vmul.f32 v2, v14;
	v60 =	vmul.f32 v55, v56  }
0x3f3: {  	s0 =	sadd.s32 $0x10, s0;
	[tilespmem:s2+$0x0] =	vst v3;
	v3 =	vadd.f32 v57, v5;
	v2 =	vmul.f32 v2, v15  }
0x3f4: {  	s2 =	sadd.s32 $0x10, s2;
	[tilespmem:s0+$0x0] =	vst v58;
	v61 =	vadd.f32 v59, v10;
	v62 =	vmul.f32 v60, v18  }
0x3f5: {  	s0 =	sadd.s32 $0x10, s0;
	[tilespmem:s2+$0x0] =	vst v3;
	v2 =	vadd.f32 v2, v11;
	v3 =	vmul.f32 v60, v28  }
0x3f6: {  	s2 =	sadd.s32 $0x10, s2;
	[tilespmem:s0+$0x0] =	vst v61;
	v63 =	vadd.f32 v62, v17  }
0x3f7: {  	s0 =	sadd.s32 $0x10, s0;
	[tilespmem:s2+$0x0] =	vst v2;
	v2 =	vadd.f32 v3, v16  }
0x3f8: {  	s19 =	sadd.s32 $0x10, s2;
	[tilespmem:s0+$0x0] =	vst v63  }
0x3f9: {  	[tilespmem:s19+$0x0] =	vst v2  }
0x3fa: {  	s2 =	simm.s32 @p0 $0x6400;
	s0 =	simm.s32 @p0 $0x0;
	s4 =	rddreg [dreg:$0x11]  }
0x3fb: {  	[hbm4b:s4+s0] =	stream.linear.scatter @p0 [tilespmem:s2], [sflag:$0x4], $0xC20, $0x38;
	[tilespmem:$0x11300] =	vst v63  }
0x3fc: {  	s2 =	simm.s32 @p0 $0x4  }
0x3fd: {  	_ =	swait.ge @p0 [sflag:s2], $0xC20  }
0x3fe: {  	[sflag:s2] =	ssyncset.done @p0 $0x0  }
0x3ff: {  	s4 =	simm.s32 @p0 $0x7080;
	s5 =	rddreg [dreg:$0x12];
	[sflag:s2] =	ssyncadd.s32 @p0 $0xFFFFF3E0  }
0x400: {  	[hbm4b:s5+s0] =	stream.linear.scatter @p0 [tilespmem:s4], [sflag:$0x4], $0xC20, $0x38;
	[tilespmem:$0x11300] =	vst v63  }
0x401: {  	_ =	swait.ge @p0 [sflag:s2], $0xC20  }
0x402: {  	s0 =	simm.s32 @!p0 $0x0;
	[sflag:s2] =	ssyncset.done @p0 $0x0  }
0x403: {  	s4 =	rddreg [dreg:$0xf];
	[sflag:s2] =	ssyncadd.s32 @p0 $0xFFFFF3E0;
	s2 =	simm.s32 @!p0 $0x6400  }
0x404: {  	[hbm4b:s4+s0] =	stream.linear.scatter @!p0 [tilespmem:s2], [sflag:$0x4], $0xC80, $0x38;
	[tilespmem:$0x11300] =	vst v63  }
0x405: {  	s2 =	simm.s32 @!p0 $0x4  }
0x406: {  	_ =	swait.ge @!p0 [sflag:s2], $0xC80  }
0x407: {  	[sflag:s2] =	ssyncset.done @!p0 $0x0  }
0x408: {  	s4 =	simm.s32 @!p0 $0x7080;
	s5 =	rddreg [dreg:$0x10];
	[sflag:s2] =	ssyncadd.s32 @!p0 $0xFFFFF380  }
0x409: {  	[hbm4b:s5+s0] =	stream.linear.scatter @!p0 [tilespmem:s4], [sflag:$0x4], $0xC80, $0x38;
	[tilespmem:$0x11300] =	vst v63  }
0x40a: {  	_ =	swait.ge @!p0 [sflag:s2], $0xC80  }
0x40b: {  	s20 =	rddreg [dreg:$0x14]  }
0x40c: {  	s21 =	rddreg [dreg:$0x13];
	s4 =	sadd.s32 $0x1, s20  }
0x40d: {  	p1 =	sne.s32 s4, s21  }
.Ltmp10:
0x40e: {  	_ = 	snop;
	(pc) =	sbr.rel @p1 .LBB2_1-.Ltmp10, $4  }
0x40f: {  	_ = 	snop  }
0x410: {  	s9 =	rddreg [dreg:$0x9]  }
0x411: {  	[sflag:s2] =	ssyncset.done @!p0 $0x0;
	s10 =	rddreg [dreg:$0xa]  }
0x412: {  	[sflag:s2] =	ssyncadd.s32 @!p0 $0xFFFFF380;
	s20 =	rddreg [dreg:$0xb];
	s21 =	simm.s32 $0x7D00  }
0x413: {  	_ =	sfence.sel $0x180000  }
0x414: {  	[bflag:$0x0] =	sbarrier.arrive $0xFFFF  }
0x415: {  	_ =	strace $0x90000047  }
0x416: {  	s0 =	stileid.u32;
	[bflag:$0x2] =	sbarrier.arrive $0xFFFF  }
0x417: {  	p0 =	sne.s32 s0, $0x0;
	s0 =	rddreg [dreg:$0x4]  }
0x418: {  	s0 =	sadd.s32 @!p0 $0x100000, s0  }
0x419: {  	[sflag:s0] =	ssyncadd.tile.s32 @!p0 $0x1;
	_ =	shalt  }
.Lfunc_end2:
_tile_overlayer_lowered:
.L_overlay_start_2:
0x41a: {  	(tag) =	ssettag $0x2  }
0x41b: {  	s0 =	rddreg [dreg:$0x0];
	s2 =	stileid.u32  }
0x41c: {  	s1 =	rddreg [dreg:$0x1];
	p0 =	sne.s32 s2, $0x0  }
0x41d: {  	s3 =	rddreg [dreg:$0x2];
	[bflag:$0x3] =	sbarrier.arrive $0xFFFF;
	s2 =	simm.s32 @!p0 $0x1C04  }
0x41e: {  	[timem:s3], [sflag:s2] =	dma.local @!p0 [hbm:s0], s1  }
0x41f: {  	s0 =	simm.s32 @!p0 $0x4  }
0x420: {  	_ =	swait.ge @!p0 [sflag:s0], s1  }
0x421: {  	s1 =	ssub.s32 @!p0 $0x0, s1;
	[sflag:s0] =	ssyncset.done @!p0 $0x0  }
0x422: {  	[sflag:s0] =	ssyncadd.s32 @!p0 s1  }
0x423: {  	[bflag:$0x3] =	sbarrier.arrive $0xFFFF  }
0x424: {  	_ =	shalt  }

</sc_bundles>
